<compile_context>
chip_gen: v7x
topology: tpu7x:2x2x1
jax: 0.10.2.dev20260603
libtpu: 0.0.44.dev20260713+nightly
codegen_flags: <defaults>
</compile_context>

<pallas_src>
import functools

import jax
import jax.numpy as jnp
from jax import lax
from jax.experimental import pallas as pl
from jax.experimental.pallas import tpu as pltpu
from jax.experimental.pallas import tpu_sc as plsc

F32 = jnp.float32
D = 128
NW = 32
L = 16
CHUNK = 128
NP = 10240
DUMMY = 10100


def _sc_mesh():
    return plsc.VectorSubcoreMesh(core_axis_name="c", subcore_axis_name="s",
                                  num_cores=2, num_subcores=16)


def _prep_body(x_ref, wcat_ref, wbp_ref, wc1c_ref, bbp_ref, bc1_ref,
               t1c_ref, t2c_ref, t1n_ref, t2n_ref, wattr_ref, biasc_ref):
    P = jnp.dot(x_ref[...], wcat_ref[...], preferred_element_type=F32)
    t1c_ref[...] = P[:, 0:128]
    t2c_ref[...] = P[:, 128:256]
    t1n_ref[...] = P[:, 256:384]
    t2n_ref[...] = P[:, 384:512]

    @pl.when(pl.program_id(0) == 0)
    def _():
        wattr_ref[...] = jnp.dot(wbp_ref[...], wc1c_ref[...],
                                 preferred_element_type=F32)
        biasc_ref[...] = jnp.dot(bbp_ref[...], wc1c_ref[...],
                                 preferred_element_type=F32) + bc1_ref[...]


def _prep(x, wcat, wbp, wc1c, bbp_row, bc1_row):
    n = x.shape[0]
    rb = 1000
    return pl.pallas_call(
        _prep_body,
        grid=(n // rb,),
        in_specs=[
            pl.BlockSpec((rb, D), lambda i: (i, 0)),
            pl.BlockSpec((D, 512), lambda i: (0, 0)),
            pl.BlockSpec((16, D), lambda i: (0, 0)),
            pl.BlockSpec((D, D), lambda i: (0, 0)),
            pl.BlockSpec((1, D), lambda i: (0, 0)),
            pl.BlockSpec((1, D), lambda i: (0, 0)),
        ],
        out_specs=[
            pl.BlockSpec((rb, D), lambda i: (i, 0)),
            pl.BlockSpec((rb, D), lambda i: (i, 0)),
            pl.BlockSpec((rb, D), lambda i: (i, 0)),
            pl.BlockSpec((rb, D), lambda i: (i, 0)),
            pl.BlockSpec((16, D), lambda i: (0, 0)),
            pl.BlockSpec((1, D), lambda i: (0, 0)),
        ],
        out_shape=[
            jax.ShapeDtypeStruct((n, D), F32),
            jax.ShapeDtypeStruct((n, D), F32),
            jax.ShapeDtypeStruct((n, D), F32),
            jax.ShapeDtypeStruct((n, D), F32),
            jax.ShapeDtypeStruct((16, D), F32),
            jax.ShapeDtypeStruct((1, D), F32),
        ],
    )(x, wcat, wbp, wc1c, bbp_row, bc1_row)


def _gather(t1, t2, colp, rowp, px, py, pz, ep):
    per = ep // NW
    chunks = per // CHUNK
    n = px.shape[0]

    @functools.partial(
        pl.kernel,
        out_type=(jax.ShapeDtypeStruct((ep, D), F32),
                  jax.ShapeDtypeStruct((ep, D), F32),
                  jax.ShapeDtypeStruct((ep,), F32)),
        mesh=_sc_mesh(),
        compiler_params=pltpu.CompilerParams(needs_layout_passes=False),
        scratch_types=[
            pltpu.VMEM((CHUNK,), jnp.int32),
            pltpu.VMEM((CHUNK,), jnp.int32),
            pltpu.VMEM((CHUNK, D), F32),
            pltpu.VMEM((CHUNK, D), F32),
            pltpu.VMEM((n,), F32),
            pltpu.VMEM((n,), F32),
            pltpu.VMEM((n,), F32),
            pltpu.VMEM((CHUNK,), F32),
            pltpu.SemaphoreType.DMA,
            pltpu.SemaphoreType.DMA,
        ],
    )
    def gk(t1_h, t2_h, col_h, row_h, px_h, py_h, pz_h, g1_h, g2_h, d2_h,
           ic_v, ir_v, r1_v, r2_v, px_v, py_v, pz_v, d2_v, s1, s2):
        wid = lax.axis_index("s") * 2 + lax.axis_index("c")
        pltpu.sync_copy(px_h, px_v)
        pltpu.sync_copy(py_h, py_v)
        pltpu.sync_copy(pz_h, pz_v)

        def body(j, carry):
            base = wid * per + j * CHUNK
            i1 = pltpu.async_copy(col_h.at[pl.ds(base, CHUNK)], ic_v, s1)
            i2 = pltpu.async_copy(row_h.at[pl.ds(base, CHUNK)], ir_v, s1)
            i1.wait()
            i2.wait()
            c1 = pltpu.async_copy(t1_h.at[ic_v], r1_v, s1)
            c2 = pltpu.async_copy(t2_h.at[ir_v], r2_v, s2)
            for k in range(CHUNK // L):
                ic = ic_v[pl.ds(k * L, L)]
                ir = ir_v[pl.ds(k * L, L)]
                dx = plsc.load_gather(px_v, [ic]) - plsc.load_gather(px_v, [ir])
                dy = plsc.load_gather(py_v, [ic]) - plsc.load_gather(py_v, [ir])
                dz = plsc.load_gather(pz_v, [ic]) - plsc.load_gather(pz_v, [ir])
                d2_v[pl.ds(k * L, L)] = dx * dx + dy * dy + dz * dz
            c1.wait()
            c2.wait()
            w1 = pltpu.async_copy(r1_v, g1_h.at[pl.ds(base, CHUNK)], s1)
            w2 = pltpu.async_copy(r2_v, g2_h.at[pl.ds(base, CHUNK)], s2)
            w3 = pltpu.async_copy(d2_v, d2_h.at[pl.ds(base, CHUNK)], s1)
            w1.wait()
            w2.wait()
            w3.wait()
            return carry

        lax.fori_loop(0, chunks, body, 0)

    return gk(t1, t2, colp, rowp, px, py, pz)


def _edge_cov_body(g1_ref, g2_ref, d2_ref, at_ref, wd_ref, wa_ref, bias_ref,
                   r_ref):
    d2 = d2_ref[...]
    dist = jnp.sqrt(d2 + 1e-12)
    dp = jnp.clip(dist, 1e-2, 50.0)
    cent = lax.broadcasted_iota(jnp.int32, (1, 64), 1).astype(F32) * (10.0 / 63.0)
    t = dp - cent
    rbf = jnp.exp(-10.0 * t * t)
    h = (g1_ref[...] + g2_ref[...]
         + jnp.dot(rbf, wd_ref[...], preferred_element_type=F32)
         + jnp.dot(at_ref[...], wa_ref[...], preferred_element_type=F32)
         + bias_ref[...])
    r_ref[...] = jnp.maximum(h, 0.0)


def _edge_cov(g1, g2, d2, attr, wd, wattr, biasc, ep):
    eb = 512
    return pl.pallas_call(
        _edge_cov_body,
        grid=(ep // eb,),
        in_specs=[
            pl.BlockSpec((eb, D), lambda i: (i, 0)),
            pl.BlockSpec((eb, D), lambda i: (i, 0)),
            pl.BlockSpec((eb, 1), lambda i: (i, 0)),
            pl.BlockSpec((eb, 16), lambda i: (i, 0)),
            pl.BlockSpec((64, D), lambda i: (0, 0)),
            pl.BlockSpec((16, D), lambda i: (0, 0)),
            pl.BlockSpec((1, D), lambda i: (0, 0)),
        ],
        out_specs=pl.BlockSpec((eb, D), lambda i: (i, 0)),
        out_shape=jax.ShapeDtypeStruct((ep, D), F32),
    )(g1, g2, d2, attr, wd, wattr, biasc)


def _edge_ncov_body(g1_ref, g2_ref, d2_ref, wn_ref, bias_ref, r_ref):
    d2 = d2_ref[...]
    dist = jnp.sqrt(d2 + 1e-12)
    dc = jnp.clip(dist, 1e-2, 50.0)
    dp2 = 1.0 / (dc * dc)
    dp6 = dp2 * dp2 * dp2
    cent = lax.broadcasted_iota(jnp.int32, (1, 64), 1).astype(F32) * (10.0 / 63.0)
    t2 = dp2 - cent
    t6 = dp6 - cent
    rbf = jnp.concatenate([jnp.exp(-10.0 * t2 * t2),
                           jnp.exp(-10.0 * t6 * t6)], axis=1)
    h = (g1_ref[...] + g2_ref[...]
         + jnp.dot(rbf, wn_ref[...], preferred_element_type=F32)
         + bias_ref[...])
    r_ref[...] = jnp.maximum(h, 0.0)


def _edge_ncov(g1, g2, d2, wn, biasn, ep):
    eb = 512
    return pl.pallas_call(
        _edge_ncov_body,
        grid=(ep // eb,),
        in_specs=[
            pl.BlockSpec((eb, D), lambda i: (i, 0)),
            pl.BlockSpec((eb, D), lambda i: (i, 0)),
            pl.BlockSpec((eb, 1), lambda i: (i, 0)),
            pl.BlockSpec((D, D), lambda i: (0, 0)),
            pl.BlockSpec((1, D), lambda i: (0, 0)),
        ],
        out_specs=pl.BlockSpec((eb, D), lambda i: (i, 0)),
        out_shape=jax.ShapeDtypeStruct((ep, D), F32),
    )(g1, g2, d2, wn, biasn)


def _scatter(r, dst, ep):
    per = ep // NW
    chunks = per // CHUNK
    zr = NP // 16

    @functools.partial(
        pl.kernel,
        out_type=(jax.ShapeDtypeStruct((2, NP, D), F32),
                  jax.ShapeDtypeStruct((2, NP), F32)),
        mesh=_sc_mesh(),
        compiler_params=pltpu.CompilerParams(needs_layout_passes=False),
        scratch_types=[
            pltpu.VMEM((CHUNK,), jnp.int32),
            pltpu.VMEM((CHUNK, D), F32),
            pltpu.VMEM((NP,), F32),
            pltpu.VMEM((16, zr), F32),
            pltpu.VMEM((zr,), F32),
            pltpu.VMEM_SHARED((NP, D), F32),
            pltpu.VMEM_SHARED((16, NP), F32),
            pltpu.SemaphoreType.DMA,
            pltpu.SemaphoreType.DMA,
        ],
    )
    def sk(r_h, dst_h, zm_h, m_h, cnt_h,
           idx_v, rows_v, cnt_v, cbuf_v, cz_v, accm, cstage, s1, s2):
        cid = lax.axis_index("c")
        sid = lax.axis_index("s")
        wid = sid * 2 + cid
        pltpu.sync_copy(zm_h, accm.at[pl.ds(sid * zr, zr)])

        def zbody(i, carry):
            cnt_v[pl.ds(i * L, L)] = jnp.zeros((L,), F32)
            return carry

        lax.fori_loop(0, NP // L, zbody, 0)
        plsc.subcore_barrier()

        def body(j, carry):
            base = wid * per + j * CHUNK
            l1 = pltpu.async_copy(dst_h.at[pl.ds(base, CHUNK)], idx_v, s1)
            l2 = pltpu.async_copy(r_h.at[pl.ds(base, CHUNK)], rows_v, s2)
            l1.wait()
            l2.wait()
            pltpu.sync_copy(rows_v, accm.at[idx_v], add=True)
            for k in range(CHUNK // L):
                idx = idx_v[pl.ds(k * L, L)]
                plsc.addupdate_scatter(cnt_v, [idx], jnp.ones((L,), F32))
            return carry

        lax.fori_loop(0, chunks, body, 0)
        pltpu.sync_copy(cnt_v, cstage.at[sid])
        plsc.subcore_barrier()
        pltpu.sync_copy(accm.at[pl.ds(sid * zr, zr)],
                        m_h.at[cid, pl.ds(sid * zr, zr)])
        pltpu.sync_copy(cstage.at[:, pl.ds(sid * zr, zr)], cbuf_v)

        def rbody(g, carry):
            acc = jnp.zeros((L,), F32)
            for rr in range(16):
                acc = acc + cbuf_v[rr, pl.ds(g * L, L)]
            cz_v[pl.ds(g * L, L)] = acc
            return carry

        lax.fori_loop(0, zr // L, rbody, 0)
        pltpu.sync_copy(cz_v, cnt_h.at[cid, pl.ds(sid * zr, zr)])

    zm = jnp.zeros((zr, D), F32)
    return sk(r, dst, zm)


def _final_body(x_ref, mc_ref, cc0_ref, cc1_ref, mn_ref, cn0_ref, cn1_ref,
                wc2_ref, bc2_ref, wn2_ref, bn2_ref,
                wuc_ref, buc_ref, wun_ref, bun_ref, o_ref):
    xb = x_ref[...]
    sc = mc_ref[0] + mc_ref[1]
    cntc = cc0_ref[...] + cc1_ref[...]
    m_cov = (jnp.dot(sc, wc2_ref[...], preferred_element_type=F32)
             + cntc * bc2_ref[...])
    sn = mn_ref[0] + mn_ref[1]
    cntn = cn0_ref[...] + cn1_ref[...]
    m_ncov = (jnp.dot(sn, wn2_ref[...], preferred_element_type=F32)
              + cntn * bn2_ref[...])
    h_cov = jnp.maximum(
        jnp.dot(xb + m_cov, wuc_ref[...], preferred_element_type=F32)
        + buc_ref[...], 0.0)
    h_ncov = jnp.maximum(
        jnp.dot(xb + m_ncov, wun_ref[...], preferred_element_type=F32)
        + bun_ref[...], 0.0)
    o_ref[...] = h_cov + h_ncov


def _final(x, mc, cc0, cc1, mn, cn0, cn1,
           wc2, bc2r, wn2, bn2r, wuc, bucr, wun, bunr):
    n = x.shape[0]
    rb = 1000
    return pl.pallas_call(
        _final_body,
        grid=(n // rb,),
        in_specs=[
            pl.BlockSpec((rb, D), lambda i: (i, 0)),
            pl.BlockSpec((2, rb, D), lambda i: (0, i, 0)),
            pl.BlockSpec((rb, 1), lambda i: (i, 0)),
            pl.BlockSpec((rb, 1), lambda i: (i, 0)),
            pl.BlockSpec((2, rb, D), lambda i: (0, i, 0)),
            pl.BlockSpec((rb, 1), lambda i: (i, 0)),
            pl.BlockSpec((rb, 1), lambda i: (i, 0)),
            pl.BlockSpec((D, D), lambda i: (0, 0)),
            pl.BlockSpec((1, D), lambda i: (0, 0)),
            pl.BlockSpec((D, D), lambda i: (0, 0)),
            pl.BlockSpec((1, D), lambda i: (0, 0)),
            pl.BlockSpec((D, D), lambda i: (0, 0)),
            pl.BlockSpec((1, D), lambda i: (0, 0)),
            pl.BlockSpec((D, D), lambda i: (0, 0)),
            pl.BlockSpec((1, D), lambda i: (0, 0)),
        ],
        out_specs=pl.BlockSpec((rb, D), lambda i: (i, 0)),
        out_shape=jax.ShapeDtypeStruct((n, D), F32),
    )(x, mc, cc0, cc1, mn, cn0, cn1, wc2, bc2r, wn2, bn2r, wuc, bucr, wun, bunr)


def _pad_idx(idx, ep, fill):
    e = idx.shape[0]
    return jnp.concatenate([idx, jnp.full((ep - e,), fill, jnp.int32)])


def kernel(x, pos, edge_index_cov, edge_attr_cov, edge_index_ncov,
           W_bp, b_bp, Wc1, bc1, Wc2, bc2, Wn1, bn1, Wn2, bn2,
           Wuc, buc, Wun, bun):
    ec = edge_index_cov.shape[1]
    en = edge_index_ncov.shape[1]
    epc = -(-ec // (NW * CHUNK)) * (NW * CHUNK)
    epn = -(-en // (NW * CHUNK)) * (NW * CHUNK)

    wcat = jnp.concatenate([Wc1[0:128], Wc1[128:256], Wn1[0:128], Wn1[128:256]],
                           axis=1)
    t1c, t2c, t1n, t2n, wattr, biasc = _prep(
        x, wcat, W_bp, Wc1[256:384], b_bp[None, :], bc1[None, :])

    px, py, pz = pos[:, 0], pos[:, 1], pos[:, 2]
    rowc = _pad_idx(edge_index_cov[0], epc, 0)
    colc = _pad_idx(edge_index_cov[1], epc, 0)
    dstc = _pad_idx(edge_index_cov[1], epc, DUMMY)
    rown = _pad_idx(edge_index_ncov[0], epn, 0)
    coln = _pad_idx(edge_index_ncov[1], epn, 0)
    dstn = _pad_idx(edge_index_ncov[1], epn, DUMMY)
    attrp = jnp.pad(edge_attr_cov, ((0, epc - ec), (0, 0)))

    gc1, gc2, d2c = _gather(t1c, t2c, colc, rowc, px, py, pz, epc)
    gn1, gn2, d2n = _gather(t1n, t2n, coln, rown, px, py, pz, epn)

    rc = _edge_cov(gc1, gc2, d2c[:, None], attrp, Wc1[384:448], wattr, biasc,
                   epc)
    rn = _edge_ncov(gn1, gn2, d2n[:, None], Wn1[256:384], bn1[None, :], epn)

    mc, cc = _scatter(rc, dstc, epc)
    mn, cn = _scatter(rn, dstn, epn)

    out = _final(x, mc, cc[0][:, None], cc[1][:, None],
                 mn, cn[0][:, None], cn[1][:, None],
                 Wc2, bc2[None, :], Wn2, bn2[None, :],
                 Wuc, buc[None, :], Wun, bun[None, :])
    return out

# --- scband reference (transcript-rebuilt; emitter-appended) ---
"""Pipeline reference for scband-dtignlayer-66228395704754 (READ-ONLY COPY).

The authoritative reference and input builder live on the scoring server;
editing this copy changes nothing except your own understanding.
"""

import jax, jax.numpy as jnp
import numpy as np

N, D, BOND, RBF = 10000, 128, 16, 64
EC, EN = 160000, 320000


def _safe_dist(a, b):
    d2 = jnp.sum((a - b) ** 2, axis=1)
    return jnp.sqrt(d2 + 1e-12)


def _rbf_embed(d, power):
    centers = jnp.linspace(0.0, 10.0, RBF, dtype=jnp.float32)
    dp = jnp.power(jnp.clip(d, 1e-2, 50.0), power)
    return jnp.exp(-10.0 * (dp[:, None] - centers[None, :]) ** 2)


def _mlp2(h, W1, b1, W2, b2):
    return jax.nn.relu(h @ W1 + b1) @ W2 + b2


def _lin_init(k, fi, fo):
    k1, k2 = jax.random.split(k)
    s = 1.0 / np.sqrt(fi)
    W = jax.random.uniform(k1, (fi, fo), jnp.float32, -s, s)
    b = jax.random.uniform(k2, (fo,), jnp.float32, -s, s)
    return W, b


def setup_inputs(seed: int = 0):
    key = jax.random.key(seed)
    ks = jax.random.split(key, 16)
    W_bp, b_bp = _lin_init(ks[5], BOND, D)
    Wc1, bc1 = _lin_init(ks[6], 3 * D + RBF, D)
    Wc2, bc2 = _lin_init(ks[7], D, D)
    Wn1, bn1 = _lin_init(ks[8], 2 * D + 2 * RBF, D)
    Wn2, bn2 = _lin_init(ks[9], D, D)
    Wuc, buc = _lin_init(ks[10], D, D)
    Wun, bun = _lin_init(ks[11], D, D)
    return {
        "x": jax.random.normal(ks[0], (N, D), jnp.float32),
        "pos": jax.random.normal(ks[1], (N, 3), jnp.float32),
        "edge_index_cov": jax.random.randint(ks[2], (2, EC), 0, N, jnp.int32),
        "edge_attr_cov": jax.random.normal(ks[3], (EC, BOND), jnp.float32),
        "edge_index_ncov": jax.random.randint(ks[4], (2, EN), 0, N, jnp.int32),
        "W_bp": W_bp, "b_bp": b_bp,
        "Wc1": Wc1, "bc1": bc1, "Wc2": Wc2, "bc2": bc2,
        "Wn1": Wn1, "bn1": bn1, "Wn2": Wn2, "bn2": bn2,
        "Wuc": Wuc, "buc": buc, "Wun": Wun, "bun": bun,
    }


def reference(x, pos, edge_index_cov, edge_attr_cov, edge_index_ncov,
              W_bp, b_bp, Wc1, bc1, Wc2, bc2, Wn1, bn1, Wn2, bn2,
              Wuc, buc, Wun, bun):
    n = x.shape[0]
    # covalent branch
    row_c, col_c = edge_index_cov[0], edge_index_cov[1]
    dist_c = _safe_dist(pos[row_c], pos[col_c])
    rbf_c = _rbf_embed(dist_c, 1)
    bond_feat = edge_attr_cov @ W_bp + b_bp
    edge_feat_c = jnp.concatenate([bond_feat, rbf_c], axis=-1)
    # PyG MessagePassing: x_i = x[target]=x[edge_index[1]], x_j = x[source]=x[edge_index[0]]
    msg_c = _mlp2(jnp.concatenate([x[col_c], x[row_c], edge_feat_c], axis=-1), Wc1, bc1, Wc2, bc2)
    m_cov = jax.ops.segment_sum(msg_c, col_c, num_segments=n)
    # non-covalent branch
    row_n, col_n = edge_index_ncov[0], edge_index_ncov[1]
    dist_n = _safe_dist(pos[row_n], pos[col_n])
    rbf_n = jnp.concatenate([_rbf_embed(dist_n, -2), _rbf_embed(dist_n, -6)], axis=-1)
    msg_n = _mlp2(jnp.concatenate([x[col_n], x[row_n], rbf_n], axis=-1), Wn1, bn1, Wn2, bn2)
    m_ncov = jax.ops.segment_sum(msg_n, col_n, num_segments=n)
    h_cov = jax.nn.relu((x + m_cov) @ Wuc + buc)
    h_ncov = jax.nn.relu((x + m_ncov) @ Wun + bun)
    return h_cov + h_ncov

if __name__ == "__main__":
    import jax
    _d = setup_inputs()
    print(jax.jit(kernel)(*tuple(_d.values())))

</pallas_src>

<mosaic_0001>
#map = affine_map<(d0, d1) -> (0, 0)>
#map1 = affine_map<(d0, d1) -> (0)>
module attributes {stable_mosaic.version = 14 : i64} {
  func.func @gk(%arg0: i32, %arg1: i32, %arg2: memref<10000x128xf32, #tpu.memory_space<hbm>>, %arg3: memref<10000x128xf32, #tpu.memory_space<hbm>>, %arg4: memref<323584xi32, #tpu.memory_space<hbm>>, %arg5: memref<323584xi32, #tpu.memory_space<hbm>>, %arg6: memref<10000xf32, #tpu.memory_space<hbm>>, %arg7: memref<10000xf32, #tpu.memory_space<hbm>>, %arg8: memref<10000xf32, #tpu.memory_space<hbm>>, %arg9: memref<323584x128xf32, #tpu.memory_space<hbm>>, %arg10: memref<323584x128xf32, #tpu.memory_space<hbm>>, %arg11: memref<323584xf32, #tpu.memory_space<hbm>>, %arg12: memref<128xi32, #tpu.memory_space<vmem>>, %arg13: memref<128xi32, #tpu.memory_space<vmem>>, %arg14: memref<128x128xf32, #tpu.memory_space<vmem>>, %arg15: memref<128x128xf32, #tpu.memory_space<vmem>>, %arg16: memref<10000xf32, #tpu.memory_space<vmem>>, %arg17: memref<10000xf32, #tpu.memory_space<vmem>>, %arg18: memref<10000xf32, #tpu.memory_space<vmem>>, %arg19: memref<128xf32, #tpu.memory_space<vmem>>, %arg20: memref<!tpu.dma_semaphore, #tpu.memory_space<semaphore_mem>>, %arg21: memref<!tpu.dma_semaphore, #tpu.memory_space<semaphore_mem>>) attributes {dimension_semantics = [#tpu.dimension_semantics<core_parallel>, #tpu.dimension_semantics<subcore_parallel>], iteration_bounds = array<i64: 2, 16>, scalar_prefetch = 0 : i64, scratch_operands = 10 : i64, tpu.core_type = #tpu.core_type<sc_vector_subcore>, window_params = [{transform_indices = #map}, {transform_indices = #map}, {transform_indices = #map1}, {transform_indices = #map1}, {transform_indices = #map1}, {transform_indices = #map1}, {transform_indices = #map1}, {transform_indices = #map}, {transform_indices = #map}, {transform_indices = #map1}]} {
    %mul3A = arith.constant 2 : i32
    %mul3A_0 = arith.muli %arg1, %mul3A : i32
    %add3A = arith.addi %mul3A_0, %arg0 : i32
    "tpu.region"() ({
      %run_scoped3A = tpu.sem_alloc : memref<!tpu.dma_semaphore, #tpu.memory_space<semaphore_mem>>
      tpu.enqueue_dma source(%arg6 : memref<10000xf32, #tpu.memory_space<hbm>>) target(%arg16 : memref<10000xf32, #tpu.memory_space<vmem>>) target_semaphore(%run_scoped3A : memref<!tpu.dma_semaphore, #tpu.memory_space<semaphore_mem>>)
      tpu.wait_dma2 semaphore(%run_scoped3A : memref<!tpu.dma_semaphore, #tpu.memory_space<semaphore_mem>>) src(%arg6 : memref<10000xf32, #tpu.memory_space<hbm>>) dst(%arg16 : memref<10000xf32, #tpu.memory_space<vmem>>)
      tpu.yield
    }) : () -> ()
    "tpu.region"() ({
      %run_scoped3A = tpu.sem_alloc : memref<!tpu.dma_semaphore, #tpu.memory_space<semaphore_mem>>
      tpu.enqueue_dma source(%arg7 : memref<10000xf32, #tpu.memory_space<hbm>>) target(%arg17 : memref<10000xf32, #tpu.memory_space<vmem>>) target_semaphore(%run_scoped3A : memref<!tpu.dma_semaphore, #tpu.memory_space<semaphore_mem>>)
      tpu.wait_dma2 semaphore(%run_scoped3A : memref<!tpu.dma_semaphore, #tpu.memory_space<semaphore_mem>>) src(%arg7 : memref<10000xf32, #tpu.memory_space<hbm>>) dst(%arg17 : memref<10000xf32, #tpu.memory_space<vmem>>)
      tpu.yield
    }) : () -> ()
    "tpu.region"() ({
      %run_scoped3A = tpu.sem_alloc : memref<!tpu.dma_semaphore, #tpu.memory_space<semaphore_mem>>
      tpu.enqueue_dma source(%arg8 : memref<10000xf32, #tpu.memory_space<hbm>>) target(%arg18 : memref<10000xf32, #tpu.memory_space<vmem>>) target_semaphore(%run_scoped3A : memref<!tpu.dma_semaphore, #tpu.memory_space<semaphore_mem>>)
      tpu.wait_dma2 semaphore(%run_scoped3A : memref<!tpu.dma_semaphore, #tpu.memory_space<semaphore_mem>>) src(%arg8 : memref<10000xf32, #tpu.memory_space<hbm>>) dst(%arg18 : memref<10000xf32, #tpu.memory_space<vmem>>)
      tpu.yield
    }) : () -> ()
    %scan3A = arith.constant 0 : i32
    %scan3A_1 = arith.constant 0 : i32
    %scan3A_2 = arith.constant 79 : i32
    %scan3A_3 = arith.addi %scan3A_1, %scan3A_2 : i32
    %scan3A_4 = arith.constant 1 : i32
    scf.for %scan3A_6 = %scan3A_1 to %scan3A_3 step %scan3A_4  : i32 {
      %mul3A_7 = arith.constant 10112 : i32
      %mul3A_8 = arith.muli %add3A, %mul3A_7 : i32
      %mul3A_9 = arith.constant 128 : i32
      %mul3A_10 = arith.muli %scan3A_6, %mul3A_9 : i32
      %add3A_11 = arith.addi %mul3A_8, %mul3A_10 : i32
      %dma_start3A = tpu.memref_slice %arg4[%add3A_11] : memref<323584xi32, #tpu.memory_space<hbm>> -> memref<128xi32, #tpu.memory_space<hbm>>
      %dma_start3A_12 = tpu.memref_slice %arg4[%add3A_11] : memref<323584xi32, #tpu.memory_space<hbm>> -> memref<128xi32, #tpu.memory_space<hbm>>
      tpu.enqueue_dma source(%dma_start3A_12 : memref<128xi32, #tpu.memory_space<hbm>>) target(%arg12 : memref<128xi32, #tpu.memory_space<vmem>>) target_semaphore(%arg20 : memref<!tpu.dma_semaphore, #tpu.memory_space<semaphore_mem>>)
      %dma_start3A_13 = tpu.memref_slice %arg5[%add3A_11] : memref<323584xi32, #tpu.memory_space<hbm>> -> memref<128xi32, #tpu.memory_space<hbm>>
      %dma_start3A_14 = tpu.memref_slice %arg5[%add3A_11] : memref<323584xi32, #tpu.memory_space<hbm>> -> memref<128xi32, #tpu.memory_space<hbm>>
      tpu.enqueue_dma source(%dma_start3A_14 : memref<128xi32, #tpu.memory_space<hbm>>) target(%arg13 : memref<128xi32, #tpu.memory_space<vmem>>) target_semaphore(%arg20 : memref<!tpu.dma_semaphore, #tpu.memory_space<semaphore_mem>>)
      %dma_wait3A = tpu.memref_slice %arg4[%add3A_11] : memref<323584xi32, #tpu.memory_space<hbm>> -> memref<128xi32, #tpu.memory_space<hbm>>
      %dma_wait3A_15 = tpu.memref_slice %arg4[%add3A_11] : memref<323584xi32, #tpu.memory_space<hbm>> -> memref<128xi32, #tpu.memory_space<hbm>>
      tpu.wait_dma2 semaphore(%arg20 : memref<!tpu.dma_semaphore, #tpu.memory_space<semaphore_mem>>) src(%dma_wait3A_15 : memref<128xi32, #tpu.memory_space<hbm>>) dst(%arg12 : memref<128xi32, #tpu.memory_space<vmem>>)
      %dma_wait3A_16 = tpu.memref_slice %arg5[%add3A_11] : memref<323584xi32, #tpu.memory_space<hbm>> -> memref<128xi32, #tpu.memory_space<hbm>>
      %dma_wait3A_17 = tpu.memref_slice %arg5[%add3A_11] : memref<323584xi32, #tpu.memory_space<hbm>> -> memref<128xi32, #tpu.memory_space<hbm>>
      tpu.wait_dma2 semaphore(%arg20 : memref<!tpu.dma_semaphore, #tpu.memory_space<semaphore_mem>>) src(%dma_wait3A_17 : memref<128xi32, #tpu.memory_space<hbm>>) dst(%arg13 : memref<128xi32, #tpu.memory_space<vmem>>)
      %dma_start3A_18 = arith.constant 0 : i32
      %dma_start3A_19 = arith.constant 0 : i32
      %dma_start3A_20 = tpu.memref_slice %arg2[%dma_start3A_18, %dma_start3A_19] : memref<10000x128xf32, #tpu.memory_space<hbm>> -> memref<10000x128xf32, #tpu.memory_space<hbm>>
      tpu.enqueue_indirect_dma source(%dma_start3A_20 : memref<10000x128xf32, #tpu.memory_space<hbm>>) target(%arg14 : memref<128x128xf32, #tpu.memory_space<vmem>>) offsets(%arg12 : memref<128xi32, #tpu.memory_space<vmem>>) semaphore(%arg20 : memref<!tpu.dma_semaphore, #tpu.memory_space<semaphore_mem>>)
      %dma_start3A_21 = arith.constant 0 : i32
      %dma_start3A_22 = arith.constant 0 : i32
      %dma_start3A_23 = tpu.memref_slice %arg3[%dma_start3A_21, %dma_start3A_22] : memref<10000x128xf32, #tpu.memory_space<hbm>> -> memref<10000x128xf32, #tpu.memory_space<hbm>>
      tpu.enqueue_indirect_dma source(%dma_start3A_23 : memref<10000x128xf32, #tpu.memory_space<hbm>>) target(%arg15 : memref<128x128xf32, #tpu.memory_space<vmem>>) offsets(%arg13 : memref<128xi32, #tpu.memory_space<vmem>>) semaphore(%arg21 : memref<!tpu.dma_semaphore, #tpu.memory_space<semaphore_mem>>)
      %get3A = arith.constant 0 : index
      %get3A_24 = tpu.vector_load %arg12[%get3A] {strides = array<i32>} : memref<128xi32, #tpu.memory_space<vmem>>, vector<16xi32>,
      %get3A_25 = arith.constant 0 : index
      %get3A_26 = tpu.vector_load %arg13[%get3A_25] {strides = array<i32>} : memref<128xi32, #tpu.memory_space<vmem>>, vector<16xi32>,
      %gather3A = tpu.vector_load_idx %arg16[%get3A_24] : memref<10000xf32, #tpu.memory_space<vmem>>[vector<16xi32>], vector<16xf32>,
      %gather3A_27 = tpu.vector_load_idx %arg16[%get3A_26] : memref<10000xf32, #tpu.memory_space<vmem>>[vector<16xi32>], vector<16xf32>,
      %sub3A = arith.subf %gather3A, %gather3A_27 : vector<16xf32>
      %gather3A_28 = tpu.vector_load_idx %arg17[%get3A_24] : memref<10000xf32, #tpu.memory_space<vmem>>[vector<16xi32>], vector<16xf32>,
      %gather3A_29 = tpu.vector_load_idx %arg17[%get3A_26] : memref<10000xf32, #tpu.memory_space<vmem>>[vector<16xi32>], vector<16xf32>,
      %sub3A_30 = arith.subf %gather3A_28, %gather3A_29 : vector<16xf32>
      %gather3A_31 = tpu.vector_load_idx %arg18[%get3A_24] : memref<10000xf32, #tpu.memory_space<vmem>>[vector<16xi32>], vector<16xf32>,
      %gather3A_32 = tpu.vector_load_idx %arg18[%get3A_26] : memref<10000xf32, #tpu.memory_space<vmem>>[vector<16xi32>], vector<16xf32>,
      %sub3A_33 = arith.subf %gather3A_31, %gather3A_32 : vector<16xf32>
      %mul3A_34 = arith.mulf %sub3A, %sub3A : vector<16xf32>
      %mul3A_35 = arith.mulf %sub3A_30, %sub3A_30 : vector<16xf32>
      %add3A_36 = arith.addf %mul3A_34, %mul3A_35 : vector<16xf32>
      %mul3A_37 = arith.mulf %sub3A_33, %sub3A_33 : vector<16xf32>
      %add3A_38 = arith.addf %add3A_36, %mul3A_37 : vector<16xf32>
      %swap3A = arith.constant 0 : index
      %swap3A_39 = tpu.vector_load %arg19[%swap3A] {strides = array<i32>} : memref<128xf32, #tpu.memory_space<vmem>>, vector<16xf32>,
      tpu.vector_store %arg19[%swap3A], %add3A_38 {strides = array<i32>} : memref<128xf32, #tpu.memory_space<vmem>>, vector<16xf32>,
      %get3A_40 = arith.constant 16 : index
      %get3A_41 = tpu.vector_load %arg12[%get3A_40] {strides = array<i32>} : memref<128xi32, #tpu.memory_space<vmem>>, vector<16xi32>,
      %get3A_42 = arith.constant 16 : index
      %get3A_43 = tpu.vector_load %arg13[%get3A_42] {strides = array<i32>} : memref<128xi32, #tpu.memory_space<vmem>>, vector<16xi32>,
      %gather3A_44 = tpu.vector_load_idx %arg16[%get3A_41] : memref<10000xf32, #tpu.memory_space<vmem>>[vector<16xi32>], vector<16xf32>,
      %gather3A_45 = tpu.vector_load_idx %arg16[%get3A_43] : memref<10000xf32, #tpu.memory_space<vmem>>[vector<16xi32>], vector<16xf32>,
      %sub3A_46 = arith.subf %gather3A_44, %gather3A_45 : vector<16xf32>
      %gather3A_47 = tpu.vector_load_idx %arg17[%get3A_41] : memref<10000xf32, #tpu.memory_space<vmem>>[vector<16xi32>], vector<16xf32>,
      %gather3A_48 = tpu.vector_load_idx %arg17[%get3A_43] : memref<10000xf32, #tpu.memory_space<vmem>>[vector<16xi32>], vector<16xf32>,
      %sub3A_49 = arith.subf %gather3A_47, %gather3A_48 : vector<16xf32>
      %gather3A_50 = tpu.vector_load_idx %arg18[%get3A_41] : memref<10000xf32, #tpu.memory_space<vmem>>[vector<16xi32>], vector<16xf32>,
      %gather3A_51 = tpu.vector_load_idx %arg18[%get3A_43] : memref<10000xf32, #tpu.memory_space<vmem>>[vector<16xi32>], vector<16xf32>,
      %sub3A_52 = arith.subf %gather3A_50, %gather3A_51 : vector<16xf32>
      %mul3A_53 = arith.mulf %sub3A_46, %sub3A_46 : vector<16xf32>
      %mul3A_54 = arith.mulf %sub3A_49, %sub3A_49 : vector<16xf32>
      %add3A_55 = arith.addf %mul3A_53, %mul3A_54 : vector<16xf32>
      %mul3A_56 = arith.mulf %sub3A_52, %sub3A_52 : vector<16xf32>
      %add3A_57 = arith.addf %add3A_55, %mul3A_56 : vector<16xf32>
      %swap3A_58 = arith.constant 16 : index
      %swap3A_59 = tpu.vector_load %arg19[%swap3A_58] {strides = array<i32>} : memref<128xf32, #tpu.memory_space<vmem>>, vector<16xf32>,
      tpu.vector_store %arg19[%swap3A_58], %add3A_57 {strides = array<i32>} : memref<128xf32, #tpu.memory_space<vmem>>, vector<16xf32>,
      %get3A_60 = arith.constant 32 : index
      %get3A_61 = tpu.vector_load %arg12[%get3A_60] {strides = array<i32>} : memref<128xi32, #tpu.memory_space<vmem>>, vector<16xi32>,
      %get3A_62 = arith.constant 32 : index
      %get3A_63 = tpu.vector_load %arg13[%get3A_62] {strides = array<i32>} : memref<128xi32, #tpu.memory_space<vmem>>, vector<16xi32>,
      %gather3A_64 = tpu.vector_load_idx %arg16[%get3A_61] : memref<10000xf32, #tpu.memory_space<vmem>>[vector<16xi32>], vector<16xf32>,
      %gather3A_65 = tpu.vector_load_idx %arg16[%get3A_63] : memref<10000xf32, #tpu.memory_space<vmem>>[vector<16xi32>], vector<16xf32>,
      %sub3A_66 = arith.subf %gather3A_64, %gather3A_65 : vector<16xf32>
      %gather3A_67 = tpu.vector_load_idx %arg17[%get3A_61] : memref<10000xf32, #tpu.memory_space<vmem>>[vector<16xi32>], vector<16xf32>,
      %gather3A_68 = tpu.vector_load_idx %arg17[%get3A_63] : memref<10000xf32, #tpu.memory_space<vmem>>[vector<16xi32>], vector<16xf32>,
      %sub3A_69 = arith.subf %gather3A_67, %gather3A_68 : vector<16xf32>
      %gather3A_70 = tpu.vector_load_idx %arg18[%get3A_61] : memref<10000xf32, #tpu.memory_space<vmem>>[vector<16xi32>], vector<16xf32>,
      %gather3A_71 = tpu.vector_load_idx %arg18[%get3A_63] : memref<10000xf32, #tpu.memory_space<vmem>>[vector<16xi32>], vector<16xf32>,
      %sub3A_72 = arith.subf %gather3A_70, %gather3A_71 : vector<16xf32>
      %mul3A_73 = arith.mulf %sub3A_66, %sub3A_66 : vector<16xf32>
      %mul3A_74 = arith.mulf %sub3A_69, %sub3A_69 : vector<16xf32>
      %add3A_75 = arith.addf %mul3A_73, %mul3A_74 : vector<16xf32>
      %mul3A_76 = arith.mulf %sub3A_72, %sub3A_72 : vector<16xf32>
      %add3A_77 = arith.addf %add3A_75, %mul3A_76 : vector<16xf32>
      %swap3A_78 = arith.constant 32 : index
      %swap3A_79 = tpu.vector_load %arg19[%swap3A_78] {strides = array<i32>} : memref<128xf32, #tpu.memory_space<vmem>>, vector<16xf32>,
      tpu.vector_store %arg19[%swap3A_78], %add3A_77 {strides = array<i32>} : memref<128xf32, #tpu.memory_space<vmem>>, vector<16xf32>,
      %get3A_80 = arith.constant 48 : index
      %get3A_81 = tpu.vector_load %arg12[%get3A_80] {strides = array<i32>} : memref<128xi32, #tpu.memory_space<vmem>>, vector<16xi32>,
      %get3A_82 = arith.constant 48 : index
      %get3A_83 = tpu.vector_load %arg13[%get3A_82] {strides = array<i32>} : memref<128xi32, #tpu.memory_space<vmem>>, vector<16xi32>,
      %gather3A_84 = tpu.vector_load_idx %arg16[%get3A_81] : memref<10000xf32, #tpu.memory_space<vmem>>[vector<16xi32>], vector<16xf32>,
      %gather3A_85 = tpu.vector_load_idx %arg16[%get3A_83] : memref<10000xf32, #tpu.memory_space<vmem>>[vector<16xi32>], vector<16xf32>,
      %sub3A_86 = arith.subf %gather3A_84, %gather3A_85 : vector<16xf32>
      %gather3A_87 = tpu.vector_load_idx %arg17[%get3A_81] : memref<10000xf32, #tpu.memory_space<vmem>>[vector<16xi32>], vector<16xf32>,
      %gather3A_88 = tpu.vector_load_idx %arg17[%get3A_83] : memref<10000xf32, #tpu.memory_space<vmem>>[vector<16xi32>], vector<16xf32>,
      %sub3A_89 = arith.subf %gather3A_87, %gather3A_88 : vector<16xf32>
      %gather3A_90 = tpu.vector_load_idx %arg18[%get3A_81] : memref<10000xf32, #tpu.memory_space<vmem>>[vector<16xi32>], vector<16xf32>,
      %gather3A_91 = tpu.vector_load_idx %arg18[%get3A_83] : memref<10000xf32, #tpu.memory_space<vmem>>[vector<16xi32>], vector<16xf32>,
      %sub3A_92 = arith.subf %gather3A_90, %gather3A_91 : vector<16xf32>
      %mul3A_93 = arith.mulf %sub3A_86, %sub3A_86 : vector<16xf32>
      %mul3A_94 = arith.mulf %sub3A_89, %sub3A_89 : vector<16xf32>
      %add3A_95 = arith.addf %mul3A_93, %mul3A_94 : vector<16xf32>
      %mul3A_96 = arith.mulf %sub3A_92, %sub3A_92 : vector<16xf32>
      %add3A_97 = arith.addf %add3A_95, %mul3A_96 : vector<16xf32>
      %swap3A_98 = arith.constant 48 : index
      %swap3A_99 = tpu.vector_load %arg19[%swap3A_98] {strides = array<i32>} : memref<128xf32, #tpu.memory_space<vmem>>, vector<16xf32>,
      tpu.vector_store %arg19[%swap3A_98], %add3A_97 {strides = array<i32>} : memref<128xf32, #tpu.memory_space<vmem>>, vector<16xf32>,
      %get3A_100 = arith.constant 64 : index
      %get3A_101 = tpu.vector_load %arg12[%get3A_100] {strides = array<i32>} : memref<128xi32, #tpu.memory_space<vmem>>, vector<16xi32>,
      %get3A_102 = arith.constant 64 : index
      %get3A_103 = tpu.vector_load %arg13[%get3A_102] {strides = array<i32>} : memref<128xi32, #tpu.memory_space<vmem>>, vector<16xi32>,
      %gather3A_104 = tpu.vector_load_idx %arg16[%get3A_101] : memref<10000xf32, #tpu.memory_space<vmem>>[vector<16xi32>], vector<16xf32>,
      %gather3A_105 = tpu.vector_load_idx %arg16[%get3A_103] : memref<10000xf32, #tpu.memory_space<vmem>>[vector<16xi32>], vector<16xf32>,
      %sub3A_106 = arith.subf %gather3A_104, %gather3A_105 : vector<16xf32>
      %gather3A_107 = tpu.vector_load_idx %arg17[%get3A_101] : memref<10000xf32, #tpu.memory_space<vmem>>[vector<16xi32>], vector<16xf32>,
      %gather3A_108 = tpu.vector_load_idx %arg17[%get3A_103] : memref<10000xf32, #tpu.memory_space<vmem>>[vector<16xi32>], vector<16xf32>,
      %sub3A_109 = arith.subf %gather3A_107, %gather3A_108 : vector<16xf32>
      %gather3A_110 = tpu.vector_load_idx %arg18[%get3A_101] : memref<10000xf32, #tpu.memory_space<vmem>>[vector<16xi32>], vector<16xf32>,
      %gather3A_111 = tpu.vector_load_idx %arg18[%get3A_103] : memref<10000xf32, #tpu.memory_space<vmem>>[vector<16xi32>], vector<16xf32>,
      %sub3A_112 = arith.subf %gather3A_110, %gather3A_111 : vector<16xf32>
      %mul3A_113 = arith.mulf %sub3A_106, %sub3A_106 : vector<16xf32>
      %mul3A_114 = arith.mulf %sub3A_109, %sub3A_109 : vector<16xf32>
      %add3A_115 = arith.addf %mul3A_113, %mul3A_114 : vector<16xf32>
      %mul3A_116 = arith.mulf %sub3A_112, %sub3A_112 : vector<16xf32>
      %add3A_117 = arith.addf %add3A_115, %mul3A_116 : vector<16xf32>
      %swap3A_118 = arith.constant 64 : index
      %swap3A_119 = tpu.vector_load %arg19[%swap3A_118] {strides = array<i32>} : memref<128xf32, #tpu.memory_space<vmem>>, vector<16xf32>,
      tpu.vector_store %arg19[%swap3A_118], %add3A_117 {strides = array<i32>} : memref<128xf32, #tpu.memory_space<vmem>>, vector<16xf32>,
      %get3A_120 = arith.constant 80 : index
      %get3A_121 = tpu.vector_load %arg12[%get3A_120] {strides = array<i32>} : memref<128xi32, #tpu.memory_space<vmem>>, vector<16xi32>,
      %get3A_122 = arith.constant 80 : index
      %get3A_123 = tpu.vector_load %arg13[%get3A_122] {strides = array<i32>} : memref<128xi32, #tpu.memory_space<vmem>>, vector<16xi32>,
      %gather3A_124 = tpu.vector_load_idx %arg16[%get3A_121] : memref<10000xf32, #tpu.memory_space<vmem>>[vector<16xi32>], vector<16xf32>,
      %gather3A_125 = tpu.vector_load_idx %arg16[%get3A_123] : memref<10000xf32, #tpu.memory_space<vmem>>[vector<16xi32>], vector<16xf32>,
      %sub3A_126 = arith.subf %gather3A_124, %gather3A_125 : vector<16xf32>
      %gather3A_127 = tpu.vector_load_idx %arg17[%get3A_121] : memref<10000xf32, #tpu.memory_space<vmem>>[vector<16xi32>], vector<16xf32>,
      %gather3A_128 = tpu.vector_load_idx %arg17[%get3A_123] : memref<10000xf32, #tpu.memory_space<vmem>>[vector<16xi32>], vector<16xf32>,
      %sub3A_129 = arith.subf %gather3A_127, %gather3A_128 : vector<16xf32>
      %gather3A_130 = tpu.vector_load_idx %arg18[%get3A_121] : memref<10000xf32, #tpu.memory_space<vmem>>[vector<16xi32>], vector<16xf32>,
      %gather3A_131 = tpu.vector_load_idx %arg18[%get3A_123] : memref<10000xf32, #tpu.memory_space<vmem>>[vector<16xi32>], vector<16xf32>,
      %sub3A_132 = arith.subf %gather3A_130, %gather3A_131 : vector<16xf32>
      %mul3A_133 = arith.mulf %sub3A_126, %sub3A_126 : vector<16xf32>
      %mul3A_134 = arith.mulf %sub3A_129, %sub3A_129 : vector<16xf32>
      %add3A_135 = arith.addf %mul3A_133, %mul3A_134 : vector<16xf32>
      %mul3A_136 = arith.mulf %sub3A_132, %sub3A_132 : vector<16xf32>
      %add3A_137 = arith.addf %add3A_135, %mul3A_136 : vector<16xf32>
      %swap3A_138 = arith.constant 80 : index
      %swap3A_139 = tpu.vector_load %arg19[%swap3A_138] {strides = array<i32>} : memref<128xf32, #tpu.memory_space<vmem>>, vector<16xf32>,
      tpu.vector_store %arg19[%swap3A_138], %add3A_137 {strides = array<i32>} : memref<128xf32, #tpu.memory_space<vmem>>, vector<16xf32>,
      %get3A_140 = arith.constant 96 : index
      %get3A_141 = tpu.vector_load %arg12[%get3A_140] {strides = array<i32>} : memref<128xi32, #tpu.memory_space<vmem>>, vector<16xi32>,
      %get3A_142 = arith.constant 96 : index
      %get3A_143 = tpu.vector_load %arg13[%get3A_142] {strides = array<i32>} : memref<128xi32, #tpu.memory_space<vmem>>, vector<16xi32>,
      %gather3A_144 = tpu.vector_load_idx %arg16[%get3A_141] : memref<10000xf32, #tpu.memory_space<vmem>>[vector<16xi32>], vector<16xf32>,
      %gather3A_145 = tpu.vector_load_idx %arg16[%get3A_143] : memref<10000xf32, #tpu.memory_space<vmem>>[vector<16xi32>], vector<16xf32>,
      %sub3A_146 = arith.subf %gather3A_144, %gather3A_145 : vector<16xf32>
      %gather3A_147 = tpu.vector_load_idx %arg17[%get3A_141] : memref<10000xf32, #tpu.memory_space<vmem>>[vector<16xi32>], vector<16xf32>,
      %gather3A_148 = tpu.vector_load_idx %arg17[%get3A_143] : memref<10000xf32, #tpu.memory_space<vmem>>[vector<16xi32>], vector<16xf32>,
      %sub3A_149 = arith.subf %gather3A_147, %gather3A_148 : vector<16xf32>
      %gather3A_150 = tpu.vector_load_idx %arg18[%get3A_141] : memref<10000xf32, #tpu.memory_space<vmem>>[vector<16xi32>], vector<16xf32>,
      %gather3A_151 = tpu.vector_load_idx %arg18[%get3A_143] : memref<10000xf32, #tpu.memory_space<vmem>>[vector<16xi32>], vector<16xf32>,
      %sub3A_152 = arith.subf %gather3A_150, %gather3A_151 : vector<16xf32>
      %mul3A_153 = arith.mulf %sub3A_146, %sub3A_146 : vector<16xf32>
      %mul3A_154 = arith.mulf %sub3A_149, %sub3A_149 : vector<16xf32>
      %add3A_155 = arith.addf %mul3A_153, %mul3A_154 : vector<16xf32>
      %mul3A_156 = arith.mulf %sub3A_152, %sub3A_152 : vector<16xf32>
      %add3A_157 = arith.addf %add3A_155, %mul3A_156 : vector<16xf32>
      %swap3A_158 = arith.constant 96 : index
      %swap3A_159 = tpu.vector_load %arg19[%swap3A_158] {strides = array<i32>} : memref<128xf32, #tpu.memory_space<vmem>>, vector<16xf32>,
      tpu.vector_store %arg19[%swap3A_158], %add3A_157 {strides = array<i32>} : memref<128xf32, #tpu.memory_space<vmem>>, vector<16xf32>,
      %get3A_160 = arith.constant 112 : index
      %get3A_161 = tpu.vector_load %arg12[%get3A_160] {strides = array<i32>} : memref<128xi32, #tpu.memory_space<vmem>>, vector<16xi32>,
      %get3A_162 = arith.constant 112 : index
      %get3A_163 = tpu.vector_load %arg13[%get3A_162] {strides = array<i32>} : memref<128xi32, #tpu.memory_space<vmem>>, vector<16xi32>,
      %gather3A_164 = tpu.vector_load_idx %arg16[%get3A_161] : memref<10000xf32, #tpu.memory_space<vmem>>[vector<16xi32>], vector<16xf32>,
      %gather3A_165 = tpu.vector_load_idx %arg16[%get3A_163] : memref<10000xf32, #tpu.memory_space<vmem>>[vector<16xi32>], vector<16xf32>,
      %sub3A_166 = arith.subf %gather3A_164, %gather3A_165 : vector<16xf32>
      %gather3A_167 = tpu.vector_load_idx %arg17[%get3A_161] : memref<10000xf32, #tpu.memory_space<vmem>>[vector<16xi32>], vector<16xf32>,
      %gather3A_168 = tpu.vector_load_idx %arg17[%get3A_163] : memref<10000xf32, #tpu.memory_space<vmem>>[vector<16xi32>], vector<16xf32>,
      %sub3A_169 = arith.subf %gather3A_167, %gather3A_168 : vector<16xf32>
      %gather3A_170 = tpu.vector_load_idx %arg18[%get3A_161] : memref<10000xf32, #tpu.memory_space<vmem>>[vector<16xi32>], vector<16xf32>,
      %gather3A_171 = tpu.vector_load_idx %arg18[%get3A_163] : memref<10000xf32, #tpu.memory_space<vmem>>[vector<16xi32>], vector<16xf32>,
      %sub3A_172 = arith.subf %gather3A_170, %gather3A_171 : vector<16xf32>
      %mul3A_173 = arith.mulf %sub3A_166, %sub3A_166 : vector<16xf32>
      %mul3A_174 = arith.mulf %sub3A_169, %sub3A_169 : vector<16xf32>
      %add3A_175 = arith.addf %mul3A_173, %mul3A_174 : vector<16xf32>
      %mul3A_176 = arith.mulf %sub3A_172, %sub3A_172 : vector<16xf32>
      %add3A_177 = arith.addf %add3A_175, %mul3A_176 : vector<16xf32>
      %swap3A_178 = arith.constant 112 : index
      %swap3A_179 = tpu.vector_load %arg19[%swap3A_178] {strides = array<i32>} : memref<128xf32, #tpu.memory_space<vmem>>, vector<16xf32>,
      tpu.vector_store %arg19[%swap3A_178], %add3A_177 {strides = array<i32>} : memref<128xf32, #tpu.memory_space<vmem>>, vector<16xf32>,
      %dma_wait3A_180 = arith.constant 0 : i32
      %dma_wait3A_181 = arith.constant 0 : i32
      %dma_wait3A_182 = tpu.memref_slice %arg2[%dma_wait3A_180, %dma_wait3A_181] : memref<10000x128xf32, #tpu.memory_space<hbm>> -> memref<10000x128xf32, #tpu.memory_space<hbm>>
      tpu.wait_indirect_dma semaphore(%arg20 : memref<!tpu.dma_semaphore, #tpu.memory_space<semaphore_mem>>) src(%dma_wait3A_182 : memref<10000x128xf32, #tpu.memory_space<hbm>>) dst(%arg14 : memref<128x128xf32, #tpu.memory_space<vmem>>)
      %dma_wait3A_183 = arith.constant 0 : i32
      %dma_wait3A_184 = arith.constant 0 : i32
      %dma_wait3A_185 = tpu.memref_slice %arg3[%dma_wait3A_183, %dma_wait3A_184] : memref<10000x128xf32, #tpu.memory_space<hbm>> -> memref<10000x128xf32, #tpu.memory_space<hbm>>
      tpu.wait_indirect_dma semaphore(%arg21 : memref<!tpu.dma_semaphore, #tpu.memory_space<semaphore_mem>>) src(%dma_wait3A_185 : memref<10000x128xf32, #tpu.memory_space<hbm>>) dst(%arg15 : memref<128x128xf32, #tpu.memory_space<vmem>>)
      %dma_start3A_186 = arith.constant 0 : i32
      %dma_start3A_187 = tpu.memref_slice %arg9[%add3A_11, %dma_start3A_186] : memref<323584x128xf32, #tpu.memory_space<hbm>> -> memref<128x128xf32, #tpu.memory_space<hbm>>
      %dma_start3A_188 = arith.constant 0 : i32
      %dma_start3A_189 = tpu.memref_slice %arg9[%add3A_11, %dma_start3A_188] : memref<323584x128xf32, #tpu.memory_space<hbm>> -> memref<128x128xf32, #tpu.memory_space<hbm>>
      tpu.enqueue_dma source(%arg14 : memref<128x128xf32, #tpu.memory_space<vmem>>) target(%dma_start3A_189 : memref<128x128xf32, #tpu.memory_space<hbm>>) target_semaphore(%arg20 : memref<!tpu.dma_semaphore, #tpu.memory_space<semaphore_mem>>)
      %dma_start3A_190 = arith.constant 0 : i32
      %dma_start3A_191 = tpu.memref_slice %arg10[%add3A_11, %dma_start3A_190] : memref<323584x128xf32, #tpu.memory_space<hbm>> -> memref<128x128xf32, #tpu.memory_space<hbm>>
      %dma_start3A_192 = arith.constant 0 : i32
      %dma_start3A_193 = tpu.memref_slice %arg10[%add3A_11, %dma_start3A_192] : memref<323584x128xf32, #tpu.memory_space<hbm>> -> memref<128x128xf32, #tpu.memory_space<hbm>>
      tpu.enqueue_dma source(%arg15 : memref<128x128xf32, #tpu.memory_space<vmem>>) target(%dma_start3A_193 : memref<128x128xf32, #tpu.memory_space<hbm>>) target_semaphore(%arg21 : memref<!tpu.dma_semaphore, #tpu.memory_space<semaphore_mem>>)
      %dma_start3A_194 = tpu.memref_slice %arg11[%add3A_11] : memref<323584xf32, #tpu.memory_space<hbm>> -> memref<128xf32, #tpu.memory_space<hbm>>
      %dma_start3A_195 = tpu.memref_slice %arg11[%add3A_11] : memref<323584xf32, #tpu.memory_space<hbm>> -> memref<128xf32, #tpu.memory_space<hbm>>
      tpu.enqueue_dma source(%arg19 : memref<128xf32, #tpu.memory_space<vmem>>) target(%dma_start3A_195 : memref<128xf32, #tpu.memory_space<hbm>>) target_semaphore(%arg20 : memref<!tpu.dma_semaphore, #tpu.memory_space<semaphore_mem>>)
      %dma_wait3A_196 = arith.constant 0 : i32
      %dma_wait3A_197 = tpu.memref_slice %arg9[%add3A_11, %dma_wait3A_196] : memref<323584x128xf32, #tpu.memory_space<hbm>> -> memref<128x128xf32, #tpu.memory_space<hbm>>
      %dma_wait3A_198 = arith.constant 0 : i32
      %dma_wait3A_199 = tpu.memref_slice %arg9[%add3A_11, %dma_wait3A_198] : memref<323584x128xf32, #tpu.memory_space<hbm>> -> memref<128x128xf32, #tpu.memory_space<hbm>>
      tpu.wait_dma2 semaphore(%arg20 : memref<!tpu.dma_semaphore, #tpu.memory_space<semaphore_mem>>) src(%arg14 : memref<128x128xf32, #tpu.memory_space<vmem>>) dst(%dma_wait3A_199 : memref<128x128xf32, #tpu.memory_space<hbm>>)
      %dma_wait3A_200 = arith.constant 0 : i32
      %dma_wait3A_201 = tpu.memref_slice %arg10[%add3A_11, %dma_wait3A_200] : memref<323584x128xf32, #tpu.memory_space<hbm>> -> memref<128x128xf32, #tpu.memory_space<hbm>>
      %dma_wait3A_202 = arith.constant 0 : i32
      %dma_wait3A_203 = tpu.memref_slice %arg10[%add3A_11, %dma_wait3A_202] : memref<323584x128xf32, #tpu.memory_space<hbm>> -> memref<128x128xf32, #tpu.memory_space<hbm>>
      tpu.wait_dma2 semaphore(%arg21 : memref<!tpu.dma_semaphore, #tpu.memory_space<semaphore_mem>>) src(%arg15 : memref<128x128xf32, #tpu.memory_space<vmem>>) dst(%dma_wait3A_203 : memref<128x128xf32, #tpu.memory_space<hbm>>)
      %dma_wait3A_204 = tpu.memref_slice %arg11[%add3A_11] : memref<323584xf32, #tpu.memory_space<hbm>> -> memref<128xf32, #tpu.memory_space<hbm>>
      %dma_wait3A_205 = tpu.memref_slice %arg11[%add3A_11] : memref<323584xf32, #tpu.memory_space<hbm>> -> memref<128xf32, #tpu.memory_space<hbm>>
      tpu.wait_dma2 semaphore(%arg20 : memref<!tpu.dma_semaphore, #tpu.memory_space<semaphore_mem>>) src(%arg19 : memref<128xf32, #tpu.memory_space<vmem>>) dst(%dma_wait3A_205 : memref<128xf32, #tpu.memory_space<hbm>>)
    }
    %scan3A_5 = arith.constant 79 : i32
    return
  }
}

#map = affine_map<(d0, d1) -> (0, 0)>
#map1 = affine_map<(d0, d1) -> (0)>
module attributes {stable_mosaic.version = 14 : i64} {
  func.func @gk(%arg0: i32, %arg1: i32, %arg2: memref<10000x128xf32, #tpu.memory_space<hbm>>, %arg3: memref<10000x128xf32, #tpu.memory_space<hbm>>, %arg4: memref<163840xi32, #tpu.memory_space<hbm>>, %arg5: memref<163840xi32, #tpu.memory_space<hbm>>, %arg6: memref<10000xf32, #tpu.memory_space<hbm>>, %arg7: memref<10000xf32, #tpu.memory_space<hbm>>, %arg8: memref<10000xf32, #tpu.memory_space<hbm>>, %arg9: memref<163840x128xf32, #tpu.memory_space<hbm>>, %arg10: memref<163840x128xf32, #tpu.memory_space<hbm>>, %arg11: memref<163840xf32, #tpu.memory_space<hbm>>, %arg12: memref<128xi32, #tpu.memory_space<vmem>>, %arg13: memref<128xi32, #tpu.memory_space<vmem>>, %arg14: memref<128x128xf32, #tpu.memory_space<vmem>>, %arg15: memref<128x128xf32, #tpu.memory_space<vmem>>, %arg16: memref<10000xf32, #tpu.memory_space<vmem>>, %arg17: memref<10000xf32, #tpu.memory_space<vmem>>, %arg18: memref<10000xf32, #tpu.memory_space<vmem>>, %arg19: memref<128xf32, #tpu.memory_space<vmem>>, %arg20: memref<!tpu.dma_semaphore, #tpu.memory_space<semaphore_mem>>, %arg21: memref<!tpu.dma_semaphore, #tpu.memory_space<semaphore_mem>>) attributes {dimension_semantics = [#tpu.dimension_semantics<core_parallel>, #tpu.dimension_semantics<subcore_parallel>], iteration_bounds = array<i64: 2, 16>, scalar_prefetch = 0 : i64, scratch_operands = 10 : i64, tpu.core_type = #tpu.core_type<sc_vector_subcore>, window_params = [{transform_indices = #map}, {transform_indices = #map}, {transform_indices = #map1}, {transform_indices = #map1}, {transform_indices = #map1}, {transform_indices = #map1}, {transform_indices = #map1}, {transform_indices = #map}, {transform_indices = #map}, {transform_indices = #map1}]} {
    %mul3A = arith.constant 2 : i32
    %mul3A_0 = arith.muli %arg1, %mul3A : i32
    %add3A = arith.addi %mul3A_0, %arg0 : i32
    "tpu.region"() ({
      %run_scoped3A = tpu.sem_alloc : memref<!tpu.dma_semaphore, #tpu.memory_space<semaphore_mem>>
      tpu.enqueue_dma source(%arg6 : memref<10000xf32, #tpu.memory_space<hbm>>) target(%arg16 : memref<10000xf32, #tpu.memory_space<vmem>>) target_semaphore(%run_scoped3A : memref<!tpu.dma_semaphore, #tpu.memory_space<semaphore_mem>>)
      tpu.wait_dma2 semaphore(%run_scoped3A : memref<!tpu.dma_semaphore, #tpu.memory_space<semaphore_mem>>) src(%arg6 : memref<10000xf32, #tpu.memory_space<hbm>>) dst(%arg16 : memref<10000xf32, #tpu.memory_space<vmem>>)
      tpu.yield
    }) : () -> ()
    "tpu.region"() ({
      %run_scoped3A = tpu.sem_alloc : memref<!tpu.dma_semaphore, #tpu.memory_space<semaphore_mem>>
      tpu.enqueue_dma source(%arg7 : memref<10000xf32, #tpu.memory_space<hbm>>) target(%arg17 : memref<10000xf32, #tpu.memory_space<vmem>>) target_semaphore(%run_scoped3A : memref<!tpu.dma_semaphore, #tpu.memory_space<semaphore_mem>>)
      tpu.wait_dma2 semaphore(%run_scoped3A : memref<!tpu.dma_semaphore, #tpu.memory_space<semaphore_mem>>) src(%arg7 : memref<10000xf32, #tpu.memory_space<hbm>>) dst(%arg17 : memref<10000xf32, #tpu.memory_space<vmem>>)
      tpu.yield
    }) : () -> ()
    "tpu.region"() ({
      %run_scoped3A = tpu.sem_alloc : memref<!tpu.dma_semaphore, #tpu.memory_space<semaphore_mem>>
      tpu.enqueue_dma source(%arg8 : memref<10000xf32, #tpu.memory_space<hbm>>) target(%arg18 : memref<10000xf32, #tpu.memory_space<vmem>>) target_semaphore(%run_scoped3A : memref<!tpu.dma_semaphore, #tpu.memory_space<semaphore_mem>>)
      tpu.wait_dma2 semaphore(%run_scoped3A : memref<!tpu.dma_semaphore, #tpu.memory_space<semaphore_mem>>) src(%arg8 : memref<10000xf32, #tpu.memory_space<hbm>>) dst(%arg18 : memref<10000xf32, #tpu.memory_space<vmem>>)
      tpu.yield
    }) : () -> ()
    %scan3A = arith.constant 0 : i32
    %scan3A_1 = arith.constant 0 : i32
    %scan3A_2 = arith.constant 40 : i32
    %scan3A_3 = arith.addi %scan3A_1, %scan3A_2 : i32
    %scan3A_4 = arith.constant 1 : i32
    scf.for %scan3A_6 = %scan3A_1 to %scan3A_3 step %scan3A_4  : i32 {
      %mul3A_7 = arith.constant 5120 : i32
      %mul3A_8 = arith.muli %add3A, %mul3A_7 : i32
      %mul3A_9 = arith.constant 128 : i32
      %mul3A_10 = arith.muli %scan3A_6, %mul3A_9 : i32
      %add3A_11 = arith.addi %mul3A_8, %mul3A_10 : i32
      %dma_start3A = tpu.memref_slice %arg4[%add3A_11] : memref<163840xi32, #tpu.memory_space<hbm>> -> memref<128xi32, #tpu.memory_space<hbm>>
      %dma_start3A_12 = tpu.memref_slice %arg4[%add3A_11] : memref<163840xi32, #tpu.memory_space<hbm>> -> memref<128xi32, #tpu.memory_space<hbm>>
      tpu.enqueue_dma source(%dma_start3A_12 : memref<128xi32, #tpu.memory_space<hbm>>) target(%arg12 : memref<128xi32, #tpu.memory_space<vmem>>) target_semaphore(%arg20 : memref<!tpu.dma_semaphore, #tpu.memory_space<semaphore_mem>>)
      %dma_start3A_13 = tpu.memref_slice %arg5[%add3A_11] : memref<163840xi32, #tpu.memory_space<hbm>> -> memref<128xi32, #tpu.memory_space<hbm>>
      %dma_start3A_14 = tpu.memref_slice %arg5[%add3A_11] : memref<163840xi32, #tpu.memory_space<hbm>> -> memref<128xi32, #tpu.memory_space<hbm>>
      tpu.enqueue_dma source(%dma_start3A_14 : memref<128xi32, #tpu.memory_space<hbm>>) target(%arg13 : memref<128xi32, #tpu.memory_space<vmem>>) target_semaphore(%arg20 : memref<!tpu.dma_semaphore, #tpu.memory_space<semaphore_mem>>)
      %dma_wait3A = tpu.memref_slice %arg4[%add3A_11] : memref<163840xi32, #tpu.memory_space<hbm>> -> memref<128xi32, #tpu.memory_space<hbm>>
      %dma_wait3A_15 = tpu.memref_slice %arg4[%add3A_11] : memref<163840xi32, #tpu.memory_space<hbm>> -> memref<128xi32, #tpu.memory_space<hbm>>
      tpu.wait_dma2 semaphore(%arg20 : memref<!tpu.dma_semaphore, #tpu.memory_space<semaphore_mem>>) src(%dma_wait3A_15 : memref<128xi32, #tpu.memory_space<hbm>>) dst(%arg12 : memref<128xi32, #tpu.memory_space<vmem>>)
      %dma_wait3A_16 = tpu.memref_slice %arg5[%add3A_11] : memref<163840xi32, #tpu.memory_space<hbm>> -> memref<128xi32, #tpu.memory_space<hbm>>
      %dma_wait3A_17 = tpu.memref_slice %arg5[%add3A_11] : memref<163840xi32, #tpu.memory_space<hbm>> -> memref<128xi32, #tpu.memory_space<hbm>>
      tpu.wait_dma2 semaphore(%arg20 : memref<!tpu.dma_semaphore, #tpu.memory_space<semaphore_mem>>) src(%dma_wait3A_17 : memref<128xi32, #tpu.memory_space<hbm>>) dst(%arg13 : memref<128xi32, #tpu.memory_space<vmem>>)
      %dma_start3A_18 = arith.constant 0 : i32
      %dma_start3A_19 = arith.constant 0 : i32
      %dma_start3A_20 = tpu.memref_slice %arg2[%dma_start3A_18, %dma_start3A_19] : memref<10000x128xf32, #tpu.memory_space<hbm>> -> memref<10000x128xf32, #tpu.memory_space<hbm>>
      tpu.enqueue_indirect_dma source(%dma_start3A_20 : memref<10000x128xf32, #tpu.memory_space<hbm>>) target(%arg14 : memref<128x128xf32, #tpu.memory_space<vmem>>) offsets(%arg12 : memref<128xi32, #tpu.memory_space<vmem>>) semaphore(%arg20 : memref<!tpu.dma_semaphore, #tpu.memory_space<semaphore_mem>>)
      %dma_start3A_21 = arith.constant 0 : i32
      %dma_start3A_22 = arith.constant 0 : i32
      %dma_start3A_23 = tpu.memref_slice %arg3[%dma_start3A_21, %dma_start3A_22] : memref<10000x128xf32, #tpu.memory_space<hbm>> -> memref<10000x128xf32, #tpu.memory_space<hbm>>
      tpu.enqueue_indirect_dma source(%dma_start3A_23 : memref<10000x128xf32, #tpu.memory_space<hbm>>) target(%arg15 : memref<128x128xf32, #tpu.memory_space<vmem>>) offsets(%arg13 : memref<128xi32, #tpu.memory_space<vmem>>) semaphore(%arg21 : memref<!tpu.dma_semaphore, #tpu.memory_space<semaphore_mem>>)
      %get3A = arith.constant 0 : index
      %get3A_24 = tpu.vector_load %arg12[%get3A] {strides = array<i32>} : memref<128xi32, #tpu.memory_space<vmem>>, vector<16xi32>,
      %get3A_25 = arith.constant 0 : index
      %get3A_26 = tpu.vector_load %arg13[%get3A_25] {strides = array<i32>} : memref<128xi32, #tpu.memory_space<vmem>>, vector<16xi32>,
      %gather3A = tpu.vector_load_idx %arg16[%get3A_24] : memref<10000xf32, #tpu.memory_space<vmem>>[vector<16xi32>], vector<16xf32>,
      %gather3A_27 = tpu.vector_load_idx %arg16[%get3A_26] : memref<10000xf32, #tpu.memory_space<vmem>>[vector<16xi32>], vector<16xf32>,
      %sub3A = arith.subf %gather3A, %gather3A_27 : vector<16xf32>
      %gather3A_28 = tpu.vector_load_idx %arg17[%get3A_24] : memref<10000xf32, #tpu.memory_space<vmem>>[vector<16xi32>], vector<16xf32>,
      %gather3A_29 = tpu.vector_load_idx %arg17[%get3A_26] : memref<10000xf32, #tpu.memory_space<vmem>>[vector<16xi32>], vector<16xf32>,
      %sub3A_30 = arith.subf %gather3A_28, %gather3A_29 : vector<16xf32>
      %gather3A_31 = tpu.vector_load_idx %arg18[%get3A_24] : memref<10000xf32, #tpu.memory_space<vmem>>[vector<16xi32>], vector<16xf32>,
      %gather3A_32 = tpu.vector_load_idx %arg18[%get3A_26] : memref<10000xf32, #tpu.memory_space<vmem>>[vector<16xi32>], vector<16xf32>,
      %sub3A_33 = arith.subf %gather3A_31, %gather3A_32 : vector<16xf32>
      %mul3A_34 = arith.mulf %sub3A, %sub3A : vector<16xf32>
      %mul3A_35 = arith.mulf %sub3A_30, %sub3A_30 : vector<16xf32>
      %add3A_36 = arith.addf %mul3A_34, %mul3A_35 : vector<16xf32>
      %mul3A_37 = arith.mulf %sub3A_33, %sub3A_33 : vector<16xf32>
      %add3A_38 = arith.addf %add3A_36, %mul3A_37 : vector<16xf32>
      %swap3A = arith.constant 0 : index
      %swap3A_39 = tpu.vector_load %arg19[%swap3A] {strides = array<i32>} : memref<128xf32, #tpu.memory_space<vmem>>, vector<16xf32>,
      tpu.vector_store %arg19[%swap3A], %add3A_38 {strides = array<i32>} : memref<128xf32, #tpu.memory_space<vmem>>, vector<16xf32>,
      %get3A_40 = arith.constant 16 : index
      %get3A_41 = tpu.vector_load %arg12[%get3A_40] {strides = array<i32>} : memref<128xi32, #tpu.memory_space<vmem>>, vector<16xi32>,
      %get3A_42 = arith.constant 16 : index
      %get3A_43 = tpu.vector_load %arg13[%get3A_42] {strides = array<i32>} : memref<128xi32, #tpu.memory_space<vmem>>, vector<16xi32>,
      %gather3A_44 = tpu.vector_load_idx %arg16[%get3A_41] : memref<10000xf32, #tpu.memory_space<vmem>>[vector<16xi32>], vector<16xf32>,
      %gather3A_45 = tpu.vector_load_idx %arg16[%get3A_43] : memref<10000xf32, #tpu.memory_space<vmem>>[vector<16xi32>], vector<16xf32>,
      %sub3A_46 = arith.subf %gather3A_44, %gather3A_45 : vector<16xf32>
      %gather3A_47 = tpu.vector_load_idx %arg17[%get3A_41] : memref<10000xf32, #tpu.memory_space<vmem>>[vector<16xi32>], vector<16xf32>,
      %gather3A_48 = tpu.vector_load_idx %arg17[%get3A_43] : memref<10000xf32, #tpu.memory_space<vmem>>[vector<16xi32>], vector<16xf32>,
      %sub3A_49 = arith.subf %gather3A_47, %gather3A_48 : vector<16xf32>
      %gather3A_50 = tpu.vector_load_idx %arg18[%get3A_41] : memref<10000xf32, #tpu.memory_space<vmem>>[vector<16xi32>], vector<16xf32>,
      %gather3A_51 = tpu.vector_load_idx %arg18[%get3A_43] : memref<10000xf32, #tpu.memory_space<vmem>>[vector<16xi32>], vector<16xf32>,
      %sub3A_52 = arith.subf %gather3A_50, %gather3A_51 : vector<16xf32>
      %mul3A_53 = arith.mulf %sub3A_46, %sub3A_46 : vector<16xf32>
      %mul3A_54 = arith.mulf %sub3A_49, %sub3A_49 : vector<16xf32>
      %add3A_55 = arith.addf %mul3A_53, %mul3A_54 : vector<16xf32>
      %mul3A_56 = arith.mulf %sub3A_52, %sub3A_52 : vector<16xf32>
      %add3A_57 = arith.addf %add3A_55, %mul3A_56 : vector<16xf32>
      %swap3A_58 = arith.constant 16 : index
      %swap3A_59 = tpu.vector_load %arg19[%swap3A_58] {strides = array<i32>} : memref<128xf32, #tpu.memory_space<vmem>>, vector<16xf32>,
      tpu.vector_store %arg19[%swap3A_58], %add3A_57 {strides = array<i32>} : memref<128xf32, #tpu.memory_space<vmem>>, vector<16xf32>,
      %get3A_60 = arith.constant 32 : index
      %get3A_61 = tpu.vector_load %arg12[%get3A_60] {strides = array<i32>} : memref<128xi32, #tpu.memory_space<vmem>>, vector<16xi32>,
      %get3A_62 = arith.constant 32 : index
      %get3A_63 = tpu.vector_load %arg13[%get3A_62] {strides = array<i32>} : memref<128xi32, #tpu.memory_space<vmem>>, vector<16xi32>,
      %gather3A_64 = tpu.vector_load_idx %arg16[%get3A_61] : memref<10000xf32, #tpu.memory_space<vmem>>[vector<16xi32>], vector<16xf32>,
      %gather3A_65 = tpu.vector_load_idx %arg16[%get3A_63] : memref<10000xf32, #tpu.memory_space<vmem>>[vector<16xi32>], vector<16xf32>,
      %sub3A_66 = arith.subf %gather3A_64, %gather3A_65 : vector<16xf32>
      %gather3A_67 = tpu.vector_load_idx %arg17[%get3A_61] : memref<10000xf32, #tpu.memory_space<vmem>>[vector<16xi32>], vector<16xf32>,
      %gather3A_68 = tpu.vector_load_idx %arg17[%get3A_63] : memref<10000xf32, #tpu.memory_space<vmem>>[vector<16xi32>], vector<16xf32>,
      %sub3A_69 = arith.subf %gather3A_67, %gather3A_68 : vector<16xf32>
      %gather3A_70 = tpu.vector_load_idx %arg18[%get3A_61] : memref<10000xf32, #tpu.memory_space<vmem>>[vector<16xi32>], vector<16xf32>,
      %gather3A_71 = tpu.vector_load_idx %arg18[%get3A_63] : memref<10000xf32, #tpu.memory_space<vmem>>[vector<16xi32>], vector<16xf32>,
      %sub3A_72 = arith.subf %gather3A_70, %gather3A_71 : vector<16xf32>
      %mul3A_73 = arith.mulf %sub3A_66, %sub3A_66 : vector<16xf32>
      %mul3A_74 = arith.mulf %sub3A_69, %sub3A_69 : vector<16xf32>
      %add3A_75 = arith.addf %mul3A_73, %mul3A_74 : vector<16xf32>
      %mul3A_76 = arith.mulf %sub3A_72, %sub3A_72 : vector<16xf32>
      %add3A_77 = arith.addf %add3A_75, %mul3A_76 : vector<16xf32>
      %swap3A_78 = arith.constant 32 : index
      %swap3A_79 = tpu.vector_load %arg19[%swap3A_78] {strides = array<i32>} : memref<128xf32, #tpu.memory_space<vmem>>, vector<16xf32>,
      tpu.vector_store %arg19[%swap3A_78], %add3A_77 {strides = array<i32>} : memref<128xf32, #tpu.memory_space<vmem>>, vector<16xf32>,
      %get3A_80 = arith.constant 48 : index
      %get3A_81 = tpu.vector_load %arg12[%get3A_80] {strides = array<i32>} : memref<128xi32, #tpu.memory_space<vmem>>, vector<16xi32>,
      %get3A_82 = arith.constant 48 : index
      %get3A_83 = tpu.vector_load %arg13[%get3A_82] {strides = array<i32>} : memref<128xi32, #tpu.memory_space<vmem>>, vector<16xi32>,
      %gather3A_84 = tpu.vector_load_idx %arg16[%get3A_81] : memref<10000xf32, #tpu.memory_space<vmem>>[vector<16xi32>], vector<16xf32>,
      %gather3A_85 = tpu.vector_load_idx %arg16[%get3A_83] : memref<10000xf32, #tpu.memory_space<vmem>>[vector<16xi32>], vector<16xf32>,
      %sub3A_86 = arith.subf %gather3A_84, %gather3A_85 : vector<16xf32>
      %gather3A_87 = tpu.vector_load_idx %arg17[%get3A_81] : memref<10000xf32, #tpu.memory_space<vmem>>[vector<16xi32>], vector<16xf32>,
      %gather3A_88 = tpu.vector_load_idx %arg17[%get3A_83] : memref<10000xf32, #tpu.memory_space<vmem>>[vector<16xi32>], vector<16xf32>,
      %sub3A_89 = arith.subf %gather3A_87, %gather3A_88 : vector<16xf32>
      %gather3A_90 = tpu.vector_load_idx %arg18[%get3A_81] : memref<10000xf32, #tpu.memory_space<vmem>>[vector<16xi32>], vector<16xf32>,
      %gather3A_91 = tpu.vector_load_idx %arg18[%get3A_83] : memref<10000xf32, #tpu.memory_space<vmem>>[vector<16xi32>], vector<16xf32>,
      %sub3A_92 = arith.subf %gather3A_90, %gather3A_91 : vector<16xf32>
      %mul3A_93 = arith.mulf %sub3A_86, %sub3A_86 : vector<16xf32>
      %mul3A_94 = arith.mulf %sub3A_89, %sub3A_89 : vector<16xf32>
      %add3A_95 = arith.addf %mul3A_93, %mul3A_94 : vector<16xf32>
      %mul3A_96 = arith.mulf %sub3A_92, %sub3A_92 : vector<16xf32>
      %add3A_97 = arith.addf %add3A_95, %mul3A_96 : vector<16xf32>
      %swap3A_98 = arith.constant 48 : index
      %swap3A_99 = tpu.vector_load %arg19[%swap3A_98] {strides = array<i32>} : memref<128xf32, #tpu.memory_space<vmem>>, vector<16xf32>,
      tpu.vector_store %arg19[%swap3A_98], %add3A_97 {strides = array<i32>} : memref<128xf32, #tpu.memory_space<vmem>>, vector<16xf32>,
      %get3A_100 = arith.constant 64 : index
      %get3A_101 = tpu.vector_load %arg12[%get3A_100] {strides = array<i32>} : memref<128xi32, #tpu.memory_space<vmem>>, vector<16xi32>,
      %get3A_102 = arith.constant 64 : index
      %get3A_103 = tpu.vector_load %arg13[%get3A_102] {strides = array<i32>} : memref<128xi32, #tpu.memory_space<vmem>>, vector<16xi32>,
      %gather3A_104 = tpu.vector_load_idx %arg16[%get3A_101] : memref<10000xf32, #tpu.memory_space<vmem>>[vector<16xi32>], vector<16xf32>,
      %gather3A_105 = tpu.vector_load_idx %arg16[%get3A_103] : memref<10000xf32, #tpu.memory_space<vmem>>[vector<16xi32>], vector<16xf32>,
      %sub3A_106 = arith.subf %gather3A_104, %gather3A_105 : vector<16xf32>
      %gather3A_107 = tpu.vector_load_idx %arg17[%get3A_101] : memref<10000xf32, #tpu.memory_space<vmem>>[vector<16xi32>], vector<16xf32>,
      %gather3A_108 = tpu.vector_load_idx %arg17[%get3A_103] : memref<10000xf32, #tpu.memory_space<vmem>>[vector<16xi32>], vector<16xf32>,
      %sub3A_109 = arith.subf %gather3A_107, %gather3A_108 : vector<16xf32>
      %gather3A_110 = tpu.vector_load_idx %arg18[%get3A_101] : memref<10000xf32, #tpu.memory_space<vmem>>[vector<16xi32>], vector<16xf32>,
      %gather3A_111 = tpu.vector_load_idx %arg18[%get3A_103] : memref<10000xf32, #tpu.memory_space<vmem>>[vector<16xi32>], vector<16xf32>,
      %sub3A_112 = arith.subf %gather3A_110, %gather3A_111 : vector<16xf32>
      %mul3A_113 = arith.mulf %sub3A_106, %sub3A_106 : vector<16xf32>
      %mul3A_114 = arith.mulf %sub3A_109, %sub3A_109 : vector<16xf32>
      %add3A_115 = arith.addf %mul3A_113, %mul3A_114 : vector<16xf32>
      %mul3A_116 = arith.mulf %sub3A_112, %sub3A_112 : vector<16xf32>
      %add3A_117 = arith.addf %add3A_115, %mul3A_116 : vector<16xf32>
      %swap3A_118 = arith.constant 64 : index
      %swap3A_119 = tpu.vector_load %arg19[%swap3A_118] {strides = array<i32>} : memref<128xf32, #tpu.memory_space<vmem>>, vector<16xf32>,
      tpu.vector_store %arg19[%swap3A_118], %add3A_117 {strides = array<i32>} : memref<128xf32, #tpu.memory_space<vmem>>, vector<16xf32>,
      %get3A_120 = arith.constant 80 : index
      %get3A_121 = tpu.vector_load %arg12[%get3A_120] {strides = array<i32>} : memref<128xi32, #tpu.memory_space<vmem>>, vector<16xi32>,
      %get3A_122 = arith.constant 80 : index
      %get3A_123 = tpu.vector_load %arg13[%get3A_122] {strides = array<i32>} : memref<128xi32, #tpu.memory_space<vmem>>, vector<16xi32>,
      %gather3A_124 = tpu.vector_load_idx %arg16[%get3A_121] : memref<10000xf32, #tpu.memory_space<vmem>>[vector<16xi32>], vector<16xf32>,
      %gather3A_125 = tpu.vector_load_idx %arg16[%get3A_123] : memref<10000xf32, #tpu.memory_space<vmem>>[vector<16xi32>], vector<16xf32>,
      %sub3A_126 = arith.subf %gather3A_124, %gather3A_125 : vector<16xf32>
      %gather3A_127 = tpu.vector_load_idx %arg17[%get3A_121] : memref<10000xf32, #tpu.memory_space<vmem>>[vector<16xi32>], vector<16xf32>,
      %gather3A_128 = tpu.vector_load_idx %arg17[%get3A_123] : memref<10000xf32, #tpu.memory_space<vmem>>[vector<16xi32>], vector<16xf32>,
      %sub3A_129 = arith.subf %gather3A_127, %gather3A_128 : vector<16xf32>
      %gather3A_130 = tpu.vector_load_idx %arg18[%get3A_121] : memref<10000xf32, #tpu.memory_space<vmem>>[vector<16xi32>], vector<16xf32>,
      %gather3A_131 = tpu.vector_load_idx %arg18[%get3A_123] : memref<10000xf32, #tpu.memory_space<vmem>>[vector<16xi32>], vector<16xf32>,
      %sub3A_132 = arith.subf %gather3A_130, %gather3A_131 : vector<16xf32>
      %mul3A_133 = arith.mulf %sub3A_126, %sub3A_126 : vector<16xf32>
      %mul3A_134 = arith.mulf %sub3A_129, %sub3A_129 : vector<16xf32>
      %add3A_135 = arith.addf %mul3A_133, %mul3A_134 : vector<16xf32>
      %mul3A_136 = arith.mulf %sub3A_132, %sub3A_132 : vector<16xf32>
      %add3A_137 = arith.addf %add3A_135, %mul3A_136 : vector<16xf32>
      %swap3A_138 = arith.constant 80 : index
      %swap3A_139 = tpu.vector_load %arg19[%swap3A_138] {strides = array<i32>} : memref<128xf32, #tpu.memory_space<vmem>>, vector<16xf32>,
      tpu.vector_store %arg19[%swap3A_138], %add3A_137 {strides = array<i32>} : memref<128xf32, #tpu.memory_space<vmem>>, vector<16xf32>,
      %get3A_140 = arith.constant 96 : index
      %get3A_141 = tpu.vector_load %arg12[%get3A_140] {strides = array<i32>} : memref<128xi32, #tpu.memory_space<vmem>>, vector<16xi32>,
      %get3A_142 = arith.constant 96 : index
      %get3A_143 = tpu.vector_load %arg13[%get3A_142] {strides = array<i32>} : memref<128xi32, #tpu.memory_space<vmem>>, vector<16xi32>,
      %gather3A_144 = tpu.vector_load_idx %arg16[%get3A_141] : memref<10000xf32, #tpu.memory_space<vmem>>[vector<16xi32>], vector<16xf32>,
      %gather3A_145 = tpu.vector_load_idx %arg16[%get3A_143] : memref<10000xf32, #tpu.memory_space<vmem>>[vector<16xi32>], vector<16xf32>,
      %sub3A_146 = arith.subf %gather3A_144, %gather3A_145 : vector<16xf32>
      %gather3A_147 = tpu.vector_load_idx %arg17[%get3A_141] : memref<10000xf32, #tpu.memory_space<vmem>>[vector<16xi32>], vector<16xf32>,
      %gather3A_148 = tpu.vector_load_idx %arg17[%get3A_143] : memref<10000xf32, #tpu.memory_space<vmem>>[vector<16xi32>], vector<16xf32>,
      %sub3A_149 = arith.subf %gather3A_147, %gather3A_148 : vector<16xf32>
      %gather3A_150 = tpu.vector_load_idx %arg18[%get3A_141] : memref<10000xf32, #tpu.memory_space<vmem>>[vector<16xi32>], vector<16xf32>,
      %gather3A_151 = tpu.vector_load_idx %arg18[%get3A_143] : memref<10000xf32, #tpu.memory_space<vmem>>[vector<16xi32>], vector<16xf32>,
      %sub3A_152 = arith.subf %gather3A_150, %gather3A_151 : vector<16xf32>
      %mul3A_153 = arith.mulf %sub3A_146, %sub3A_146 : vector<16xf32>
      %mul3A_154 = arith.mulf %sub3A_149, %sub3A_149 : vector<16xf32>
      %add3A_155 = arith.addf %mul3A_153, %mul3A_154 : vector<16xf32>
      %mul3A_156 = arith.mulf %sub3A_152, %sub3A_152 : vector<16xf32>
      %add3A_157 = arith.addf %add3A_155, %mul3A_156 : vector<16xf32>
      %swap3A_158 = arith.constant 96 : index
      %swap3A_159 = tpu.vector_load %arg19[%swap3A_158] {strides = array<i32>} : memref<128xf32, #tpu.memory_space<vmem>>, vector<16xf32>,
      tpu.vector_store %arg19[%swap3A_158], %add3A_157 {strides = array<i32>} : memref<128xf32, #tpu.memory_space<vmem>>, vector<16xf32>,
      %get3A_160 = arith.constant 112 : index
      %get3A_161 = tpu.vector_load %arg12[%get3A_160] {strides = array<i32>} : memref<128xi32, #tpu.memory_space<vmem>>, vector<16xi32>,
      %get3A_162 = arith.constant 112 : index
      %get3A_163 = tpu.vector_load %arg13[%get3A_162] {strides = array<i32>} : memref<128xi32, #tpu.memory_space<vmem>>, vector<16xi32>,
      %gather3A_164 = tpu.vector_load_idx %arg16[%get3A_161] : memref<10000xf32, #tpu.memory_space<vmem>>[vector<16xi32>], vector<16xf32>,
      %gather3A_165 = tpu.vector_load_idx %arg16[%get3A_163] : memref<10000xf32, #tpu.memory_space<vmem>>[vector<16xi32>], vector<16xf32>,
      %sub3A_166 = arith.subf %gather3A_164, %gather3A_165 : vector<16xf32>
      %gather3A_167 = tpu.vector_load_idx %arg17[%get3A_161] : memref<10000xf32, #tpu.memory_space<vmem>>[vector<16xi32>], vector<16xf32>,
      %gather3A_168 = tpu.vector_load_idx %arg17[%get3A_163] : memref<10000xf32, #tpu.memory_space<vmem>>[vector<16xi32>], vector<16xf32>,
      %sub3A_169 = arith.subf %gather3A_167, %gather3A_168 : vector<16xf32>
      %gather3A_170 = tpu.vector_load_idx %arg18[%get3A_161] : memref<10000xf32, #tpu.memory_space<vmem>>[vector<16xi32>], vector<16xf32>,
      %gather3A_171 = tpu.vector_load_idx %arg18[%get3A_163] : memref<10000xf32, #tpu.memory_space<vmem>>[vector<16xi32>], vector<16xf32>,
      %sub3A_172 = arith.subf %gather3A_170, %gather3A_171 : vector<16xf32>
      %mul3A_173 = arith.mulf %sub3A_166, %sub3A_166 : vector<16xf32>
      %mul3A_174 = arith.mulf %sub3A_169, %sub3A_169 : vector<16xf32>
      %add3A_175 = arith.addf %mul3A_173, %mul3A_174 : vector<16xf32>
      %mul3A_176 = arith.mulf %sub3A_172, %sub3A_172 : vector<16xf32>
      %add3A_177 = arith.addf %add3A_175, %mul3A_176 : vector<16xf32>
      %swap3A_178 = arith.constant 112 : index
      %swap3A_179 = tpu.vector_load %arg19[%swap3A_178] {strides = array<i32>} : memref<128xf32, #tpu.memory_space<vmem>>, vector<16xf32>,
      tpu.vector_store %arg19[%swap3A_178], %add3A_177 {strides = array<i32>} : memref<128xf32, #tpu.memory_space<vmem>>, vector<16xf32>,
      %dma_wait3A_180 = arith.constant 0 : i32
      %dma_wait3A_181 = arith.constant 0 : i32
      %dma_wait3A_182 = tpu.memref_slice %arg2[%dma_wait3A_180, %dma_wait3A_181] : memref<10000x128xf32, #tpu.memory_space<hbm>> -> memref<10000x128xf32, #tpu.memory_space<hbm>>
      tpu.wait_indirect_dma semaphore(%arg20 : memref<!tpu.dma_semaphore, #tpu.memory_space<semaphore_mem>>) src(%dma_wait3A_182 : memref<10000x128xf32, #tpu.memory_space<hbm>>) dst(%arg14 : memref<128x128xf32, #tpu.memory_space<vmem>>)
      %dma_wait3A_183 = arith.constant 0 : i32
      %dma_wait3A_184 = arith.constant 0 : i32
      %dma_wait3A_185 = tpu.memref_slice %arg3[%dma_wait3A_183, %dma_wait3A_184] : memref<10000x128xf32, #tpu.memory_space<hbm>> -> memref<10000x128xf32, #tpu.memory_space<hbm>>
      tpu.wait_indirect_dma semaphore(%arg21 : memref<!tpu.dma_semaphore, #tpu.memory_space<semaphore_mem>>) src(%dma_wait3A_185 : memref<10000x128xf32, #tpu.memory_space<hbm>>) dst(%arg15 : memref<128x128xf32, #tpu.memory_space<vmem>>)
      %dma_start3A_186 = arith.constant 0 : i32
      %dma_start3A_187 = tpu.memref_slice %arg9[%add3A_11, %dma_start3A_186] : memref<163840x128xf32, #tpu.memory_space<hbm>> -> memref<128x128xf32, #tpu.memory_space<hbm>>
      %dma_start3A_188 = arith.constant 0 : i32
      %dma_start3A_189 = tpu.memref_slice %arg9[%add3A_11, %dma_start3A_188] : memref<163840x128xf32, #tpu.memory_space<hbm>> -> memref<128x128xf32, #tpu.memory_space<hbm>>
      tpu.enqueue_dma source(%arg14 : memref<128x128xf32, #tpu.memory_space<vmem>>) target(%dma_start3A_189 : memref<128x128xf32, #tpu.memory_space<hbm>>) target_semaphore(%arg20 : memref<!tpu.dma_semaphore, #tpu.memory_space<semaphore_mem>>)
      %dma_start3A_190 = arith.constant 0 : i32
      %dma_start3A_191 = tpu.memref_slice %arg10[%add3A_11, %dma_start3A_190] : memref<163840x128xf32, #tpu.memory_space<hbm>> -> memref<128x128xf32, #tpu.memory_space<hbm>>
      %dma_start3A_192 = arith.constant 0 : i32
      %dma_start3A_193 = tpu.memref_slice %arg10[%add3A_11, %dma_start3A_192] : memref<163840x128xf32, #tpu.memory_space<hbm>> -> memref<128x128xf32, #tpu.memory_space<hbm>>
      tpu.enqueue_dma source(%arg15 : memref<128x128xf32, #tpu.memory_space<vmem>>) target(%dma_start3A_193 : memref<128x128xf32, #tpu.memory_space<hbm>>) target_semaphore(%arg21 : memref<!tpu.dma_semaphore, #tpu.memory_space<semaphore_mem>>)
      %dma_start3A_194 = tpu.memref_slice %arg11[%add3A_11] : memref<163840xf32, #tpu.memory_space<hbm>> -> memref<128xf32, #tpu.memory_space<hbm>>
      %dma_start3A_195 = tpu.memref_slice %arg11[%add3A_11] : memref<163840xf32, #tpu.memory_space<hbm>> -> memref<128xf32, #tpu.memory_space<hbm>>
      tpu.enqueue_dma source(%arg19 : memref<128xf32, #tpu.memory_space<vmem>>) target(%dma_start3A_195 : memref<128xf32, #tpu.memory_space<hbm>>) target_semaphore(%arg20 : memref<!tpu.dma_semaphore, #tpu.memory_space<semaphore_mem>>)
      %dma_wait3A_196 = arith.constant 0 : i32
      %dma_wait3A_197 = tpu.memref_slice %arg9[%add3A_11, %dma_wait3A_196] : memref<163840x128xf32, #tpu.memory_space<hbm>> -> memref<128x128xf32, #tpu.memory_space<hbm>>
      %dma_wait3A_198 = arith.constant 0 : i32
      %dma_wait3A_199 = tpu.memref_slice %arg9[%add3A_11, %dma_wait3A_198] : memref<163840x128xf32, #tpu.memory_space<hbm>> -> memref<128x128xf32, #tpu.memory_space<hbm>>
      tpu.wait_dma2 semaphore(%arg20 : memref<!tpu.dma_semaphore, #tpu.memory_space<semaphore_mem>>) src(%arg14 : memref<128x128xf32, #tpu.memory_space<vmem>>) dst(%dma_wait3A_199 : memref<128x128xf32, #tpu.memory_space<hbm>>)
      %dma_wait3A_200 = arith.constant 0 : i32
      %dma_wait3A_201 = tpu.memref_slice %arg10[%add3A_11, %dma_wait3A_200] : memref<163840x128xf32, #tpu.memory_space<hbm>> -> memref<128x128xf32, #tpu.memory_space<hbm>>
      %dma_wait3A_202 = arith.constant 0 : i32
      %dma_wait3A_203 = tpu.memref_slice %arg10[%add3A_11, %dma_wait3A_202] : memref<163840x128xf32, #tpu.memory_space<hbm>> -> memref<128x128xf32, #tpu.memory_space<hbm>>
      tpu.wait_dma2 semaphore(%arg21 : memref<!tpu.dma_semaphore, #tpu.memory_space<semaphore_mem>>) src(%arg15 : memref<128x128xf32, #tpu.memory_space<vmem>>) dst(%dma_wait3A_203 : memref<128x128xf32, #tpu.memory_space<hbm>>)
      %dma_wait3A_204 = tpu.memref_slice %arg11[%add3A_11] : memref<163840xf32, #tpu.memory_space<hbm>> -> memref<128xf32, #tpu.memory_space<hbm>>
      %dma_wait3A_205 = tpu.memref_slice %arg11[%add3A_11] : memref<163840xf32, #tpu.memory_space<hbm>> -> memref<128xf32, #tpu.memory_space<hbm>>
      tpu.wait_dma2 semaphore(%arg20 : memref<!tpu.dma_semaphore, #tpu.memory_space<semaphore_mem>>) src(%arg19 : memref<128xf32, #tpu.memory_space<vmem>>) dst(%dma_wait3A_205 : memref<128xf32, #tpu.memory_space<hbm>>)
    }
    %scan3A_5 = arith.constant 40 : i32
    return
  }
}

#map = affine_map<(d0, d1) -> (0, 0)>
#map1 = affine_map<(d0, d1) -> (0)>
#map2 = affine_map<(d0, d1) -> (0, 0, 0)>
module attributes {stable_mosaic.version = 14 : i64} {
  func.func @sk(%arg0: i32, %arg1: i32, %arg2: memref<323584x128xf32, #tpu.memory_space<hbm>>, %arg3: memref<323584xi32, #tpu.memory_space<hbm>>, %arg4: memref<640x128xf32, #tpu.memory_space<hbm>>, %arg5: memref<2x10240x128xf32, #tpu.memory_space<hbm>>, %arg6: memref<2x10240xf32, #tpu.memory_space<hbm>>, %arg7: memref<128xi32, #tpu.memory_space<vmem>>, %arg8: memref<128x128xf32, #tpu.memory_space<vmem>>, %arg9: memref<10240xf32, #tpu.memory_space<vmem>>, %arg10: memref<16x640xf32, #tpu.memory_space<vmem>>, %arg11: memref<640xf32, #tpu.memory_space<vmem>>, %arg12: memref<10240x128xf32, #tpu.memory_space<vmem_shared>>, %arg13: memref<16x10240xf32, #tpu.memory_space<vmem_shared>>, %arg14: memref<!tpu.dma_semaphore, #tpu.memory_space<semaphore_mem>>, %arg15: memref<!tpu.dma_semaphore, #tpu.memory_space<semaphore_mem>>) attributes {dimension_semantics = [#tpu.dimension_semantics<core_parallel>, #tpu.dimension_semantics<subcore_parallel>], iteration_bounds = array<i64: 2, 16>, scalar_prefetch = 0 : i64, scratch_operands = 9 : i64, tpu.core_type = #tpu.core_type<sc_vector_subcore>, window_params = [{transform_indices = #map}, {transform_indices = #map1}, {transform_indices = #map}, {transform_indices = #map2}, {transform_indices = #map}]} {
    %mul3A = arith.constant 2 : i32
    %mul3A_0 = arith.muli %arg1, %mul3A : i32
    %add3A = arith.addi %mul3A_0, %arg0 : i32
    %mul3A_1 = arith.constant 640 : i32
    %mul3A_2 = arith.muli %arg1, %mul3A_1 : i32
    "tpu.region"() ({
      %run_scoped3A = tpu.sem_alloc : memref<!tpu.dma_semaphore, #tpu.memory_space<semaphore_mem>>
      %dma_start3A = arith.constant 0 : i32
      %dma_start3A_29 = tpu.memref_slice %arg12[%mul3A_2, %dma_start3A] : memref<10240x128xf32, #tpu.memory_space<vmem_shared>> -> memref<640x128xf32, #tpu.memory_space<vmem_shared>>
      tpu.enqueue_dma source(%arg4 : memref<640x128xf32, #tpu.memory_space<hbm>>) target(%dma_start3A_29 : memref<640x128xf32, #tpu.memory_space<vmem_shared>>) target_semaphore(%run_scoped3A : memref<!tpu.dma_semaphore, #tpu.memory_space<semaphore_mem>>)
      %dma_wait3A = arith.constant 0 : i32
      %dma_wait3A_30 = tpu.memref_slice %arg12[%mul3A_2, %dma_wait3A] : memref<10240x128xf32, #tpu.memory_space<vmem_shared>> -> memref<640x128xf32, #tpu.memory_space<vmem_shared>>
      tpu.wait_dma2 semaphore(%run_scoped3A : memref<!tpu.dma_semaphore, #tpu.memory_space<semaphore_mem>>) src(%arg4 : memref<640x128xf32, #tpu.memory_space<hbm>>) dst(%dma_wait3A_30 : memref<640x128xf32, #tpu.memory_space<vmem_shared>>)
      tpu.yield
    }) : () -> ()
    %scan3A = arith.constant 0 : i32
    %scan3A_3 = arith.constant 0 : i32
    %scan3A_4 = arith.constant 640 : i32
    %scan3A_5 = arith.addi %scan3A_3, %scan3A_4 : i32
    %scan3A_6 = arith.constant 1 : i32
    scf.for %scan3A_29 = %scan3A_3 to %scan3A_5 step %scan3A_6  : i32 {
      %broadcast_in_dim3A = arith.constant 0.000000e+00 : f32
      %broadcast_in_dim3A_30 = vector.broadcast %broadcast_in_dim3A : f32 to vector<16xf32>
      %mul3A_31 = arith.constant 16 : i32
      %mul3A_32 = arith.muli %scan3A_29, %mul3A_31 : i32
      %swap3A = arith.index_cast %mul3A_32 : i32 to index
      %swap3A_33 = tpu.vector_load %arg9[%swap3A] {strides = array<i32>} : memref<10240xf32, #tpu.memory_space<vmem>>, vector<16xf32>,
      tpu.vector_store %arg9[%swap3A], %broadcast_in_dim3A_30 {strides = array<i32>} : memref<10240xf32, #tpu.memory_space<vmem>>, vector<16xf32>,
    }
    %scan3A_7 = arith.constant 640 : i32
    %barrier3A = arith.constant 0 : index
    tpu.barrier barrier_id(%barrier3A)
    %scan3A_8 = arith.constant 0 : i32
    %scan3A_9 = arith.constant 0 : i32
    %scan3A_10 = arith.constant 79 : i32
    %scan3A_11 = arith.addi %scan3A_9, %scan3A_10 : i32
    %scan3A_12 = arith.constant 1 : i32
    scf.for %scan3A_29 = %scan3A_9 to %scan3A_11 step %scan3A_12  : i32 {
      %mul3A_30 = arith.constant 10112 : i32
      %mul3A_31 = arith.muli %add3A, %mul3A_30 : i32
      %mul3A_32 = arith.constant 128 : i32
      %mul3A_33 = arith.muli %scan3A_29, %mul3A_32 : i32
      %add3A_34 = arith.addi %mul3A_31, %mul3A_33 : i32
      %dma_start3A = tpu.memref_slice %arg3[%add3A_34] : memref<323584xi32, #tpu.memory_space<hbm>> -> memref<128xi32, #tpu.memory_space<hbm>>
      %dma_start3A_35 = tpu.memref_slice %arg3[%add3A_34] : memref<323584xi32, #tpu.memory_space<hbm>> -> memref<128xi32, #tpu.memory_space<hbm>>
      tpu.enqueue_dma source(%dma_start3A_35 : memref<128xi32, #tpu.memory_space<hbm>>) target(%arg7 : memref<128xi32, #tpu.memory_space<vmem>>) target_semaphore(%arg14 : memref<!tpu.dma_semaphore, #tpu.memory_space<semaphore_mem>>)
      %dma_start3A_36 = arith.constant 0 : i32
      %dma_start3A_37 = tpu.memref_slice %arg2[%add3A_34, %dma_start3A_36] : memref<323584x128xf32, #tpu.memory_space<hbm>> -> memref<128x128xf32, #tpu.memory_space<hbm>>
      %dma_start3A_38 = arith.constant 0 : i32
      %dma_start3A_39 = tpu.memref_slice %arg2[%add3A_34, %dma_start3A_38] : memref<323584x128xf32, #tpu.memory_space<hbm>> -> memref<128x128xf32, #tpu.memory_space<hbm>>
      tpu.enqueue_dma source(%dma_start3A_39 : memref<128x128xf32, #tpu.memory_space<hbm>>) target(%arg8 : memref<128x128xf32, #tpu.memory_space<vmem>>) target_semaphore(%arg15 : memref<!tpu.dma_semaphore, #tpu.memory_space<semaphore_mem>>)
      %dma_wait3A = tpu.memref_slice %arg3[%add3A_34] : memref<323584xi32, #tpu.memory_space<hbm>> -> memref<128xi32, #tpu.memory_space<hbm>>
      %dma_wait3A_40 = tpu.memref_slice %arg3[%add3A_34] : memref<323584xi32, #tpu.memory_space<hbm>> -> memref<128xi32, #tpu.memory_space<hbm>>
      tpu.wait_dma2 semaphore(%arg14 : memref<!tpu.dma_semaphore, #tpu.memory_space<semaphore_mem>>) src(%dma_wait3A_40 : memref<128xi32, #tpu.memory_space<hbm>>) dst(%arg7 : memref<128xi32, #tpu.memory_space<vmem>>)
      %dma_wait3A_41 = arith.constant 0 : i32
      %dma_wait3A_42 = tpu.memref_slice %arg2[%add3A_34, %dma_wait3A_41] : memref<323584x128xf32, #tpu.memory_space<hbm>> -> memref<128x128xf32, #tpu.memory_space<hbm>>
      %dma_wait3A_43 = arith.constant 0 : i32
      %dma_wait3A_44 = tpu.memref_slice %arg2[%add3A_34, %dma_wait3A_43] : memref<323584x128xf32, #tpu.memory_space<hbm>> -> memref<128x128xf32, #tpu.memory_space<hbm>>
      tpu.wait_dma2 semaphore(%arg15 : memref<!tpu.dma_semaphore, #tpu.memory_space<semaphore_mem>>) src(%dma_wait3A_44 : memref<128x128xf32, #tpu.memory_space<hbm>>) dst(%arg8 : memref<128x128xf32, #tpu.memory_space<vmem>>)
      "tpu.region"() ({
        %run_scoped3A = tpu.sem_alloc : memref<!tpu.dma_semaphore, #tpu.memory_space<semaphore_mem>>
        %dma_start3A_75 = arith.constant 0 : i32
        %dma_start3A_76 = arith.constant 0 : i32
        %dma_start3A_77 = tpu.memref_slice %arg12[%dma_start3A_75, %dma_start3A_76] : memref<10240x128xf32, #tpu.memory_space<vmem_shared>> -> memref<10240x128xf32, #tpu.memory_space<vmem_shared>>
        tpu.enqueue_indirect_dma source(%arg8 : memref<128x128xf32, #tpu.memory_space<vmem>>) target(%dma_start3A_77 : memref<10240x128xf32, #tpu.memory_space<vmem_shared>>) offsets(%arg7 : memref<128xi32, #tpu.memory_space<vmem>>) semaphore(%run_scoped3A : memref<!tpu.dma_semaphore, #tpu.memory_space<semaphore_mem>>) {add = true}
        %dma_wait3A_78 = arith.constant 0 : i32
        %dma_wait3A_79 = arith.constant 0 : i32
        %dma_wait3A_80 = tpu.memref_slice %arg12[%dma_wait3A_78, %dma_wait3A_79] : memref<10240x128xf32, #tpu.memory_space<vmem_shared>> -> memref<10240x128xf32, #tpu.memory_space<vmem_shared>>
        tpu.wait_indirect_dma semaphore(%run_scoped3A : memref<!tpu.dma_semaphore, #tpu.memory_space<semaphore_mem>>) src(%arg8 : memref<128x128xf32, #tpu.memory_space<vmem>>) dst(%dma_wait3A_80 : memref<10240x128xf32, #tpu.memory_space<vmem_shared>>)
        tpu.yield
      }) : () -> ()
      %get3A = arith.constant 0 : index
      %get3A_45 = tpu.vector_load %arg7[%get3A] {strides = array<i32>} : memref<128xi32, #tpu.memory_space<vmem>>, vector<16xi32>,
      %broadcast_in_dim3A = arith.constant 1.000000e+00 : f32
      %broadcast_in_dim3A_46 = vector.broadcast %broadcast_in_dim3A : f32 to vector<16xf32>
      tpu.vector_store_idx %arg9[%get3A_45], %broadcast_in_dim3A_46 {add = true} : memref<10240xf32, #tpu.memory_space<vmem>>[vector<16xi32>], vector<16xf32>,
      %get3A_47 = arith.constant 16 : index
      %get3A_48 = tpu.vector_load %arg7[%get3A_47] {strides = array<i32>} : memref<128xi32, #tpu.memory_space<vmem>>, vector<16xi32>,
      %broadcast_in_dim3A_49 = arith.constant 1.000000e+00 : f32
      %broadcast_in_dim3A_50 = vector.broadcast %broadcast_in_dim3A_49 : f32 to vector<16xf32>
      tpu.vector_store_idx %arg9[%get3A_48], %broadcast_in_dim3A_50 {add = true} : memref<10240xf32, #tpu.memory_space<vmem>>[vector<16xi32>], vector<16xf32>,
      %get3A_51 = arith.constant 32 : index
      %get3A_52 = tpu.vector_load %arg7[%get3A_51] {strides = array<i32>} : memref<128xi32, #tpu.memory_space<vmem>>, vector<16xi32>,
      %broadcast_in_dim3A_53 = arith.constant 1.000000e+00 : f32
      %broadcast_in_dim3A_54 = vector.broadcast %broadcast_in_dim3A_53 : f32 to vector<16xf32>
      tpu.vector_store_idx %arg9[%get3A_52], %broadcast_in_dim3A_54 {add = true} : memref<10240xf32, #tpu.memory_space<vmem>>[vector<16xi32>], vector<16xf32>,
      %get3A_55 = arith.constant 48 : index
      %get3A_56 = tpu.vector_load %arg7[%get3A_55] {strides = array<i32>} : memref<128xi32, #tpu.memory_space<vmem>>, vector<16xi32>,
      %broadcast_in_dim3A_57 = arith.constant 1.000000e+00 : f32
      %broadcast_in_dim3A_58 = vector.broadcast %broadcast_in_dim3A_57 : f32 to vector<16xf32>
      tpu.vector_store_idx %arg9[%get3A_56], %broadcast_in_dim3A_58 {add = true} : memref<10240xf32, #tpu.memory_space<vmem>>[vector<16xi32>], vector<16xf32>,
      %get3A_59 = arith.constant 64 : index
      %get3A_60 = tpu.vector_load %arg7[%get3A_59] {strides = array<i32>} : memref<128xi32, #tpu.memory_space<vmem>>, vector<16xi32>,
      %broadcast_in_dim3A_61 = arith.constant 1.000000e+00 : f32
      %broadcast_in_dim3A_62 = vector.broadcast %broadcast_in_dim3A_61 : f32 to vector<16xf32>
      tpu.vector_store_idx %arg9[%get3A_60], %broadcast_in_dim3A_62 {add = true} : memref<10240xf32, #tpu.memory_space<vmem>>[vector<16xi32>], vector<16xf32>,
      %get3A_63 = arith.constant 80 : index
      %get3A_64 = tpu.vector_load %arg7[%get3A_63] {strides = array<i32>} : memref<128xi32, #tpu.memory_space<vmem>>, vector<16xi32>,
      %broadcast_in_dim3A_65 = arith.constant 1.000000e+00 : f32
      %broadcast_in_dim3A_66 = vector.broadcast %broadcast_in_dim3A_65 : f32 to vector<16xf32>
      tpu.vector_store_idx %arg9[%get3A_64], %broadcast_in_dim3A_66 {add = true} : memref<10240xf32, #tpu.memory_space<vmem>>[vector<16xi32>], vector<16xf32>,
      %get3A_67 = arith.constant 96 : index
      %get3A_68 = tpu.vector_load %arg7[%get3A_67] {strides = array<i32>} : memref<128xi32, #tpu.memory_space<vmem>>, vector<16xi32>,
      %broadcast_in_dim3A_69 = arith.constant 1.000000e+00 : f32
      %broadcast_in_dim3A_70 = vector.broadcast %broadcast_in_dim3A_69 : f32 to vector<16xf32>
      tpu.vector_store_idx %arg9[%get3A_68], %broadcast_in_dim3A_70 {add = true} : memref<10240xf32, #tpu.memory_space<vmem>>[vector<16xi32>], vector<16xf32>,
      %get3A_71 = arith.constant 112 : index
      %get3A_72 = tpu.vector_load %arg7[%get3A_71] {strides = array<i32>} : memref<128xi32, #tpu.memory_space<vmem>>, vector<16xi32>,
      %broadcast_in_dim3A_73 = arith.constant 1.000000e+00 : f32
      %broadcast_in_dim3A_74 = vector.broadcast %broadcast_in_dim3A_73 : f32 to vector<16xf32>
      tpu.vector_store_idx %arg9[%get3A_72], %broadcast_in_dim3A_74 {add = true} : memref<10240xf32, #tpu.memory_space<vmem>>[vector<16xi32>], vector<16xf32>,
    }
    %scan3A_13 = arith.constant 79 : i32
    "tpu.region"() ({
      %run_scoped3A = tpu.sem_alloc : memref<!tpu.dma_semaphore, #tpu.memory_space<semaphore_mem>>
      %dma_start3A = arith.constant 0 : i32
      %dma_start3A_29 = tpu.memref_slice %arg13[%arg1, %dma_start3A] : memref<16x10240xf32, #tpu.memory_space<vmem_shared>> -> memref<1x10240xf32, #tpu.memory_space<vmem_shared>>
      %dma_start3A_30 = tpu.memref_squeeze %dma_start3A_29 : memref<1x10240xf32, #tpu.memory_space<vmem_shared>> -> memref<10240xf32, #tpu.memory_space<vmem_shared>>
      %dma_start3A_31 = arith.constant 0 : i32
      %dma_start3A_32 = tpu.memref_slice %arg13[%arg1, %dma_start3A_31] : memref<16x10240xf32, #tpu.memory_space<vmem_shared>> -> memref<1x10240xf32, #tpu.memory_space<vmem_shared>>
      %dma_start3A_33 = tpu.memref_squeeze %dma_start3A_32 : memref<1x10240xf32, #tpu.memory_space<vmem_shared>> -> memref<10240xf32, #tpu.memory_space<vmem_shared>>
      tpu.enqueue_dma source(%arg9 : memref<10240xf32, #tpu.memory_space<vmem>>) target(%dma_start3A_33 : memref<10240xf32, #tpu.memory_space<vmem_shared>>) target_semaphore(%run_scoped3A : memref<!tpu.dma_semaphore, #tpu.memory_space<semaphore_mem>>)
      %dma_wait3A = arith.constant 0 : i32
      %dma_wait3A_34 = tpu.memref_slice %arg13[%arg1, %dma_wait3A] : memref<16x10240xf32, #tpu.memory_space<vmem_shared>> -> memref<1x10240xf32, #tpu.memory_space<vmem_shared>>
      %dma_wait3A_35 = tpu.memref_squeeze %dma_wait3A_34 : memref<1x10240xf32, #tpu.memory_space<vmem_shared>> -> memref<10240xf32, #tpu.memory_space<vmem_shared>>
      %dma_wait3A_36 = arith.constant 0 : i32
      %dma_wait3A_37 = tpu.memref_slice %arg13[%arg1, %dma_wait3A_36] : memref<16x10240xf32, #tpu.memory_space<vmem_shared>> -> memref<1x10240xf32, #tpu.memory_space<vmem_shared>>
      %dma_wait3A_38 = tpu.memref_squeeze %dma_wait3A_37 : memref<1x10240xf32, #tpu.memory_space<vmem_shared>> -> memref<10240xf32, #tpu.memory_space<vmem_shared>>
      tpu.wait_dma2 semaphore(%run_scoped3A : memref<!tpu.dma_semaphore, #tpu.memory_space<semaphore_mem>>) src(%arg9 : memref<10240xf32, #tpu.memory_space<vmem>>) dst(%dma_wait3A_38 : memref<10240xf32, #tpu.memory_space<vmem_shared>>)
      tpu.yield
    }) : () -> ()
    %barrier3A_14 = arith.constant 0 : index
    tpu.barrier barrier_id(%barrier3A_14)
    %mul3A_15 = arith.constant 640 : i32
    %mul3A_16 = arith.muli %arg1, %mul3A_15 : i32
    %mul3A_17 = arith.constant 640 : i32
    %mul3A_18 = arith.muli %arg1, %mul3A_17 : i32
    "tpu.region"() ({
      %run_scoped3A = tpu.sem_alloc : memref<!tpu.dma_semaphore, #tpu.memory_space<semaphore_mem>>
      %dma_start3A = arith.constant 0 : i32
      %dma_start3A_29 = tpu.memref_slice %arg5[%arg0, %mul3A_18, %dma_start3A] : memref<2x10240x128xf32, #tpu.memory_space<hbm>> -> memref<1x640x128xf32, #tpu.memory_space<hbm>>
      %dma_start3A_30 = tpu.memref_squeeze %dma_start3A_29 : memref<1x640x128xf32, #tpu.memory_space<hbm>> -> memref<640x128xf32, #tpu.memory_space<hbm>>
      %dma_start3A_31 = arith.constant 0 : i32
      %dma_start3A_32 = tpu.memref_slice %arg12[%mul3A_16, %dma_start3A_31] : memref<10240x128xf32, #tpu.memory_space<vmem_shared>> -> memref<640x128xf32, #tpu.memory_space<vmem_shared>>
      tpu.enqueue_dma source(%dma_start3A_32 : memref<640x128xf32, #tpu.memory_space<vmem_shared>>) target(%dma_start3A_30 : memref<640x128xf32, #tpu.memory_space<hbm>>) target_semaphore(%run_scoped3A : memref<!tpu.dma_semaphore, #tpu.memory_space<semaphore_mem>>)
      %dma_wait3A = arith.constant 0 : i32
      %dma_wait3A_33 = tpu.memref_slice %arg5[%arg0, %mul3A_18, %dma_wait3A] : memref<2x10240x128xf32, #tpu.memory_space<hbm>> -> memref<1x640x128xf32, #tpu.memory_space<hbm>>
      %dma_wait3A_34 = tpu.memref_squeeze %dma_wait3A_33 : memref<1x640x128xf32, #tpu.memory_space<hbm>> -> memref<640x128xf32, #tpu.memory_space<hbm>>
      %dma_wait3A_35 = arith.constant 0 : i32
      %dma_wait3A_36 = tpu.memref_slice %arg12[%mul3A_16, %dma_wait3A_35] : memref<10240x128xf32, #tpu.memory_space<vmem_shared>> -> memref<640x128xf32, #tpu.memory_space<vmem_shared>>
      tpu.wait_dma2 semaphore(%run_scoped3A : memref<!tpu.dma_semaphore, #tpu.memory_space<semaphore_mem>>) src(%dma_wait3A_36 : memref<640x128xf32, #tpu.memory_space<vmem_shared>>) dst(%dma_wait3A_34 : memref<640x128xf32, #tpu.memory_space<hbm>>)
      tpu.yield
    }) : () -> ()
    %mul3A_19 = arith.constant 640 : i32
    %mul3A_20 = arith.muli %arg1, %mul3A_19 : i32
    "tpu.region"() ({
      %run_scoped3A = tpu.sem_alloc : memref<!tpu.dma_semaphore, #tpu.memory_space<semaphore_mem>>
      %dma_start3A = arith.constant 0 : i32
      %dma_start3A_29 = tpu.memref_slice %arg13[%dma_start3A, %mul3A_20] : memref<16x10240xf32, #tpu.memory_space<vmem_shared>> -> memref<16x640xf32, #tpu.memory_space<vmem_shared>>
      %dma_start3A_30 = arith.constant 0 : i32
      %dma_start3A_31 = tpu.memref_slice %arg13[%dma_start3A_30, %mul3A_20] : memref<16x10240xf32, #tpu.memory_space<vmem_shared>> -> memref<16x640xf32, #tpu.memory_space<vmem_shared>>
      tpu.enqueue_dma source(%dma_start3A_31 : memref<16x640xf32, #tpu.memory_space<vmem_shared>>) target(%arg10 : memref<16x640xf32, #tpu.memory_space<vmem>>) target_semaphore(%run_scoped3A : memref<!tpu.dma_semaphore, #tpu.memory_space<semaphore_mem>>)
      %dma_wait3A = arith.constant 0 : i32
      %dma_wait3A_32 = tpu.memref_slice %arg13[%dma_wait3A, %mul3A_20] : memref<16x10240xf32, #tpu.memory_space<vmem_shared>> -> memref<16x640xf32, #tpu.memory_space<vmem_shared>>
      %dma_wait3A_33 = arith.constant 0 : i32
      %dma_wait3A_34 = tpu.memref_slice %arg13[%dma_wait3A_33, %mul3A_20] : memref<16x10240xf32, #tpu.memory_space<vmem_shared>> -> memref<16x640xf32, #tpu.memory_space<vmem_shared>>
      tpu.wait_dma2 semaphore(%run_scoped3A : memref<!tpu.dma_semaphore, #tpu.memory_space<semaphore_mem>>) src(%dma_wait3A_34 : memref<16x640xf32, #tpu.memory_space<vmem_shared>>) dst(%arg10 : memref<16x640xf32, #tpu.memory_space<vmem>>)
      tpu.yield
    }) : () -> ()
    %scan3A_21 = arith.constant 0 : i32
    %scan3A_22 = arith.constant 0 : i32
    %scan3A_23 = arith.constant 40 : i32
    %scan3A_24 = arith.addi %scan3A_22, %scan3A_23 : i32
    %scan3A_25 = arith.constant 1 : i32
    scf.for %scan3A_29 = %scan3A_22 to %scan3A_24 step %scan3A_25  : i32 {
      %broadcast_in_dim3A = arith.constant 0.000000e+00 : f32
      %broadcast_in_dim3A_30 = vector.broadcast %broadcast_in_dim3A : f32 to vector<16xf32>
      %mul3A_31 = arith.constant 16 : i32
      %mul3A_32 = arith.muli %scan3A_29, %mul3A_31 : i32
      %get3A = arith.constant 0 : i32
      %get3A_33 = arith.index_cast %get3A : i32 to index
      %get3A_34 = arith.index_cast %mul3A_32 : i32 to index
      %get3A_35 = tpu.vector_load %arg10[%get3A_33, %get3A_34] {strides = array<i32>} : memref<16x640xf32, #tpu.memory_space<vmem>>, vector<16xf32>,
      %add3A_36 = arith.addf %broadcast_in_dim3A_30, %get3A_35 : vector<16xf32>
      %mul3A_37 = arith.constant 16 : i32
      %mul3A_38 = arith.muli %scan3A_29, %mul3A_37 : i32
      %get3A_39 = arith.constant 1 : i32
      %get3A_40 = arith.index_cast %get3A_39 : i32 to index
      %get3A_41 = arith.index_cast %mul3A_38 : i32 to index
      %get3A_42 = tpu.vector_load %arg10[%get3A_40, %get3A_41] {strides = array<i32>} : memref<16x640xf32, #tpu.memory_space<vmem>>, vector<16xf32>,
      %add3A_43 = arith.addf %add3A_36, %get3A_42 : vector<16xf32>
      %mul3A_44 = arith.constant 16 : i32
      %mul3A_45 = arith.muli %scan3A_29, %mul3A_44 : i32
      %get3A_46 = arith.constant 2 : i32
      %get3A_47 = arith.index_cast %get3A_46 : i32 to index
      %get3A_48 = arith.index_cast %mul3A_45 : i32 to index
      %get3A_49 = tpu.vector_load %arg10[%get3A_47, %get3A_48] {strides = array<i32>} : memref<16x640xf32, #tpu.memory_space<vmem>>, vector<16xf32>,
      %add3A_50 = arith.addf %add3A_43, %get3A_49 : vector<16xf32>
      %mul3A_51 = arith.constant 16 : i32
      %mul3A_52 = arith.muli %scan3A_29, %mul3A_51 : i32
      %get3A_53 = arith.constant 3 : i32
      %get3A_54 = arith.index_cast %get3A_53 : i32 to index
      %get3A_55 = arith.index_cast %mul3A_52 : i32 to index
      %get3A_56 = tpu.vector_load %arg10[%get3A_54, %get3A_55] {strides = array<i32>} : memref<16x640xf32, #tpu.memory_space<vmem>>, vector<16xf32>,
      %add3A_57 = arith.addf %add3A_50, %get3A_56 : vector<16xf32>
      %mul3A_58 = arith.constant 16 : i32
      %mul3A_59 = arith.muli %scan3A_29, %mul3A_58 : i32
      %get3A_60 = arith.constant 4 : i32
      %get3A_61 = arith.index_cast %get3A_60 : i32 to index
      %get3A_62 = arith.index_cast %mul3A_59 : i32 to index
      %get3A_63 = tpu.vector_load %arg10[%get3A_61, %get3A_62] {strides = array<i32>} : memref<16x640xf32, #tpu.memory_space<vmem>>, vector<16xf32>,
      %add3A_64 = arith.addf %add3A_57, %get3A_63 : vector<16xf32>
      %mul3A_65 = arith.constant 16 : i32
      %mul3A_66 = arith.muli %scan3A_29, %mul3A_65 : i32
      %get3A_67 = arith.constant 5 : i32
      %get3A_68 = arith.index_cast %get3A_67 : i32 to index
      %get3A_69 = arith.index_cast %mul3A_66 : i32 to index
      %get3A_70 = tpu.vector_load %arg10[%get3A_68, %get3A_69] {strides = array<i32>} : memref<16x640xf32, #tpu.memory_space<vmem>>, vector<16xf32>,
      %add3A_71 = arith.addf %add3A_64, %get3A_70 : vector<16xf32>
      %mul3A_72 = arith.constant 16 : i32
      %mul3A_73 = arith.muli %scan3A_29, %mul3A_72 : i32
      %get3A_74 = arith.constant 6 : i32
      %get3A_75 = arith.index_cast %get3A_74 : i32 to index
      %get3A_76 = arith.index_cast %mul3A_73 : i32 to index
      %get3A_77 = tpu.vector_load %arg10[%get3A_75, %get3A_76] {strides = array<i32>} : memref<16x640xf32, #tpu.memory_space<vmem>>, vector<16xf32>,
      %add3A_78 = arith.addf %add3A_71, %get3A_77 : vector<16xf32>
      %mul3A_79 = arith.constant 16 : i32
      %mul3A_80 = arith.muli %scan3A_29, %mul3A_79 : i32
      %get3A_81 = arith.constant 7 : i32
      %get3A_82 = arith.index_cast %get3A_81 : i32 to index
      %get3A_83 = arith.index_cast %mul3A_80 : i32 to index
      %get3A_84 = tpu.vector_load %arg10[%get3A_82, %get3A_83] {strides = array<i32>} : memref<16x640xf32, #tpu.memory_space<vmem>>, vector<16xf32>,
      %add3A_85 = arith.addf %add3A_78, %get3A_84 : vector<16xf32>
      %mul3A_86 = arith.constant 16 : i32
      %mul3A_87 = arith.muli %scan3A_29, %mul3A_86 : i32
      %get3A_88 = arith.constant 8 : i32
      %get3A_89 = arith.index_cast %get3A_88 : i32 to index
      %get3A_90 = arith.index_cast %mul3A_87 : i32 to index
      %get3A_91 = tpu.vector_load %arg10[%get3A_89, %get3A_90] {strides = array<i32>} : memref<16x640xf32, #tpu.memory_space<vmem>>, vector<16xf32>,
      %add3A_92 = arith.addf %add3A_85, %get3A_91 : vector<16xf32>
      %mul3A_93 = arith.constant 16 : i32
      %mul3A_94 = arith.muli %scan3A_29, %mul3A_93 : i32
      %get3A_95 = arith.constant 9 : i32
      %get3A_96 = arith.index_cast %get3A_95 : i32 to index
      %get3A_97 = arith.index_cast %mul3A_94 : i32 to index
      %get3A_98 = tpu.vector_load %arg10[%get3A_96, %get3A_97] {strides = array<i32>} : memref<16x640xf32, #tpu.memory_space<vmem>>, vector<16xf32>,
      %add3A_99 = arith.addf %add3A_92, %get3A_98 : vector<16xf32>
      %mul3A_100 = arith.constant 16 : i32
      %mul3A_101 = arith.muli %scan3A_29, %mul3A_100 : i32
      %get3A_102 = arith.constant 10 : i32
      %get3A_103 = arith.index_cast %get3A_102 : i32 to index
      %get3A_104 = arith.index_cast %mul3A_101 : i32 to index
      %get3A_105 = tpu.vector_load %arg10[%get3A_103, %get3A_104] {strides = array<i32>} : memref<16x640xf32, #tpu.memory_space<vmem>>, vector<16xf32>,
      %add3A_106 = arith.addf %add3A_99, %get3A_105 : vector<16xf32>
      %mul3A_107 = arith.constant 16 : i32
      %mul3A_108 = arith.muli %scan3A_29, %mul3A_107 : i32
      %get3A_109 = arith.constant 11 : i32
      %get3A_110 = arith.index_cast %get3A_109 : i32 to index
      %get3A_111 = arith.index_cast %mul3A_108 : i32 to index
      %get3A_112 = tpu.vector_load %arg10[%get3A_110, %get3A_111] {strides = array<i32>} : memref<16x640xf32, #tpu.memory_space<vmem>>, vector<16xf32>,
      %add3A_113 = arith.addf %add3A_106, %get3A_112 : vector<16xf32>
      %mul3A_114 = arith.constant 16 : i32
      %mul3A_115 = arith.muli %scan3A_29, %mul3A_114 : i32
      %get3A_116 = arith.constant 12 : i32
      %get3A_117 = arith.index_cast %get3A_116 : i32 to index
      %get3A_118 = arith.index_cast %mul3A_115 : i32 to index
      %get3A_119 = tpu.vector_load %arg10[%get3A_117, %get3A_118] {strides = array<i32>} : memref<16x640xf32, #tpu.memory_space<vmem>>, vector<16xf32>,
      %add3A_120 = arith.addf %add3A_113, %get3A_119 : vector<16xf32>
      %mul3A_121 = arith.constant 16 : i32
      %mul3A_122 = arith.muli %scan3A_29, %mul3A_121 : i32
      %get3A_123 = arith.constant 13 : i32
      %get3A_124 = arith.index_cast %get3A_123 : i32 to index
      %get3A_125 = arith.index_cast %mul3A_122 : i32 to index
      %get3A_126 = tpu.vector_load %arg10[%get3A_124, %get3A_125] {strides = array<i32>} : memref<16x640xf32, #tpu.memory_space<vmem>>, vector<16xf32>,
      %add3A_127 = arith.addf %add3A_120, %get3A_126 : vector<16xf32>
      %mul3A_128 = arith.constant 16 : i32
      %mul3A_129 = arith.muli %scan3A_29, %mul3A_128 : i32
      %get3A_130 = arith.constant 14 : i32
      %get3A_131 = arith.index_cast %get3A_130 : i32 to index
      %get3A_132 = arith.index_cast %mul3A_129 : i32 to index
      %get3A_133 = tpu.vector_load %arg10[%get3A_131, %get3A_132] {strides = array<i32>} : memref<16x640xf32, #tpu.memory_space<vmem>>, vector<16xf32>,
      %add3A_134 = arith.addf %add3A_127, %get3A_133 : vector<16xf32>
      %mul3A_135 = arith.constant 16 : i32
      %mul3A_136 = arith.muli %scan3A_29, %mul3A_135 : i32
      %get3A_137 = arith.constant 15 : i32
      %get3A_138 = arith.index_cast %get3A_137 : i32 to index
      %get3A_139 = arith.index_cast %mul3A_136 : i32 to index
      %get3A_140 = tpu.vector_load %arg10[%get3A_138, %get3A_139] {strides = array<i32>} : memref<16x640xf32, #tpu.memory_space<vmem>>, vector<16xf32>,
      %add3A_141 = arith.addf %add3A_134, %get3A_140 : vector<16xf32>
      %mul3A_142 = arith.constant 16 : i32
      %mul3A_143 = arith.muli %scan3A_29, %mul3A_142 : i32
      %swap3A = arith.index_cast %mul3A_143 : i32 to index
      %swap3A_144 = tpu.vector_load %arg11[%swap3A] {strides = array<i32>} : memref<640xf32, #tpu.memory_space<vmem>>, vector<16xf32>,
      tpu.vector_store %arg11[%swap3A], %add3A_141 {strides = array<i32>} : memref<640xf32, #tpu.memory_space<vmem>>, vector<16xf32>,
    }
    %scan3A_26 = arith.constant 40 : i32
    %mul3A_27 = arith.constant 640 : i32
    %mul3A_28 = arith.muli %arg1, %mul3A_27 : i32
    "tpu.region"() ({
      %run_scoped3A = tpu.sem_alloc : memref<!tpu.dma_semaphore, #tpu.memory_space<semaphore_mem>>
      %dma_start3A = tpu.memref_slice %arg6[%arg0, %mul3A_28] : memref<2x10240xf32, #tpu.memory_space<hbm>> -> memref<1x640xf32, #tpu.memory_space<hbm>>
      %dma_start3A_29 = tpu.memref_squeeze %dma_start3A : memref<1x640xf32, #tpu.memory_space<hbm>> -> memref<640xf32, #tpu.memory_space<hbm>>
      %dma_start3A_30 = tpu.memref_slice %arg6[%arg0, %mul3A_28] : memref<2x10240xf32, #tpu.memory_space<hbm>> -> memref<1x640xf32, #tpu.memory_space<hbm>>
      %dma_start3A_31 = tpu.memref_squeeze %dma_start3A_30 : memref<1x640xf32, #tpu.memory_space<hbm>> -> memref<640xf32, #tpu.memory_space<hbm>>
      tpu.enqueue_dma source(%arg11 : memref<640xf32, #tpu.memory_space<vmem>>) target(%dma_start3A_31 : memref<640xf32, #tpu.memory_space<hbm>>) target_semaphore(%run_scoped3A : memref<!tpu.dma_semaphore, #tpu.memory_space<semaphore_mem>>)
      %dma_wait3A = tpu.memref_slice %arg6[%arg0, %mul3A_28] : memref<2x10240xf32, #tpu.memory_space<hbm>> -> memref<1x640xf32, #tpu.memory_space<hbm>>
      %dma_wait3A_32 = tpu.memref_squeeze %dma_wait3A : memref<1x640xf32, #tpu.memory_space<hbm>> -> memref<640xf32, #tpu.memory_space<hbm>>
      %dma_wait3A_33 = tpu.memref_slice %arg6[%arg0, %mul3A_28] : memref<2x10240xf32, #tpu.memory_space<hbm>> -> memref<1x640xf32, #tpu.memory_space<hbm>>
      %dma_wait3A_34 = tpu.memref_squeeze %dma_wait3A_33 : memref<1x640xf32, #tpu.memory_space<hbm>> -> memref<640xf32, #tpu.memory_space<hbm>>
      tpu.wait_dma2 semaphore(%run_scoped3A : memref<!tpu.dma_semaphore, #tpu.memory_space<semaphore_mem>>) src(%arg11 : memref<640xf32, #tpu.memory_space<vmem>>) dst(%dma_wait3A_34 : memref<640xf32, #tpu.memory_space<hbm>>)
      tpu.yield
    }) : () -> ()
    return
  }
}

#map = affine_map<(d0, d1) -> (0, 0)>
#map1 = affine_map<(d0, d1) -> (0)>
#map2 = affine_map<(d0, d1) -> (0, 0, 0)>
module attributes {stable_mosaic.version = 14 : i64} {
  func.func @sk(%arg0: i32, %arg1: i32, %arg2: memref<163840x128xf32, #tpu.memory_space<hbm>>, %arg3: memref<163840xi32, #tpu.memory_space<hbm>>, %arg4: memref<640x128xf32, #tpu.memory_space<hbm>>, %arg5: memref<2x10240x128xf32, #tpu.memory_space<hbm>>, %arg6: memref<2x10240xf32, #tpu.memory_space<hbm>>, %arg7: memref<128xi32, #tpu.memory_space<vmem>>, %arg8: memref<128x128xf32, #tpu.memory_space<vmem>>, %arg9: memref<10240xf32, #tpu.memory_space<vmem>>, %arg10: memref<16x640xf32, #tpu.memory_space<vmem>>, %arg11: memref<640xf32, #tpu.memory_space<vmem>>, %arg12: memref<10240x128xf32, #tpu.memory_space<vmem_shared>>, %arg13: memref<16x10240xf32, #tpu.memory_space<vmem_shared>>, %arg14: memref<!tpu.dma_semaphore, #tpu.memory_space<semaphore_mem>>, %arg15: memref<!tpu.dma_semaphore, #tpu.memory_space<semaphore_mem>>) attributes {dimension_semantics = [#tpu.dimension_semantics<core_parallel>, #tpu.dimension_semantics<subcore_parallel>], iteration_bounds = array<i64: 2, 16>, scalar_prefetch = 0 : i64, scratch_operands = 9 : i64, tpu.core_type = #tpu.core_type<sc_vector_subcore>, window_params = [{transform_indices = #map}, {transform_indices = #map1}, {transform_indices = #map}, {transform_indices = #map2}, {transform_indices = #map}]} {
    %mul3A = arith.constant 2 : i32
    %mul3A_0 = arith.muli %arg1, %mul3A : i32
    %add3A = arith.addi %mul3A_0, %arg0 : i32
    %mul3A_1 = arith.constant 640 : i32
    %mul3A_2 = arith.muli %arg1, %mul3A_1 : i32
    "tpu.region"() ({
      %run_scoped3A = tpu.sem_alloc : memref<!tpu.dma_semaphore, #tpu.memory_space<semaphore_mem>>
      %dma_start3A = arith.constant 0 : i32
      %dma_start3A_29 = tpu.memref_slice %arg12[%mul3A_2, %dma_start3A] : memref<10240x128xf32, #tpu.memory_space<vmem_shared>> -> memref<640x128xf32, #tpu.memory_space<vmem_shared>>
      tpu.enqueue_dma source(%arg4 : memref<640x128xf32, #tpu.memory_space<hbm>>) target(%dma_start3A_29 : memref<640x128xf32, #tpu.memory_space<vmem_shared>>) target_semaphore(%run_scoped3A : memref<!tpu.dma_semaphore, #tpu.memory_space<semaphore_mem>>)
      %dma_wait3A = arith.constant 0 : i32
      %dma_wait3A_30 = tpu.memref_slice %arg12[%mul3A_2, %dma_wait3A] : memref<10240x128xf32, #tpu.memory_space<vmem_shared>> -> memref<640x128xf32, #tpu.memory_space<vmem_shared>>
      tpu.wait_dma2 semaphore(%run_scoped3A : memref<!tpu.dma_semaphore, #tpu.memory_space<semaphore_mem>>) src(%arg4 : memref<640x128xf32, #tpu.memory_space<hbm>>) dst(%dma_wait3A_30 : memref<640x128xf32, #tpu.memory_space<vmem_shared>>)
      tpu.yield
    }) : () -> ()
    %scan3A = arith.constant 0 : i32
    %scan3A_3 = arith.constant 0 : i32
    %scan3A_4 = arith.constant 640 : i32
    %scan3A_5 = arith.addi %scan3A_3, %scan3A_4 : i32
    %scan3A_6 = arith.constant 1 : i32
    scf.for %scan3A_29 = %scan3A_3 to %scan3A_5 step %scan3A_6  : i32 {
      %broadcast_in_dim3A = arith.constant 0.000000e+00 : f32
      %broadcast_in_dim3A_30 = vector.broadcast %broadcast_in_dim3A : f32 to vector<16xf32>
      %mul3A_31 = arith.constant 16 : i32
      %mul3A_32 = arith.muli %scan3A_29, %mul3A_31 : i32
      %swap3A = arith.index_cast %mul3A_32 : i32 to index
      %swap3A_33 = tpu.vector_load %arg9[%swap3A] {strides = array<i32>} : memref<10240xf32, #tpu.memory_space<vmem>>, vector<16xf32>,
      tpu.vector_store %arg9[%swap3A], %broadcast_in_dim3A_30 {strides = array<i32>} : memref<10240xf32, #tpu.memory_space<vmem>>, vector<16xf32>,
    }
    %scan3A_7 = arith.constant 640 : i32
    %barrier3A = arith.constant 0 : index
    tpu.barrier barrier_id(%barrier3A)
    %scan3A_8 = arith.constant 0 : i32
    %scan3A_9 = arith.constant 0 : i32
    %scan3A_10 = arith.constant 40 : i32
    %scan3A_11 = arith.addi %scan3A_9, %scan3A_10 : i32
    %scan3A_12 = arith.constant 1 : i32
    scf.for %scan3A_29 = %scan3A_9 to %scan3A_11 step %scan3A_12  : i32 {
      %mul3A_30 = arith.constant 5120 : i32
      %mul3A_31 = arith.muli %add3A, %mul3A_30 : i32
      %mul3A_32 = arith.constant 128 : i32
      %mul3A_33 = arith.muli %scan3A_29, %mul3A_32 : i32
      %add3A_34 = arith.addi %mul3A_31, %mul3A_33 : i32
      %dma_start3A = tpu.memref_slice %arg3[%add3A_34] : memref<163840xi32, #tpu.memory_space<hbm>> -> memref<128xi32, #tpu.memory_space<hbm>>
      %dma_start3A_35 = tpu.memref_slice %arg3[%add3A_34] : memref<163840xi32, #tpu.memory_space<hbm>> -> memref<128xi32, #tpu.memory_space<hbm>>
      tpu.enqueue_dma source(%dma_start3A_35 : memref<128xi32, #tpu.memory_space<hbm>>) target(%arg7 : memref<128xi32, #tpu.memory_space<vmem>>) target_semaphore(%arg14 : memref<!tpu.dma_semaphore, #tpu.memory_space<semaphore_mem>>)
      %dma_start3A_36 = arith.constant 0 : i32
      %dma_start3A_37 = tpu.memref_slice %arg2[%add3A_34, %dma_start3A_36] : memref<163840x128xf32, #tpu.memory_space<hbm>> -> memref<128x128xf32, #tpu.memory_space<hbm>>
      %dma_start3A_38 = arith.constant 0 : i32
      %dma_start3A_39 = tpu.memref_slice %arg2[%add3A_34, %dma_start3A_38] : memref<163840x128xf32, #tpu.memory_space<hbm>> -> memref<128x128xf32, #tpu.memory_space<hbm>>
      tpu.enqueue_dma source(%dma_start3A_39 : memref<128x128xf32, #tpu.memory_space<hbm>>) target(%arg8 : memref<128x128xf32, #tpu.memory_space<vmem>>) target_semaphore(%arg15 : memref<!tpu.dma_semaphore, #tpu.memory_space<semaphore_mem>>)
      %dma_wait3A = tpu.memref_slice %arg3[%add3A_34] : memref<163840xi32, #tpu.memory_space<hbm>> -> memref<128xi32, #tpu.memory_space<hbm>>
      %dma_wait3A_40 = tpu.memref_slice %arg3[%add3A_34] : memref<163840xi32, #tpu.memory_space<hbm>> -> memref<128xi32, #tpu.memory_space<hbm>>
      tpu.wait_dma2 semaphore(%arg14 : memref<!tpu.dma_semaphore, #tpu.memory_space<semaphore_mem>>) src(%dma_wait3A_40 : memref<128xi32, #tpu.memory_space<hbm>>) dst(%arg7 : memref<128xi32, #tpu.memory_space<vmem>>)
      %dma_wait3A_41 = arith.constant 0 : i32
      %dma_wait3A_42 = tpu.memref_slice %arg2[%add3A_34, %dma_wait3A_41] : memref<163840x128xf32, #tpu.memory_space<hbm>> -> memref<128x128xf32, #tpu.memory_space<hbm>>
      %dma_wait3A_43 = arith.constant 0 : i32
      %dma_wait3A_44 = tpu.memref_slice %arg2[%add3A_34, %dma_wait3A_43] : memref<163840x128xf32, #tpu.memory_space<hbm>> -> memref<128x128xf32, #tpu.memory_space<hbm>>
      tpu.wait_dma2 semaphore(%arg15 : memref<!tpu.dma_semaphore, #tpu.memory_space<semaphore_mem>>) src(%dma_wait3A_44 : memref<128x128xf32, #tpu.memory_space<hbm>>) dst(%arg8 : memref<128x128xf32, #tpu.memory_space<vmem>>)
      "tpu.region"() ({
        %run_scoped3A = tpu.sem_alloc : memref<!tpu.dma_semaphore, #tpu.memory_space<semaphore_mem>>
        %dma_start3A_75 = arith.constant 0 : i32
        %dma_start3A_76 = arith.constant 0 : i32
        %dma_start3A_77 = tpu.memref_slice %arg12[%dma_start3A_75, %dma_start3A_76] : memref<10240x128xf32, #tpu.memory_space<vmem_shared>> -> memref<10240x128xf32, #tpu.memory_space<vmem_shared>>
        tpu.enqueue_indirect_dma source(%arg8 : memref<128x128xf32, #tpu.memory_space<vmem>>) target(%dma_start3A_77 : memref<10240x128xf32, #tpu.memory_space<vmem_shared>>) offsets(%arg7 : memref<128xi32, #tpu.memory_space<vmem>>) semaphore(%run_scoped3A : memref<!tpu.dma_semaphore, #tpu.memory_space<semaphore_mem>>) {add = true}
        %dma_wait3A_78 = arith.constant 0 : i32
        %dma_wait3A_79 = arith.constant 0 : i32
        %dma_wait3A_80 = tpu.memref_slice %arg12[%dma_wait3A_78, %dma_wait3A_79] : memref<10240x128xf32, #tpu.memory_space<vmem_shared>> -> memref<10240x128xf32, #tpu.memory_space<vmem_shared>>
        tpu.wait_indirect_dma semaphore(%run_scoped3A : memref<!tpu.dma_semaphore, #tpu.memory_space<semaphore_mem>>) src(%arg8 : memref<128x128xf32, #tpu.memory_space<vmem>>) dst(%dma_wait3A_80 : memref<10240x128xf32, #tpu.memory_space<vmem_shared>>)
        tpu.yield
      }) : () -> ()
      %get3A = arith.constant 0 : index
      %get3A_45 = tpu.vector_load %arg7[%get3A] {strides = array<i32>} : memref<128xi32, #tpu.memory_space<vmem>>, vector<16xi32>,
      %broadcast_in_dim3A = arith.constant 1.000000e+00 : f32
      %broadcast_in_dim3A_46 = vector.broadcast %broadcast_in_dim3A : f32 to vector<16xf32>
      tpu.vector_store_idx %arg9[%get3A_45], %broadcast_in_dim3A_46 {add = true} : memref<10240xf32, #tpu.memory_space<vmem>>[vector<16xi32>], vector<16xf32>,
      %get3A_47 = arith.constant 16 : index
      %get3A_48 = tpu.vector_load %arg7[%get3A_47] {strides = array<i32>} : memref<128xi32, #tpu.memory_space<vmem>>, vector<16xi32>,
      %broadcast_in_dim3A_49 = arith.constant 1.000000e+00 : f32
      %broadcast_in_dim3A_50 = vector.broadcast %broadcast_in_dim3A_49 : f32 to vector<16xf32>
      tpu.vector_store_idx %arg9[%get3A_48], %broadcast_in_dim3A_50 {add = true} : memref<10240xf32, #tpu.memory_space<vmem>>[vector<16xi32>], vector<16xf32>,
      %get3A_51 = arith.constant 32 : index
      %get3A_52 = tpu.vector_load %arg7[%get3A_51] {strides = array<i32>} : memref<128xi32, #tpu.memory_space<vmem>>, vector<16xi32>,
      %broadcast_in_dim3A_53 = arith.constant 1.000000e+00 : f32
      %broadcast_in_dim3A_54 = vector.broadcast %broadcast_in_dim3A_53 : f32 to vector<16xf32>
      tpu.vector_store_idx %arg9[%get3A_52], %broadcast_in_dim3A_54 {add = true} : memref<10240xf32, #tpu.memory_space<vmem>>[vector<16xi32>], vector<16xf32>,
      %get3A_55 = arith.constant 48 : index
      %get3A_56 = tpu.vector_load %arg7[%get3A_55] {strides = array<i32>} : memref<128xi32, #tpu.memory_space<vmem>>, vector<16xi32>,
      %broadcast_in_dim3A_57 = arith.constant 1.000000e+00 : f32
      %broadcast_in_dim3A_58 = vector.broadcast %broadcast_in_dim3A_57 : f32 to vector<16xf32>
      tpu.vector_store_idx %arg9[%get3A_56], %broadcast_in_dim3A_58 {add = true} : memref<10240xf32, #tpu.memory_space<vmem>>[vector<16xi32>], vector<16xf32>,
      %get3A_59 = arith.constant 64 : index
      %get3A_60 = tpu.vector_load %arg7[%get3A_59] {strides = array<i32>} : memref<128xi32, #tpu.memory_space<vmem>>, vector<16xi32>,
      %broadcast_in_dim3A_61 = arith.constant 1.000000e+00 : f32
      %broadcast_in_dim3A_62 = vector.broadcast %broadcast_in_dim3A_61 : f32 to vector<16xf32>
      tpu.vector_store_idx %arg9[%get3A_60], %broadcast_in_dim3A_62 {add = true} : memref<10240xf32, #tpu.memory_space<vmem>>[vector<16xi32>], vector<16xf32>,
      %get3A_63 = arith.constant 80 : index
      %get3A_64 = tpu.vector_load %arg7[%get3A_63] {strides = array<i32>} : memref<128xi32, #tpu.memory_space<vmem>>, vector<16xi32>,
      %broadcast_in_dim3A_65 = arith.constant 1.000000e+00 : f32
      %broadcast_in_dim3A_66 = vector.broadcast %broadcast_in_dim3A_65 : f32 to vector<16xf32>
      tpu.vector_store_idx %arg9[%get3A_64], %broadcast_in_dim3A_66 {add = true} : memref<10240xf32, #tpu.memory_space<vmem>>[vector<16xi32>], vector<16xf32>,
      %get3A_67 = arith.constant 96 : index
      %get3A_68 = tpu.vector_load %arg7[%get3A_67] {strides = array<i32>} : memref<128xi32, #tpu.memory_space<vmem>>, vector<16xi32>,
      %broadcast_in_dim3A_69 = arith.constant 1.000000e+00 : f32
      %broadcast_in_dim3A_70 = vector.broadcast %broadcast_in_dim3A_69 : f32 to vector<16xf32>
      tpu.vector_store_idx %arg9[%get3A_68], %broadcast_in_dim3A_70 {add = true} : memref<10240xf32, #tpu.memory_space<vmem>>[vector<16xi32>], vector<16xf32>,
      %get3A_71 = arith.constant 112 : index
      %get3A_72 = tpu.vector_load %arg7[%get3A_71] {strides = array<i32>} : memref<128xi32, #tpu.memory_space<vmem>>, vector<16xi32>,
      %broadcast_in_dim3A_73 = arith.constant 1.000000e+00 : f32
      %broadcast_in_dim3A_74 = vector.broadcast %broadcast_in_dim3A_73 : f32 to vector<16xf32>
      tpu.vector_store_idx %arg9[%get3A_72], %broadcast_in_dim3A_74 {add = true} : memref<10240xf32, #tpu.memory_space<vmem>>[vector<16xi32>], vector<16xf32>,
    }
    %scan3A_13 = arith.constant 40 : i32
    "tpu.region"() ({
      %run_scoped3A = tpu.sem_alloc : memref<!tpu.dma_semaphore, #tpu.memory_space<semaphore_mem>>
      %dma_start3A = arith.constant 0 : i32
      %dma_start3A_29 = tpu.memref_slice %arg13[%arg1, %dma_start3A] : memref<16x10240xf32, #tpu.memory_space<vmem_shared>> -> memref<1x10240xf32, #tpu.memory_space<vmem_shared>>
      %dma_start3A_30 = tpu.memref_squeeze %dma_start3A_29 : memref<1x10240xf32, #tpu.memory_space<vmem_shared>> -> memref<10240xf32, #tpu.memory_space<vmem_shared>>
      %dma_start3A_31 = arith.constant 0 : i32
      %dma_start3A_32 = tpu.memref_slice %arg13[%arg1, %dma_start3A_31] : memref<16x10240xf32, #tpu.memory_space<vmem_shared>> -> memref<1x10240xf32, #tpu.memory_space<vmem_shared>>
      %dma_start3A_33 = tpu.memref_squeeze %dma_start3A_32 : memref<1x10240xf32, #tpu.memory_space<vmem_shared>> -> memref<10240xf32, #tpu.memory_space<vmem_shared>>
      tpu.enqueue_dma source(%arg9 : memref<10240xf32, #tpu.memory_space<vmem>>) target(%dma_start3A_33 : memref<10240xf32, #tpu.memory_space<vmem_shared>>) target_semaphore(%run_scoped3A : memref<!tpu.dma_semaphore, #tpu.memory_space<semaphore_mem>>)
      %dma_wait3A = arith.constant 0 : i32
      %dma_wait3A_34 = tpu.memref_slice %arg13[%arg1, %dma_wait3A] : memref<16x10240xf32, #tpu.memory_space<vmem_shared>> -> memref<1x10240xf32, #tpu.memory_space<vmem_shared>>
      %dma_wait3A_35 = tpu.memref_squeeze %dma_wait3A_34 : memref<1x10240xf32, #tpu.memory_space<vmem_shared>> -> memref<10240xf32, #tpu.memory_space<vmem_shared>>
      %dma_wait3A_36 = arith.constant 0 : i32
      %dma_wait3A_37 = tpu.memref_slice %arg13[%arg1, %dma_wait3A_36] : memref<16x10240xf32, #tpu.memory_space<vmem_shared>> -> memref<1x10240xf32, #tpu.memory_space<vmem_shared>>
      %dma_wait3A_38 = tpu.memref_squeeze %dma_wait3A_37 : memref<1x10240xf32, #tpu.memory_space<vmem_shared>> -> memref<10240xf32, #tpu.memory_space<vmem_shared>>
      tpu.wait_dma2 semaphore(%run_scoped3A : memref<!tpu.dma_semaphore, #tpu.memory_space<semaphore_mem>>) src(%arg9 : memref<10240xf32, #tpu.memory_space<vmem>>) dst(%dma_wait3A_38 : memref<10240xf32, #tpu.memory_space<vmem_shared>>)
      tpu.yield
    }) : () -> ()
    %barrier3A_14 = arith.constant 0 : index
    tpu.barrier barrier_id(%barrier3A_14)
    %mul3A_15 = arith.constant 640 : i32
    %mul3A_16 = arith.muli %arg1, %mul3A_15 : i32
    %mul3A_17 = arith.constant 640 : i32
    %mul3A_18 = arith.muli %arg1, %mul3A_17 : i32
    "tpu.region"() ({
      %run_scoped3A = tpu.sem_alloc : memref<!tpu.dma_semaphore, #tpu.memory_space<semaphore_mem>>
      %dma_start3A = arith.constant 0 : i32
      %dma_start3A_29 = tpu.memref_slice %arg5[%arg0, %mul3A_18, %dma_start3A] : memref<2x10240x128xf32, #tpu.memory_space<hbm>> -> memref<1x640x128xf32, #tpu.memory_space<hbm>>
      %dma_start3A_30 = tpu.memref_squeeze %dma_start3A_29 : memref<1x640x128xf32, #tpu.memory_space<hbm>> -> memref<640x128xf32, #tpu.memory_space<hbm>>
      %dma_start3A_31 = arith.constant 0 : i32
      %dma_start3A_32 = tpu.memref_slice %arg12[%mul3A_16, %dma_start3A_31] : memref<10240x128xf32, #tpu.memory_space<vmem_shared>> -> memref<640x128xf32, #tpu.memory_space<vmem_shared>>
      tpu.enqueue_dma source(%dma_start3A_32 : memref<640x128xf32, #tpu.memory_space<vmem_shared>>) target(%dma_start3A_30 : memref<640x128xf32, #tpu.memory_space<hbm>>) target_semaphore(%run_scoped3A : memref<!tpu.dma_semaphore, #tpu.memory_space<semaphore_mem>>)
      %dma_wait3A = arith.constant 0 : i32
      %dma_wait3A_33 = tpu.memref_slice %arg5[%arg0, %mul3A_18, %dma_wait3A] : memref<2x10240x128xf32, #tpu.memory_space<hbm>> -> memref<1x640x128xf32, #tpu.memory_space<hbm>>
      %dma_wait3A_34 = tpu.memref_squeeze %dma_wait3A_33 : memref<1x640x128xf32, #tpu.memory_space<hbm>> -> memref<640x128xf32, #tpu.memory_space<hbm>>
      %dma_wait3A_35 = arith.constant 0 : i32
      %dma_wait3A_36 = tpu.memref_slice %arg12[%mul3A_16, %dma_wait3A_35] : memref<10240x128xf32, #tpu.memory_space<vmem_shared>> -> memref<640x128xf32, #tpu.memory_space<vmem_shared>>
      tpu.wait_dma2 semaphore(%run_scoped3A : memref<!tpu.dma_semaphore, #tpu.memory_space<semaphore_mem>>) src(%dma_wait3A_36 : memref<640x128xf32, #tpu.memory_space<vmem_shared>>) dst(%dma_wait3A_34 : memref<640x128xf32, #tpu.memory_space<hbm>>)
      tpu.yield
    }) : () -> ()
    %mul3A_19 = arith.constant 640 : i32
    %mul3A_20 = arith.muli %arg1, %mul3A_19 : i32
    "tpu.region"() ({
      %run_scoped3A = tpu.sem_alloc : memref<!tpu.dma_semaphore, #tpu.memory_space<semaphore_mem>>
      %dma_start3A = arith.constant 0 : i32
      %dma_start3A_29 = tpu.memref_slice %arg13[%dma_start3A, %mul3A_20] : memref<16x10240xf32, #tpu.memory_space<vmem_shared>> -> memref<16x640xf32, #tpu.memory_space<vmem_shared>>
      %dma_start3A_30 = arith.constant 0 : i32
      %dma_start3A_31 = tpu.memref_slice %arg13[%dma_start3A_30, %mul3A_20] : memref<16x10240xf32, #tpu.memory_space<vmem_shared>> -> memref<16x640xf32, #tpu.memory_space<vmem_shared>>
      tpu.enqueue_dma source(%dma_start3A_31 : memref<16x640xf32, #tpu.memory_space<vmem_shared>>) target(%arg10 : memref<16x640xf32, #tpu.memory_space<vmem>>) target_semaphore(%run_scoped3A : memref<!tpu.dma_semaphore, #tpu.memory_space<semaphore_mem>>)
      %dma_wait3A = arith.constant 0 : i32
      %dma_wait3A_32 = tpu.memref_slice %arg13[%dma_wait3A, %mul3A_20] : memref<16x10240xf32, #tpu.memory_space<vmem_shared>> -> memref<16x640xf32, #tpu.memory_space<vmem_shared>>
      %dma_wait3A_33 = arith.constant 0 : i32
      %dma_wait3A_34 = tpu.memref_slice %arg13[%dma_wait3A_33, %mul3A_20] : memref<16x10240xf32, #tpu.memory_space<vmem_shared>> -> memref<16x640xf32, #tpu.memory_space<vmem_shared>>
      tpu.wait_dma2 semaphore(%run_scoped3A : memref<!tpu.dma_semaphore, #tpu.memory_space<semaphore_mem>>) src(%dma_wait3A_34 : memref<16x640xf32, #tpu.memory_space<vmem_shared>>) dst(%arg10 : memref<16x640xf32, #tpu.memory_space<vmem>>)
      tpu.yield
    }) : () -> ()
    %scan3A_21 = arith.constant 0 : i32
    %scan3A_22 = arith.constant 0 : i32
    %scan3A_23 = arith.constant 40 : i32
    %scan3A_24 = arith.addi %scan3A_22, %scan3A_23 : i32
    %scan3A_25 = arith.constant 1 : i32
    scf.for %scan3A_29 = %scan3A_22 to %scan3A_24 step %scan3A_25  : i32 {
      %broadcast_in_dim3A = arith.constant 0.000000e+00 : f32
      %broadcast_in_dim3A_30 = vector.broadcast %broadcast_in_dim3A : f32 to vector<16xf32>
      %mul3A_31 = arith.constant 16 : i32
      %mul3A_32 = arith.muli %scan3A_29, %mul3A_31 : i32
      %get3A = arith.constant 0 : i32
      %get3A_33 = arith.index_cast %get3A : i32 to index
      %get3A_34 = arith.index_cast %mul3A_32 : i32 to index
      %get3A_35 = tpu.vector_load %arg10[%get3A_33, %get3A_34] {strides = array<i32>} : memref<16x640xf32, #tpu.memory_space<vmem>>, vector<16xf32>,
      %add3A_36 = arith.addf %broadcast_in_dim3A_30, %get3A_35 : vector<16xf32>
      %mul3A_37 = arith.constant 16 : i32
      %mul3A_38 = arith.muli %scan3A_29, %mul3A_37 : i32
      %get3A_39 = arith.constant 1 : i32
      %get3A_40 = arith.index_cast %get3A_39 : i32 to index
      %get3A_41 = arith.index_cast %mul3A_38 : i32 to index
      %get3A_42 = tpu.vector_load %arg10[%get3A_40, %get3A_41] {strides = array<i32>} : memref<16x640xf32, #tpu.memory_space<vmem>>, vector<16xf32>,
      %add3A_43 = arith.addf %add3A_36, %get3A_42 : vector<16xf32>
      %mul3A_44 = arith.constant 16 : i32
      %mul3A_45 = arith.muli %scan3A_29, %mul3A_44 : i32
      %get3A_46 = arith.constant 2 : i32
      %get3A_47 = arith.index_cast %get3A_46 : i32 to index
      %get3A_48 = arith.index_cast %mul3A_45 : i32 to index
      %get3A_49 = tpu.vector_load %arg10[%get3A_47, %get3A_48] {strides = array<i32>} : memref<16x640xf32, #tpu.memory_space<vmem>>, vector<16xf32>,
      %add3A_50 = arith.addf %add3A_43, %get3A_49 : vector<16xf32>
      %mul3A_51 = arith.constant 16 : i32
      %mul3A_52 = arith.muli %scan3A_29, %mul3A_51 : i32
      %get3A_53 = arith.constant 3 : i32
      %get3A_54 = arith.index_cast %get3A_53 : i32 to index
      %get3A_55 = arith.index_cast %mul3A_52 : i32 to index
      %get3A_56 = tpu.vector_load %arg10[%get3A_54, %get3A_55] {strides = array<i32>} : memref<16x640xf32, #tpu.memory_space<vmem>>, vector<16xf32>,
      %add3A_57 = arith.addf %add3A_50, %get3A_56 : vector<16xf32>
      %mul3A_58 = arith.constant 16 : i32
      %mul3A_59 = arith.muli %scan3A_29, %mul3A_58 : i32
      %get3A_60 = arith.constant 4 : i32
      %get3A_61 = arith.index_cast %get3A_60 : i32 to index
      %get3A_62 = arith.index_cast %mul3A_59 : i32 to index
      %get3A_63 = tpu.vector_load %arg10[%get3A_61, %get3A_62] {strides = array<i32>} : memref<16x640xf32, #tpu.memory_space<vmem>>, vector<16xf32>,
      %add3A_64 = arith.addf %add3A_57, %get3A_63 : vector<16xf32>
      %mul3A_65 = arith.constant 16 : i32
      %mul3A_66 = arith.muli %scan3A_29, %mul3A_65 : i32
      %get3A_67 = arith.constant 5 : i32
      %get3A_68 = arith.index_cast %get3A_67 : i32 to index
      %get3A_69 = arith.index_cast %mul3A_66 : i32 to index
      %get3A_70 = tpu.vector_load %arg10[%get3A_68, %get3A_69] {strides = array<i32>} : memref<16x640xf32, #tpu.memory_space<vmem>>, vector<16xf32>,
      %add3A_71 = arith.addf %add3A_64, %get3A_70 : vector<16xf32>
      %mul3A_72 = arith.constant 16 : i32
      %mul3A_73 = arith.muli %scan3A_29, %mul3A_72 : i32
      %get3A_74 = arith.constant 6 : i32
      %get3A_75 = arith.index_cast %get3A_74 : i32 to index
      %get3A_76 = arith.index_cast %mul3A_73 : i32 to index
      %get3A_77 = tpu.vector_load %arg10[%get3A_75, %get3A_76] {strides = array<i32>} : memref<16x640xf32, #tpu.memory_space<vmem>>, vector<16xf32>,
      %add3A_78 = arith.addf %add3A_71, %get3A_77 : vector<16xf32>
      %mul3A_79 = arith.constant 16 : i32
      %mul3A_80 = arith.muli %scan3A_29, %mul3A_79 : i32
      %get3A_81 = arith.constant 7 : i32
      %get3A_82 = arith.index_cast %get3A_81 : i32 to index
      %get3A_83 = arith.index_cast %mul3A_80 : i32 to index
      %get3A_84 = tpu.vector_load %arg10[%get3A_82, %get3A_83] {strides = array<i32>} : memref<16x640xf32, #tpu.memory_space<vmem>>, vector<16xf32>,
      %add3A_85 = arith.addf %add3A_78, %get3A_84 : vector<16xf32>
      %mul3A_86 = arith.constant 16 : i32
      %mul3A_87 = arith.muli %scan3A_29, %mul3A_86 : i32
      %get3A_88 = arith.constant 8 : i32
      %get3A_89 = arith.index_cast %get3A_88 : i32 to index
      %get3A_90 = arith.index_cast %mul3A_87 : i32 to index
      %get3A_91 = tpu.vector_load %arg10[%get3A_89, %get3A_90] {strides = array<i32>} : memref<16x640xf32, #tpu.memory_space<vmem>>, vector<16xf32>,
      %add3A_92 = arith.addf %add3A_85, %get3A_91 : vector<16xf32>
      %mul3A_93 = arith.constant 16 : i32
      %mul3A_94 = arith.muli %scan3A_29, %mul3A_93 : i32
      %get3A_95 = arith.constant 9 : i32
      %get3A_96 = arith.index_cast %get3A_95 : i32 to index
      %get3A_97 = arith.index_cast %mul3A_94 : i32 to index
      %get3A_98 = tpu.vector_load %arg10[%get3A_96, %get3A_97] {strides = array<i32>} : memref<16x640xf32, #tpu.memory_space<vmem>>, vector<16xf32>,
      %add3A_99 = arith.addf %add3A_92, %get3A_98 : vector<16xf32>
      %mul3A_100 = arith.constant 16 : i32
      %mul3A_101 = arith.muli %scan3A_29, %mul3A_100 : i32
      %get3A_102 = arith.constant 10 : i32
      %get3A_103 = arith.index_cast %get3A_102 : i32 to index
      %get3A_104 = arith.index_cast %mul3A_101 : i32 to index
      %get3A_105 = tpu.vector_load %arg10[%get3A_103, %get3A_104] {strides = array<i32>} : memref<16x640xf32, #tpu.memory_space<vmem>>, vector<16xf32>,
      %add3A_106 = arith.addf %add3A_99, %get3A_105 : vector<16xf32>
      %mul3A_107 = arith.constant 16 : i32
      %mul3A_108 = arith.muli %scan3A_29, %mul3A_107 : i32
      %get3A_109 = arith.constant 11 : i32
      %get3A_110 = arith.index_cast %get3A_109 : i32 to index
      %get3A_111 = arith.index_cast %mul3A_108 : i32 to index
      %get3A_112 = tpu.vector_load %arg10[%get3A_110, %get3A_111] {strides = array<i32>} : memref<16x640xf32, #tpu.memory_space<vmem>>, vector<16xf32>,
      %add3A_113 = arith.addf %add3A_106, %get3A_112 : vector<16xf32>
      %mul3A_114 = arith.constant 16 : i32
      %mul3A_115 = arith.muli %scan3A_29, %mul3A_114 : i32
      %get3A_116 = arith.constant 12 : i32
      %get3A_117 = arith.index_cast %get3A_116 : i32 to index
      %get3A_118 = arith.index_cast %mul3A_115 : i32 to index
      %get3A_119 = tpu.vector_load %arg10[%get3A_117, %get3A_118] {strides = array<i32>} : memref<16x640xf32, #tpu.memory_space<vmem>>, vector<16xf32>,
      %add3A_120 = arith.addf %add3A_113, %get3A_119 : vector<16xf32>
      %mul3A_121 = arith.constant 16 : i32
      %mul3A_122 = arith.muli %scan3A_29, %mul3A_121 : i32
      %get3A_123 = arith.constant 13 : i32
      %get3A_124 = arith.index_cast %get3A_123 : i32 to index
      %get3A_125 = arith.index_cast %mul3A_122 : i32 to index
      %get3A_126 = tpu.vector_load %arg10[%get3A_124, %get3A_125] {strides = array<i32>} : memref<16x640xf32, #tpu.memory_space<vmem>>, vector<16xf32>,
      %add3A_127 = arith.addf %add3A_120, %get3A_126 : vector<16xf32>
      %mul3A_128 = arith.constant 16 : i32
      %mul3A_129 = arith.muli %scan3A_29, %mul3A_128 : i32
      %get3A_130 = arith.constant 14 : i32
      %get3A_131 = arith.index_cast %get3A_130 : i32 to index
      %get3A_132 = arith.index_cast %mul3A_129 : i32 to index
      %get3A_133 = tpu.vector_load %arg10[%get3A_131, %get3A_132] {strides = array<i32>} : memref<16x640xf32, #tpu.memory_space<vmem>>, vector<16xf32>,
      %add3A_134 = arith.addf %add3A_127, %get3A_133 : vector<16xf32>
      %mul3A_135 = arith.constant 16 : i32
      %mul3A_136 = arith.muli %scan3A_29, %mul3A_135 : i32
      %get3A_137 = arith.constant 15 : i32
      %get3A_138 = arith.index_cast %get3A_137 : i32 to index
      %get3A_139 = arith.index_cast %mul3A_136 : i32 to index
      %get3A_140 = tpu.vector_load %arg10[%get3A_138, %get3A_139] {strides = array<i32>} : memref<16x640xf32, #tpu.memory_space<vmem>>, vector<16xf32>,
      %add3A_141 = arith.addf %add3A_134, %get3A_140 : vector<16xf32>
      %mul3A_142 = arith.constant 16 : i32
      %mul3A_143 = arith.muli %scan3A_29, %mul3A_142 : i32
      %swap3A = arith.index_cast %mul3A_143 : i32 to index
      %swap3A_144 = tpu.vector_load %arg11[%swap3A] {strides = array<i32>} : memref<640xf32, #tpu.memory_space<vmem>>, vector<16xf32>,
      tpu.vector_store %arg11[%swap3A], %add3A_141 {strides = array<i32>} : memref<640xf32, #tpu.memory_space<vmem>>, vector<16xf32>,
    }
    %scan3A_26 = arith.constant 40 : i32
    %mul3A_27 = arith.constant 640 : i32
    %mul3A_28 = arith.muli %arg1, %mul3A_27 : i32
    "tpu.region"() ({
      %run_scoped3A = tpu.sem_alloc : memref<!tpu.dma_semaphore, #tpu.memory_space<semaphore_mem>>
      %dma_start3A = tpu.memref_slice %arg6[%arg0, %mul3A_28] : memref<2x10240xf32, #tpu.memory_space<hbm>> -> memref<1x640xf32, #tpu.memory_space<hbm>>
      %dma_start3A_29 = tpu.memref_squeeze %dma_start3A : memref<1x640xf32, #tpu.memory_space<hbm>> -> memref<640xf32, #tpu.memory_space<hbm>>
      %dma_start3A_30 = tpu.memref_slice %arg6[%arg0, %mul3A_28] : memref<2x10240xf32, #tpu.memory_space<hbm>> -> memref<1x640xf32, #tpu.memory_space<hbm>>
      %dma_start3A_31 = tpu.memref_squeeze %dma_start3A_30 : memref<1x640xf32, #tpu.memory_space<hbm>> -> memref<640xf32, #tpu.memory_space<hbm>>
      tpu.enqueue_dma source(%arg11 : memref<640xf32, #tpu.memory_space<vmem>>) target(%dma_start3A_31 : memref<640xf32, #tpu.memory_space<hbm>>) target_semaphore(%run_scoped3A : memref<!tpu.dma_semaphore, #tpu.memory_space<semaphore_mem>>)
      %dma_wait3A = tpu.memref_slice %arg6[%arg0, %mul3A_28] : memref<2x10240xf32, #tpu.memory_space<hbm>> -> memref<1x640xf32, #tpu.memory_space<hbm>>
      %dma_wait3A_32 = tpu.memref_squeeze %dma_wait3A : memref<1x640xf32, #tpu.memory_space<hbm>> -> memref<640xf32, #tpu.memory_space<hbm>>
      %dma_wait3A_33 = tpu.memref_slice %arg6[%arg0, %mul3A_28] : memref<2x10240xf32, #tpu.memory_space<hbm>> -> memref<1x640xf32, #tpu.memory_space<hbm>>
      %dma_wait3A_34 = tpu.memref_squeeze %dma_wait3A_33 : memref<1x640xf32, #tpu.memory_space<hbm>> -> memref<640xf32, #tpu.memory_space<hbm>>
      tpu.wait_dma2 semaphore(%run_scoped3A : memref<!tpu.dma_semaphore, #tpu.memory_space<semaphore_mem>>) src(%arg11 : memref<640xf32, #tpu.memory_space<vmem>>) dst(%dma_wait3A_34 : memref<640xf32, #tpu.memory_space<hbm>>)
      tpu.yield
    }) : () -> ()
    return
  }
}

module attributes {stable_mosaic.version = 14 : i64} {
  func.func @_prep_body(%arg0: i32, %arg1: memref<1000x128xf32, #tpu.memory_space<vmem>>, %arg2: memref<128x512xf32, #tpu.memory_space<vmem>>, %arg3: memref<16x128xf32, #tpu.memory_space<vmem>>, %arg4: memref<128x128xf32, #tpu.memory_space<vmem>>, %arg5: memref<1x128xf32, #tpu.memory_space<vmem>>, %arg6: memref<1x128xf32, #tpu.memory_space<vmem>>, %arg7: memref<1000x128xf32, #tpu.memory_space<vmem>>, %arg8: memref<1000x128xf32, #tpu.memory_space<vmem>>, %arg9: memref<1000x128xf32, #tpu.memory_space<vmem>>, %arg10: memref<1000x128xf32, #tpu.memory_space<vmem>>, %arg11: memref<16x128xf32, #tpu.memory_space<vmem>>, %arg12: memref<1x128xf32, #tpu.memory_space<vmem>>) attributes {dimension_semantics = [#tpu.dimension_semantics<arbitrary>], iteration_bounds = array<i64: 10>, scalar_prefetch = 0 : i64, scratch_operands = 0 : i64, tpu.core_type = #tpu.core_type<tc>, window_params = [{transform_indices = @transform_0, window_bounds = array<i64: 1000, 128>}, {pipeline_mode = #tpu.pipeline_mode<synchronous>, transform_indices = @transform_1, window_bounds = array<i64: 128, 512>}, {pipeline_mode = #tpu.pipeline_mode<synchronous>, transform_indices = @transform_2, window_bounds = array<i64: 16, 128>}, {pipeline_mode = #tpu.pipeline_mode<synchronous>, transform_indices = @transform_3, window_bounds = array<i64: 128, 128>}, {pipeline_mode = #tpu.pipeline_mode<synchronous>, transform_indices = @transform_4, window_bounds = array<i64: 1, 128>}, {pipeline_mode = #tpu.pipeline_mode<synchronous>, transform_indices = @transform_5, window_bounds = array<i64: 1, 128>}, {transform_indices = @transform_6, window_bounds = array<i64: 1000, 128>}, {transform_indices = @transform_7, window_bounds = array<i64: 1000, 128>}, {transform_indices = @transform_8, window_bounds = array<i64: 1000, 128>}, {transform_indices = @transform_9, window_bounds = array<i64: 1000, 128>}, {pipeline_mode = #tpu.pipeline_mode<synchronous>, transform_indices = @transform_10, window_bounds = array<i64: 16, 128>}, {pipeline_mode = #tpu.pipeline_mode<synchronous>, transform_indices = @transform_11, window_bounds = array<i64: 1, 128>}]} {
    %get3A = arith.constant 0 : index
    %get3A_0 = arith.constant 0 : index
    %get3A_1 = vector.load %arg1[%get3A, %get3A_0] : memref<1000x128xf32, #tpu.memory_space<vmem>>, vector<1000x128xf32>
    %get3A_2 = arith.constant 0 : index
    %get3A_3 = arith.constant 0 : index
    %get3A_4 = vector.load %arg2[%get3A_2, %get3A_3] : memref<128x512xf32, #tpu.memory_space<vmem>>, vector<128x512xf32>
    %dot_general3A = arith.constant dense<0.000000e+00> : vector<1000x512xf32>
    %dot_general3A_5 = tpu.matmul %get3A_1, %get3A_4, %dot_general3A {dimension_numbers = #tpu.dot_dimension_numbers<[1], [0], [0], [1], [0, 0, 1, 1], [], []>, transpose_lhs_hint = false} : vector<1000x128xf32>, vector<128x512xf32>, vector<1000x512xf32> -> vector<1000x512xf32>
    %slice3A = vector.extract_strided_slice %dot_general3A_5 {offsets = [0, 0], sizes = [1000, 128], strides = [1, 1]} : vector<1000x512xf32> to vector<1000x128xf32>
    %swap3A = arith.constant 0 : index
    %swap3A_6 = arith.constant 0 : index
    %swap3A_7 = vector.load %arg7[%swap3A, %swap3A_6] : memref<1000x128xf32, #tpu.memory_space<vmem>>, vector<1000x128xf32>
    tpu.vector_store %arg7[%swap3A, %swap3A_6], %slice3A {strides = array<i32>} : memref<1000x128xf32, #tpu.memory_space<vmem>>, vector<1000x128xf32>,
    %slice3A_8 = vector.extract_strided_slice %dot_general3A_5 {offsets = [0, 128], sizes = [1000, 128], strides = [1, 1]} : vector<1000x512xf32> to vector<1000x128xf32>
    %swap3A_9 = arith.constant 0 : index
    %swap3A_10 = arith.constant 0 : index
    %swap3A_11 = vector.load %arg8[%swap3A_9, %swap3A_10] : memref<1000x128xf32, #tpu.memory_space<vmem>>, vector<1000x128xf32>
    tpu.vector_store %arg8[%swap3A_9, %swap3A_10], %slice3A_8 {strides = array<i32>} : memref<1000x128xf32, #tpu.memory_space<vmem>>, vector<1000x128xf32>,
    %slice3A_12 = vector.extract_strided_slice %dot_general3A_5 {offsets = [0, 256], sizes = [1000, 128], strides = [1, 1]} : vector<1000x512xf32> to vector<1000x128xf32>
    %swap3A_13 = arith.constant 0 : index
    %swap3A_14 = arith.constant 0 : index
    %swap3A_15 = vector.load %arg9[%swap3A_13, %swap3A_14] : memref<1000x128xf32, #tpu.memory_space<vmem>>, vector<1000x128xf32>
    tpu.vector_store %arg9[%swap3A_13, %swap3A_14], %slice3A_12 {strides = array<i32>} : memref<1000x128xf32, #tpu.memory_space<vmem>>, vector<1000x128xf32>,
    %slice3A_16 = vector.extract_strided_slice %dot_general3A_5 {offsets = [0, 384], sizes = [1000, 128], strides = [1, 1]} : vector<1000x512xf32> to vector<1000x128xf32>
    %swap3A_17 = arith.constant 0 : index
    %swap3A_18 = arith.constant 0 : index
    %swap3A_19 = vector.load %arg10[%swap3A_17, %swap3A_18] : memref<1000x128xf32, #tpu.memory_space<vmem>>, vector<1000x128xf32>
    tpu.vector_store %arg10[%swap3A_17, %swap3A_18], %slice3A_16 {strides = array<i32>} : memref<1000x128xf32, #tpu.memory_space<vmem>>, vector<1000x128xf32>,
    %eq3A = arith.constant 0 : i32
    %eq3A_20 = arith.cmpi eq, %arg0, %eq3A : i32
    %convert_element_type3A = arith.extui %eq3A_20 : i1 to i32
    %cond3A = arith.constant 0 : i32
    %cond3A_21 = arith.cmpi ne, %convert_element_type3A, %cond3A : i32
    scf.if %cond3A_21 {
      %get3A_22 = arith.constant 0 : index
      %get3A_23 = arith.constant 0 : index
      %get3A_24 = vector.load %arg3[%get3A_22, %get3A_23] : memref<16x128xf32, #tpu.memory_space<vmem>>, vector<16x128xf32>
      %get3A_25 = arith.constant 0 : index
      %get3A_26 = arith.constant 0 : index
      %get3A_27 = vector.load %arg4[%get3A_25, %get3A_26] : memref<128x128xf32, #tpu.memory_space<vmem>>, vector<128x128xf32>
      %dot_general3A_28 = arith.constant dense<0.000000e+00> : vector<16x128xf32>
      %dot_general3A_29 = tpu.matmul %get3A_24, %get3A_27, %dot_general3A_28 {dimension_numbers = #tpu.dot_dimension_numbers<[1], [0], [0], [1], [0, 0, 1, 1], [], []>, transpose_lhs_hint = false} : vector<16x128xf32>, vector<128x128xf32>, vector<16x128xf32> -> vector<16x128xf32>
      %swap3A_30 = arith.constant 0 : index
      %swap3A_31 = arith.constant 0 : index
      %swap3A_32 = vector.load %arg11[%swap3A_30, %swap3A_31] : memref<16x128xf32, #tpu.memory_space<vmem>>, vector<16x128xf32>
      tpu.vector_store %arg11[%swap3A_30, %swap3A_31], %dot_general3A_29 {strides = array<i32>} : memref<16x128xf32, #tpu.memory_space<vmem>>, vector<16x128xf32>,
      %get3A_33 = arith.constant 0 : index
      %get3A_34 = arith.constant 0 : index
      %get3A_35 = vector.load %arg5[%get3A_33, %get3A_34] : memref<1x128xf32, #tpu.memory_space<vmem>>, vector<1x128xf32>
      %get3A_36 = arith.constant 0 : index
      %get3A_37 = arith.constant 0 : index
      %get3A_38 = vector.load %arg4[%get3A_36, %get3A_37] : memref<128x128xf32, #tpu.memory_space<vmem>>, vector<128x128xf32>
      %dot_general3A_39 = arith.constant dense<0.000000e+00> : vector<1x128xf32>
      %dot_general3A_40 = tpu.matmul %get3A_35, %get3A_38, %dot_general3A_39 {dimension_numbers = #tpu.dot_dimension_numbers<[1], [0], [0], [1], [0, 0, 1, 1], [], []>, transpose_lhs_hint = false} : vector<1x128xf32>, vector<128x128xf32>, vector<1x128xf32> -> vector<1x128xf32>
      %get3A_41 = arith.constant 0 : index
      %get3A_42 = arith.constant 0 : index
      %get3A_43 = vector.load %arg6[%get3A_41, %get3A_42] : memref<1x128xf32, #tpu.memory_space<vmem>>, vector<1x128xf32>
      %add3A = arith.addf %dot_general3A_40, %get3A_43 : vector<1x128xf32>
      %swap3A_44 = arith.constant 0 : index
      %swap3A_45 = arith.constant 0 : index
      %swap3A_46 = vector.load %arg12[%swap3A_44, %swap3A_45] : memref<1x128xf32, #tpu.memory_space<vmem>>, vector<1x128xf32>
      tpu.vector_store %arg12[%swap3A_44, %swap3A_45], %add3A {strides = array<i32>} : memref<1x128xf32, #tpu.memory_space<vmem>>, vector<1x128xf32>,
    } else {
    }
    return
  }
  func.func @transform_0(%arg0: i32) -> (i32, i32) {
    %c0_i32 = arith.constant 0 : i32
    %c0_i32_0 = arith.constant 0 : i32
    return %arg0, %c0_i32 : i32, i32
  }
  func.func @transform_1(%arg0: i32) -> (i32, i32) {
    %c0_i32 = arith.constant 0 : i32
    %c0_i32_0 = arith.constant 0 : i32
    %c0_i32_1 = arith.constant 0 : i32
    return %c0_i32, %c0_i32_0 : i32, i32
  }
  func.func @transform_2(%arg0: i32) -> (i32, i32) {
    %c0_i32 = arith.constant 0 : i32
    %c0_i32_0 = arith.constant 0 : i32
    %c0_i32_1 = arith.constant 0 : i32
    return %c0_i32, %c0_i32_0 : i32, i32
  }
  func.func @transform_3(%arg0: i32) -> (i32, i32) {
    %c0_i32 = arith.constant 0 : i32
    %c0_i32_0 = arith.constant 0 : i32
    %c0_i32_1 = arith.constant 0 : i32
    return %c0_i32, %c0_i32_0 : i32, i32
  }
  func.func @transform_4(%arg0: i32) -> (i32, i32) {
    %c0_i32 = arith.constant 0 : i32
    %c0_i32_0 = arith.constant 0 : i32
    %c0_i32_1 = arith.constant 0 : i32
    return %c0_i32, %c0_i32_0 : i32, i32
  }
  func.func @transform_5(%arg0: i32) -> (i32, i32) {
    %c0_i32 = arith.constant 0 : i32
    %c0_i32_0 = arith.constant 0 : i32
    %c0_i32_1 = arith.constant 0 : i32
    return %c0_i32, %c0_i32_0 : i32, i32
  }
  func.func @transform_6(%arg0: i32) -> (i32, i32) {
    %c0_i32 = arith.constant 0 : i32
    %c0_i32_0 = arith.constant 0 : i32
    return %arg0, %c0_i32 : i32, i32
  }
  func.func @transform_7(%arg0: i32) -> (i32, i32) {
    %c0_i32 = arith.constant 0 : i32
    %c0_i32_0 = arith.constant 0 : i32
    return %arg0, %c0_i32 : i32, i32
  }
  func.func @transform_8(%arg0: i32) -> (i32, i32) {
    %c0_i32 = arith.constant 0 : i32
    %c0_i32_0 = arith.constant 0 : i32
    return %arg0, %c0_i32 : i32, i32
  }
  func.func @transform_9(%arg0: i32) -> (i32, i32) {
    %c0_i32 = arith.constant 0 : i32
    %c0_i32_0 = arith.constant 0 : i32
    return %arg0, %c0_i32 : i32, i32
  }
  func.func @transform_10(%arg0: i32) -> (i32, i32) {
    %c0_i32 = arith.constant 0 : i32
    %c0_i32_0 = arith.constant 0 : i32
    %c0_i32_1 = arith.constant 0 : i32
    return %c0_i32, %c0_i32_0 : i32, i32
  }
  func.func @transform_11(%arg0: i32) -> (i32, i32) {
    %c0_i32 = arith.constant 0 : i32
    %c0_i32_0 = arith.constant 0 : i32
    %c0_i32_1 = arith.constant 0 : i32
    return %c0_i32, %c0_i32_0 : i32, i32
  }
}

module attributes {stable_mosaic.version = 14 : i64} {
  func.func @_edge_ncov_body(%arg0: i32, %arg1: memref<512x128xf32, #tpu.memory_space<vmem>>, %arg2: memref<512x128xf32, #tpu.memory_space<vmem>>, %arg3: memref<512x1xf32, #tpu.memory_space<vmem>>, %arg4: memref<128x128xf32, #tpu.memory_space<vmem>>, %arg5: memref<1x128xf32, #tpu.memory_space<vmem>>, %arg6: memref<512x128xf32, #tpu.memory_space<vmem>>) attributes {dimension_semantics = [#tpu.dimension_semantics<arbitrary>], iteration_bounds = array<i64: 632>, scalar_prefetch = 0 : i64, scratch_operands = 0 : i64, tpu.core_type = #tpu.core_type<tc>, window_params = [{transform_indices = @transform_0, window_bounds = array<i64: 512, 128>}, {transform_indices = @transform_1, window_bounds = array<i64: 512, 128>}, {transform_indices = @transform_2, window_bounds = array<i64: 512, 1>}, {pipeline_mode = #tpu.pipeline_mode<synchronous>, transform_indices = @transform_3, window_bounds = array<i64: 128, 128>}, {pipeline_mode = #tpu.pipeline_mode<synchronous>, transform_indices = @transform_4, window_bounds = array<i64: 1, 128>}, {transform_indices = @transform_5, window_bounds = array<i64: 512, 128>}]} {
    %get3A = arith.constant 0 : index
    %get3A_0 = arith.constant 0 : index
    %get3A_1 = vector.load %arg3[%get3A, %get3A_0] : memref<512x1xf32, #tpu.memory_space<vmem>>, vector<512x1xf32>
    %add3A = arith.constant 9.99999996E-13 : f32
    %add3A_2 = vector.broadcast %add3A : f32 to vector<512x1xf32>
    %add3A_3 = arith.addf %get3A_1, %add3A_2 : vector<512x1xf32>
    %sqrt3A = math.sqrt %add3A_3 : vector<512x1xf32>
    %jit3A = arith.constant 0.00999999977 : f32
    %jit3A_4 = arith.constant 5.000000e+01 : f32
    %max3A = vector.broadcast %jit3A : f32 to vector<512x1xf32>
    %max3A_5 = arith.maximumf %max3A, %sqrt3A : vector<512x1xf32>
    %min3A = vector.broadcast %jit3A_4 : f32 to vector<512x1xf32>
    %min3A_6 = arith.minimumf %min3A, %max3A_5 : vector<512x1xf32>
    %mul3A = arith.mulf %min3A_6, %min3A_6 : vector<512x1xf32>
    %div3A = arith.constant 1.000000e+00 : f32
    %div3A_7 = vector.broadcast %div3A : f32 to vector<512x1xf32>
    %div3A_8 = arith.divf %div3A_7, %mul3A : vector<512x1xf32>
    %mul3A_9 = arith.mulf %div3A_8, %div3A_8 : vector<512x1xf32>
    %mul3A_10 = arith.mulf %mul3A_9, %div3A_8 : vector<512x1xf32>
    %iota3A = tpu.iota {dimensions = array<i32: 1>} : vector<1x64xi32>
    %convert_element_type3A = arith.sitofp %iota3A : vector<1x64xi32> to vector<1x64xf32>
    %mul3A_11 = arith.constant 0.158730164 : f32
    %mul3A_12 = vector.broadcast %mul3A_11 : f32 to vector<1x64xf32>
    %mul3A_13 = arith.mulf %convert_element_type3A, %mul3A_12 : vector<1x64xf32>
    %sub3A = vector.broadcast %div3A_8 : vector<512x1xf32> to vector<512x64xf32>
    %sub3A_14 = vector.broadcast %mul3A_13 : vector<1x64xf32> to vector<512x64xf32>
    %sub3A_15 = arith.subf %sub3A, %sub3A_14 : vector<512x64xf32>
    %sub3A_16 = vector.broadcast %mul3A_10 : vector<512x1xf32> to vector<512x64xf32>
    %sub3A_17 = vector.broadcast %mul3A_13 : vector<1x64xf32> to vector<512x64xf32>
    %sub3A_18 = arith.subf %sub3A_16, %sub3A_17 : vector<512x64xf32>
    %mul3A_19 = arith.constant -1.000000e+01 : f32
    %mul3A_20 = vector.broadcast %mul3A_19 : f32 to vector<512x64xf32>
    %mul3A_21 = arith.mulf %mul3A_20, %sub3A_15 : vector<512x64xf32>
    %mul3A_22 = arith.mulf %mul3A_21, %sub3A_15 : vector<512x64xf32>
    %exp3A = math.exp %mul3A_22 : vector<512x64xf32>
    %mul3A_23 = arith.constant -1.000000e+01 : f32
    %mul3A_24 = vector.broadcast %mul3A_23 : f32 to vector<512x64xf32>
    %mul3A_25 = arith.mulf %mul3A_24, %sub3A_18 : vector<512x64xf32>
    %mul3A_26 = arith.mulf %mul3A_25, %sub3A_18 : vector<512x64xf32>
    %exp3A_27 = math.exp %mul3A_26 : vector<512x64xf32>
    %concatenate3A = tpu.concatenate %exp3A, %exp3A_27 in 1 : vector<512x64xf32>, vector<512x64xf32> -> vector<512x128xf32>
    %get3A_28 = arith.constant 0 : index
    %get3A_29 = arith.constant 0 : index
    %get3A_30 = vector.load %arg1[%get3A_28, %get3A_29] : memref<512x128xf32, #tpu.memory_space<vmem>>, vector<512x128xf32>
    %get3A_31 = arith.constant 0 : index
    %get3A_32 = arith.constant 0 : index
    %get3A_33 = vector.load %arg2[%get3A_31, %get3A_32] : memref<512x128xf32, #tpu.memory_space<vmem>>, vector<512x128xf32>
    %add3A_34 = arith.addf %get3A_30, %get3A_33 : vector<512x128xf32>
    %get3A_35 = arith.constant 0 : index
    %get3A_36 = arith.constant 0 : index
    %get3A_37 = vector.load %arg4[%get3A_35, %get3A_36] : memref<128x128xf32, #tpu.memory_space<vmem>>, vector<128x128xf32>
    %dot_general3A = arith.constant dense<0.000000e+00> : vector<512x128xf32>
    %dot_general3A_38 = tpu.matmul %concatenate3A, %get3A_37, %dot_general3A {dimension_numbers = #tpu.dot_dimension_numbers<[1], [0], [0], [1], [0, 0, 1, 1], [], []>, transpose_lhs_hint = false} : vector<512x128xf32>, vector<128x128xf32>, vector<512x128xf32> -> vector<512x128xf32>
    %add3A_39 = arith.addf %add3A_34, %dot_general3A_38 : vector<512x128xf32>
    %get3A_40 = arith.constant 0 : index
    %get3A_41 = arith.constant 0 : index
    %get3A_42 = vector.load %arg5[%get3A_40, %get3A_41] : memref<1x128xf32, #tpu.memory_space<vmem>>, vector<1x128xf32>
    %add3A_43 = vector.broadcast %get3A_42 : vector<1x128xf32> to vector<512x128xf32>
    %add3A_44 = arith.addf %add3A_39, %add3A_43 : vector<512x128xf32>
    %max3A_45 = arith.constant 0.000000e+00 : f32
    %max3A_46 = vector.broadcast %max3A_45 : f32 to vector<512x128xf32>
    %max3A_47 = arith.maximumf %add3A_44, %max3A_46 : vector<512x128xf32>
    %swap3A = arith.constant 0 : index
    %swap3A_48 = arith.constant 0 : index
    %swap3A_49 = vector.load %arg6[%swap3A, %swap3A_48] : memref<512x128xf32, #tpu.memory_space<vmem>>, vector<512x128xf32>
    tpu.vector_store %arg6[%swap3A, %swap3A_48], %max3A_47 {strides = array<i32>} : memref<512x128xf32, #tpu.memory_space<vmem>>, vector<512x128xf32>,
    return
  }
  func.func @transform_0(%arg0: i32) -> (i32, i32) {
    %c0_i32 = arith.constant 0 : i32
    %c0_i32_0 = arith.constant 0 : i32
    return %arg0, %c0_i32 : i32, i32
  }
  func.func @transform_1(%arg0: i32) -> (i32, i32) {
    %c0_i32 = arith.constant 0 : i32
    %c0_i32_0 = arith.constant 0 : i32
    return %arg0, %c0_i32 : i32, i32
  }
  func.func @transform_2(%arg0: i32) -> (i32, i32) {
    %c0_i32 = arith.constant 0 : i32
    %c0_i32_0 = arith.constant 0 : i32
    return %arg0, %c0_i32 : i32, i32
  }
  func.func @transform_3(%arg0: i32) -> (i32, i32) {
    %c0_i32 = arith.constant 0 : i32
    %c0_i32_0 = arith.constant 0 : i32
    %c0_i32_1 = arith.constant 0 : i32
    return %c0_i32, %c0_i32_0 : i32, i32
  }
  func.func @transform_4(%arg0: i32) -> (i32, i32) {
    %c0_i32 = arith.constant 0 : i32
    %c0_i32_0 = arith.constant 0 : i32
    %c0_i32_1 = arith.constant 0 : i32
    return %c0_i32, %c0_i32_0 : i32, i32
  }
  func.func @transform_5(%arg0: i32) -> (i32, i32) {
    %c0_i32 = arith.constant 0 : i32
    %c0_i32_0 = arith.constant 0 : i32
    return %arg0, %c0_i32 : i32, i32
  }
}

module attributes {stable_mosaic.version = 14 : i64} {
  func.func @_edge_cov_body(%arg0: i32, %arg1: memref<512x128xf32, #tpu.memory_space<vmem>>, %arg2: memref<512x128xf32, #tpu.memory_space<vmem>>, %arg3: memref<512x1xf32, #tpu.memory_space<vmem>>, %arg4: memref<512x16xf32, #tpu.memory_space<vmem>>, %arg5: memref<64x128xf32, #tpu.memory_space<vmem>>, %arg6: memref<16x128xf32, #tpu.memory_space<vmem>>, %arg7: memref<1x128xf32, #tpu.memory_space<vmem>>, %arg8: memref<512x128xf32, #tpu.memory_space<vmem>>) attributes {dimension_semantics = [#tpu.dimension_semantics<arbitrary>], iteration_bounds = array<i64: 320>, scalar_prefetch = 0 : i64, scratch_operands = 0 : i64, tpu.core_type = #tpu.core_type<tc>, window_params = [{transform_indices = @transform_0, window_bounds = array<i64: 512, 128>}, {transform_indices = @transform_1, window_bounds = array<i64: 512, 128>}, {transform_indices = @transform_2, window_bounds = array<i64: 512, 1>}, {transform_indices = @transform_3, window_bounds = array<i64: 512, 16>}, {pipeline_mode = #tpu.pipeline_mode<synchronous>, transform_indices = @transform_4, window_bounds = array<i64: 64, 128>}, {pipeline_mode = #tpu.pipeline_mode<synchronous>, transform_indices = @transform_5, window_bounds = array<i64: 16, 128>}, {pipeline_mode = #tpu.pipeline_mode<synchronous>, transform_indices = @transform_6, window_bounds = array<i64: 1, 128>}, {transform_indices = @transform_7, window_bounds = array<i64: 512, 128>}]} {
    %get3A = arith.constant 0 : index
    %get3A_0 = arith.constant 0 : index
    %get3A_1 = vector.load %arg3[%get3A, %get3A_0] : memref<512x1xf32, #tpu.memory_space<vmem>>, vector<512x1xf32>
    %add3A = arith.constant 9.99999996E-13 : f32
    %add3A_2 = vector.broadcast %add3A : f32 to vector<512x1xf32>
    %add3A_3 = arith.addf %get3A_1, %add3A_2 : vector<512x1xf32>
    %sqrt3A = math.sqrt %add3A_3 : vector<512x1xf32>
    %jit3A = arith.constant 0.00999999977 : f32
    %jit3A_4 = arith.constant 5.000000e+01 : f32
    %max3A = vector.broadcast %jit3A : f32 to vector<512x1xf32>
    %max3A_5 = arith.maximumf %max3A, %sqrt3A : vector<512x1xf32>
    %min3A = vector.broadcast %jit3A_4 : f32 to vector<512x1xf32>
    %min3A_6 = arith.minimumf %min3A, %max3A_5 : vector<512x1xf32>
    %iota3A = tpu.iota {dimensions = array<i32: 1>} : vector<1x64xi32>
    %convert_element_type3A = arith.sitofp %iota3A : vector<1x64xi32> to vector<1x64xf32>
    %mul3A = arith.constant 0.158730164 : f32
    %mul3A_7 = vector.broadcast %mul3A : f32 to vector<1x64xf32>
    %mul3A_8 = arith.mulf %convert_element_type3A, %mul3A_7 : vector<1x64xf32>
    %sub3A = vector.broadcast %min3A_6 : vector<512x1xf32> to vector<512x64xf32>
    %sub3A_9 = vector.broadcast %mul3A_8 : vector<1x64xf32> to vector<512x64xf32>
    %sub3A_10 = arith.subf %sub3A, %sub3A_9 : vector<512x64xf32>
    %mul3A_11 = arith.constant -1.000000e+01 : f32
    %mul3A_12 = vector.broadcast %mul3A_11 : f32 to vector<512x64xf32>
    %mul3A_13 = arith.mulf %mul3A_12, %sub3A_10 : vector<512x64xf32>
    %mul3A_14 = arith.mulf %mul3A_13, %sub3A_10 : vector<512x64xf32>
    %exp3A = math.exp %mul3A_14 : vector<512x64xf32>
    %get3A_15 = arith.constant 0 : index
    %get3A_16 = arith.constant 0 : index
    %get3A_17 = vector.load %arg1[%get3A_15, %get3A_16] : memref<512x128xf32, #tpu.memory_space<vmem>>, vector<512x128xf32>
    %get3A_18 = arith.constant 0 : index
    %get3A_19 = arith.constant 0 : index
    %get3A_20 = vector.load %arg2[%get3A_18, %get3A_19] : memref<512x128xf32, #tpu.memory_space<vmem>>, vector<512x128xf32>
    %add3A_21 = arith.addf %get3A_17, %get3A_20 : vector<512x128xf32>
    %get3A_22 = arith.constant 0 : index
    %get3A_23 = arith.constant 0 : index
    %get3A_24 = vector.load %arg5[%get3A_22, %get3A_23] : memref<64x128xf32, #tpu.memory_space<vmem>>, vector<64x128xf32>
    %dot_general3A = arith.constant dense<0.000000e+00> : vector<512x128xf32>
    %dot_general3A_25 = tpu.matmul %exp3A, %get3A_24, %dot_general3A {dimension_numbers = #tpu.dot_dimension_numbers<[1], [0], [0], [1], [0, 0, 1, 1], [], []>, transpose_lhs_hint = false} : vector<512x64xf32>, vector<64x128xf32>, vector<512x128xf32> -> vector<512x128xf32>
    %add3A_26 = arith.addf %add3A_21, %dot_general3A_25 : vector<512x128xf32>
    %get3A_27 = arith.constant 0 : index
    %get3A_28 = arith.constant 0 : index
    %get3A_29 = vector.load %arg4[%get3A_27, %get3A_28] : memref<512x16xf32, #tpu.memory_space<vmem>>, vector<512x16xf32>
    %get3A_30 = arith.constant 0 : index
    %get3A_31 = arith.constant 0 : index
    %get3A_32 = vector.load %arg6[%get3A_30, %get3A_31] : memref<16x128xf32, #tpu.memory_space<vmem>>, vector<16x128xf32>
    %dot_general3A_33 = arith.constant dense<0.000000e+00> : vector<512x128xf32>
    %dot_general3A_34 = tpu.matmul %get3A_29, %get3A_32, %dot_general3A_33 {dimension_numbers = #tpu.dot_dimension_numbers<[1], [0], [0], [1], [0, 0, 1, 1], [], []>, transpose_lhs_hint = false} : vector<512x16xf32>, vector<16x128xf32>, vector<512x128xf32> -> vector<512x128xf32>
    %add3A_35 = arith.addf %add3A_26, %dot_general3A_34 : vector<512x128xf32>
    %get3A_36 = arith.constant 0 : index
    %get3A_37 = arith.constant 0 : index
    %get3A_38 = vector.load %arg7[%get3A_36, %get3A_37] : memref<1x128xf32, #tpu.memory_space<vmem>>, vector<1x128xf32>
    %add3A_39 = vector.broadcast %get3A_38 : vector<1x128xf32> to vector<512x128xf32>
    %add3A_40 = arith.addf %add3A_35, %add3A_39 : vector<512x128xf32>
    %max3A_41 = arith.constant 0.000000e+00 : f32
    %max3A_42 = vector.broadcast %max3A_41 : f32 to vector<512x128xf32>
    %max3A_43 = arith.maximumf %add3A_40, %max3A_42 : vector<512x128xf32>
    %swap3A = arith.constant 0 : index
    %swap3A_44 = arith.constant 0 : index
    %swap3A_45 = vector.load %arg8[%swap3A, %swap3A_44] : memref<512x128xf32, #tpu.memory_space<vmem>>, vector<512x128xf32>
    tpu.vector_store %arg8[%swap3A, %swap3A_44], %max3A_43 {strides = array<i32>} : memref<512x128xf32, #tpu.memory_space<vmem>>, vector<512x128xf32>,
    return
  }
  func.func @transform_0(%arg0: i32) -> (i32, i32) {
    %c0_i32 = arith.constant 0 : i32
    %c0_i32_0 = arith.constant 0 : i32
    return %arg0, %c0_i32 : i32, i32
  }
  func.func @transform_1(%arg0: i32) -> (i32, i32) {
    %c0_i32 = arith.constant 0 : i32
    %c0_i32_0 = arith.constant 0 : i32
    return %arg0, %c0_i32 : i32, i32
  }
  func.func @transform_2(%arg0: i32) -> (i32, i32) {
    %c0_i32 = arith.constant 0 : i32
    %c0_i32_0 = arith.constant 0 : i32
    return %arg0, %c0_i32 : i32, i32
  }
  func.func @transform_3(%arg0: i32) -> (i32, i32) {
    %c0_i32 = arith.constant 0 : i32
    %c0_i32_0 = arith.constant 0 : i32
    return %arg0, %c0_i32 : i32, i32
  }
  func.func @transform_4(%arg0: i32) -> (i32, i32) {
    %c0_i32 = arith.constant 0 : i32
    %c0_i32_0 = arith.constant 0 : i32
    %c0_i32_1 = arith.constant 0 : i32
    return %c0_i32, %c0_i32_0 : i32, i32
  }
  func.func @transform_5(%arg0: i32) -> (i32, i32) {
    %c0_i32 = arith.constant 0 : i32
    %c0_i32_0 = arith.constant 0 : i32
    %c0_i32_1 = arith.constant 0 : i32
    return %c0_i32, %c0_i32_0 : i32, i32
  }
  func.func @transform_6(%arg0: i32) -> (i32, i32) {
    %c0_i32 = arith.constant 0 : i32
    %c0_i32_0 = arith.constant 0 : i32
    %c0_i32_1 = arith.constant 0 : i32
    return %c0_i32, %c0_i32_0 : i32, i32
  }
  func.func @transform_7(%arg0: i32) -> (i32, i32) {
    %c0_i32 = arith.constant 0 : i32
    %c0_i32_0 = arith.constant 0 : i32
    return %arg0, %c0_i32 : i32, i32
  }
}

module attributes {stable_mosaic.version = 14 : i64} {
  func.func @_final_body(%arg0: i32, %arg1: memref<1000x128xf32, #tpu.memory_space<vmem>>, %arg2: memref<2x1000x128xf32, #tpu.memory_space<vmem>>, %arg3: memref<1000x1xf32, #tpu.memory_space<vmem>>, %arg4: memref<1000x1xf32, #tpu.memory_space<vmem>>, %arg5: memref<2x1000x128xf32, #tpu.memory_space<vmem>>, %arg6: memref<1000x1xf32, #tpu.memory_space<vmem>>, %arg7: memref<1000x1xf32, #tpu.memory_space<vmem>>, %arg8: memref<128x128xf32, #tpu.memory_space<vmem>>, %arg9: memref<1x128xf32, #tpu.memory_space<vmem>>, %arg10: memref<128x128xf32, #tpu.memory_space<vmem>>, %arg11: memref<1x128xf32, #tpu.memory_space<vmem>>, %arg12: memref<128x128xf32, #tpu.memory_space<vmem>>, %arg13: memref<1x128xf32, #tpu.memory_space<vmem>>, %arg14: memref<128x128xf32, #tpu.memory_space<vmem>>, %arg15: memref<1x128xf32, #tpu.memory_space<vmem>>, %arg16: memref<1000x128xf32, #tpu.memory_space<vmem>>) attributes {dimension_semantics = [#tpu.dimension_semantics<arbitrary>], iteration_bounds = array<i64: 10>, scalar_prefetch = 0 : i64, scratch_operands = 0 : i64, tpu.core_type = #tpu.core_type<tc>, window_params = [{transform_indices = @transform_0, window_bounds = array<i64: 1000, 128>}, {transform_indices = @transform_1, window_bounds = array<i64: 2, 1000, 128>}, {transform_indices = @transform_2, window_bounds = array<i64: 1000, 1>}, {transform_indices = @transform_3, window_bounds = array<i64: 1000, 1>}, {transform_indices = @transform_4, window_bounds = array<i64: 2, 1000, 128>}, {transform_indices = @transform_5, window_bounds = array<i64: 1000, 1>}, {transform_indices = @transform_6, window_bounds = array<i64: 1000, 1>}, {pipeline_mode = #tpu.pipeline_mode<synchronous>, transform_indices = @transform_7, window_bounds = array<i64: 128, 128>}, {pipeline_mode = #tpu.pipeline_mode<synchronous>, transform_indices = @transform_8, window_bounds = array<i64: 1, 128>}, {pipeline_mode = #tpu.pipeline_mode<synchronous>, transform_indices = @transform_9, window_bounds = array<i64: 128, 128>}, {pipeline_mode = #tpu.pipeline_mode<synchronous>, transform_indices = @transform_10, window_bounds = array<i64: 1, 128>}, {pipeline_mode = #tpu.pipeline_mode<synchronous>, transform_indices = @transform_11, window_bounds = array<i64: 128, 128>}, {pipeline_mode = #tpu.pipeline_mode<synchronous>, transform_indices = @transform_12, window_bounds = array<i64: 1, 128>}, {pipeline_mode = #tpu.pipeline_mode<synchronous>, transform_indices = @transform_13, window_bounds = array<i64: 128, 128>}, {pipeline_mode = #tpu.pipeline_mode<synchronous>, transform_indices = @transform_14, window_bounds = array<i64: 1, 128>}, {transform_indices = @transform_15, window_bounds = array<i64: 1000, 128>}]} {
    %get3A = arith.constant 0 : index
    %get3A_0 = arith.constant 0 : index
    %get3A_1 = vector.load %arg1[%get3A, %get3A_0] : memref<1000x128xf32, #tpu.memory_space<vmem>>, vector<1000x128xf32>
    %get3A_2 = arith.constant 0 : index
    %get3A_3 = arith.constant 0 : index
    %get3A_4 = arith.constant 0 : index
    %get3A_5 = vector.load %arg2[%get3A_2, %get3A_3, %get3A_4] : memref<2x1000x128xf32, #tpu.memory_space<vmem>>, vector<1x1000x128xf32>
    %get3A_6 = vector.shape_cast %get3A_5 : vector<1x1000x128xf32> to vector<1000x128xf32>
    %get3A_7 = arith.constant 1 : index
    %get3A_8 = arith.constant 0 : index
    %get3A_9 = arith.constant 0 : index
    %get3A_10 = vector.load %arg2[%get3A_7, %get3A_8, %get3A_9] : memref<2x1000x128xf32, #tpu.memory_space<vmem>>, vector<1x1000x128xf32>
    %get3A_11 = vector.shape_cast %get3A_10 : vector<1x1000x128xf32> to vector<1000x128xf32>
    %add3A = arith.addf %get3A_6, %get3A_11 : vector<1000x128xf32>
    %get3A_12 = arith.constant 0 : index
    %get3A_13 = arith.constant 0 : index
    %get3A_14 = vector.load %arg3[%get3A_12, %get3A_13] : memref<1000x1xf32, #tpu.memory_space<vmem>>, vector<1000x1xf32>
    %get3A_15 = arith.constant 0 : index
    %get3A_16 = arith.constant 0 : index
    %get3A_17 = vector.load %arg4[%get3A_15, %get3A_16] : memref<1000x1xf32, #tpu.memory_space<vmem>>, vector<1000x1xf32>
    %add3A_18 = arith.addf %get3A_14, %get3A_17 : vector<1000x1xf32>
    %get3A_19 = arith.constant 0 : index
    %get3A_20 = arith.constant 0 : index
    %get3A_21 = vector.load %arg8[%get3A_19, %get3A_20] : memref<128x128xf32, #tpu.memory_space<vmem>>, vector<128x128xf32>
    %dot_general3A = arith.constant dense<0.000000e+00> : vector<1000x128xf32>
    %dot_general3A_22 = tpu.matmul %add3A, %get3A_21, %dot_general3A {dimension_numbers = #tpu.dot_dimension_numbers<[1], [0], [0], [1], [0, 0, 1, 1], [], []>, transpose_lhs_hint = false} : vector<1000x128xf32>, vector<128x128xf32>, vector<1000x128xf32> -> vector<1000x128xf32>
    %get3A_23 = arith.constant 0 : index
    %get3A_24 = arith.constant 0 : index
    %get3A_25 = vector.load %arg9[%get3A_23, %get3A_24] : memref<1x128xf32, #tpu.memory_space<vmem>>, vector<1x128xf32>
    %mul3A = vector.broadcast %add3A_18 : vector<1000x1xf32> to vector<1000x128xf32>
    %mul3A_26 = vector.broadcast %get3A_25 : vector<1x128xf32> to vector<1000x128xf32>
    %mul3A_27 = arith.mulf %mul3A, %mul3A_26 : vector<1000x128xf32>
    %add3A_28 = arith.addf %dot_general3A_22, %mul3A_27 : vector<1000x128xf32>
    %get3A_29 = arith.constant 0 : index
    %get3A_30 = arith.constant 0 : index
    %get3A_31 = arith.constant 0 : index
    %get3A_32 = vector.load %arg5[%get3A_29, %get3A_30, %get3A_31] : memref<2x1000x128xf32, #tpu.memory_space<vmem>>, vector<1x1000x128xf32>
    %get3A_33 = vector.shape_cast %get3A_32 : vector<1x1000x128xf32> to vector<1000x128xf32>
    %get3A_34 = arith.constant 1 : index
    %get3A_35 = arith.constant 0 : index
    %get3A_36 = arith.constant 0 : index
    %get3A_37 = vector.load %arg5[%get3A_34, %get3A_35, %get3A_36] : memref<2x1000x128xf32, #tpu.memory_space<vmem>>, vector<1x1000x128xf32>
    %get3A_38 = vector.shape_cast %get3A_37 : vector<1x1000x128xf32> to vector<1000x128xf32>
    %add3A_39 = arith.addf %get3A_33, %get3A_38 : vector<1000x128xf32>
    %get3A_40 = arith.constant 0 : index
    %get3A_41 = arith.constant 0 : index
    %get3A_42 = vector.load %arg6[%get3A_40, %get3A_41] : memref<1000x1xf32, #tpu.memory_space<vmem>>, vector<1000x1xf32>
    %get3A_43 = arith.constant 0 : index
    %get3A_44 = arith.constant 0 : index
    %get3A_45 = vector.load %arg7[%get3A_43, %get3A_44] : memref<1000x1xf32, #tpu.memory_space<vmem>>, vector<1000x1xf32>
    %add3A_46 = arith.addf %get3A_42, %get3A_45 : vector<1000x1xf32>
    %get3A_47 = arith.constant 0 : index
    %get3A_48 = arith.constant 0 : index
    %get3A_49 = vector.load %arg10[%get3A_47, %get3A_48] : memref<128x128xf32, #tpu.memory_space<vmem>>, vector<128x128xf32>
    %dot_general3A_50 = arith.constant dense<0.000000e+00> : vector<1000x128xf32>
    %dot_general3A_51 = tpu.matmul %add3A_39, %get3A_49, %dot_general3A_50 {dimension_numbers = #tpu.dot_dimension_numbers<[1], [0], [0], [1], [0, 0, 1, 1], [], []>, transpose_lhs_hint = false} : vector<1000x128xf32>, vector<128x128xf32>, vector<1000x128xf32> -> vector<1000x128xf32>
    %get3A_52 = arith.constant 0 : index
    %get3A_53 = arith.constant 0 : index
    %get3A_54 = vector.load %arg11[%get3A_52, %get3A_53] : memref<1x128xf32, #tpu.memory_space<vmem>>, vector<1x128xf32>
    %mul3A_55 = vector.broadcast %add3A_46 : vector<1000x1xf32> to vector<1000x128xf32>
    %mul3A_56 = vector.broadcast %get3A_54 : vector<1x128xf32> to vector<1000x128xf32>
    %mul3A_57 = arith.mulf %mul3A_55, %mul3A_56 : vector<1000x128xf32>
    %add3A_58 = arith.addf %dot_general3A_51, %mul3A_57 : vector<1000x128xf32>
    %add3A_59 = arith.addf %get3A_1, %add3A_28 : vector<1000x128xf32>
    %get3A_60 = arith.constant 0 : index
    %get3A_61 = arith.constant 0 : index
    %get3A_62 = vector.load %arg12[%get3A_60, %get3A_61] : memref<128x128xf32, #tpu.memory_space<vmem>>, vector<128x128xf32>
    %dot_general3A_63 = arith.constant dense<0.000000e+00> : vector<1000x128xf32>
    %dot_general3A_64 = tpu.matmul %add3A_59, %get3A_62, %dot_general3A_63 {dimension_numbers = #tpu.dot_dimension_numbers<[1], [0], [0], [1], [0, 0, 1, 1], [], []>, transpose_lhs_hint = false} : vector<1000x128xf32>, vector<128x128xf32>, vector<1000x128xf32> -> vector<1000x128xf32>
    %get3A_65 = arith.constant 0 : index
    %get3A_66 = arith.constant 0 : index
    %get3A_67 = vector.load %arg13[%get3A_65, %get3A_66] : memref<1x128xf32, #tpu.memory_space<vmem>>, vector<1x128xf32>
    %add3A_68 = vector.broadcast %get3A_67 : vector<1x128xf32> to vector<1000x128xf32>
    %add3A_69 = arith.addf %dot_general3A_64, %add3A_68 : vector<1000x128xf32>
    %max3A = arith.constant 0.000000e+00 : f32
    %max3A_70 = vector.broadcast %max3A : f32 to vector<1000x128xf32>
    %max3A_71 = arith.maximumf %add3A_69, %max3A_70 : vector<1000x128xf32>
    %add3A_72 = arith.addf %get3A_1, %add3A_58 : vector<1000x128xf32>
    %get3A_73 = arith.constant 0 : index
    %get3A_74 = arith.constant 0 : index
    %get3A_75 = vector.load %arg14[%get3A_73, %get3A_74] : memref<128x128xf32, #tpu.memory_space<vmem>>, vector<128x128xf32>
    %dot_general3A_76 = arith.constant dense<0.000000e+00> : vector<1000x128xf32>
    %dot_general3A_77 = tpu.matmul %add3A_72, %get3A_75, %dot_general3A_76 {dimension_numbers = #tpu.dot_dimension_numbers<[1], [0], [0], [1], [0, 0, 1, 1], [], []>, transpose_lhs_hint = false} : vector<1000x128xf32>, vector<128x128xf32>, vector<1000x128xf32> -> vector<1000x128xf32>
    %get3A_78 = arith.constant 0 : index
    %get3A_79 = arith.constant 0 : index
    %get3A_80 = vector.load %arg15[%get3A_78, %get3A_79] : memref<1x128xf32, #tpu.memory_space<vmem>>, vector<1x128xf32>
    %add3A_81 = vector.broadcast %get3A_80 : vector<1x128xf32> to vector<1000x128xf32>
    %add3A_82 = arith.addf %dot_general3A_77, %add3A_81 : vector<1000x128xf32>
    %max3A_83 = arith.constant 0.000000e+00 : f32
    %max3A_84 = vector.broadcast %max3A_83 : f32 to vector<1000x128xf32>
    %max3A_85 = arith.maximumf %add3A_82, %max3A_84 : vector<1000x128xf32>
    %add3A_86 = arith.addf %max3A_71, %max3A_85 : vector<1000x128xf32>
    %swap3A = arith.constant 0 : index
    %swap3A_87 = arith.constant 0 : index
    %swap3A_88 = vector.load %arg16[%swap3A, %swap3A_87] : memref<1000x128xf32, #tpu.memory_space<vmem>>, vector<1000x128xf32>
    tpu.vector_store %arg16[%swap3A, %swap3A_87], %add3A_86 {strides = array<i32>} : memref<1000x128xf32, #tpu.memory_space<vmem>>, vector<1000x128xf32>,
    return
  }
  func.func @transform_0(%arg0: i32) -> (i32, i32) {
    %c0_i32 = arith.constant 0 : i32
    %c0_i32_0 = arith.constant 0 : i32
    return %arg0, %c0_i32 : i32, i32
  }
  func.func @transform_1(%arg0: i32) -> (i32, i32, i32) {
    %c0_i32 = arith.constant 0 : i32
    %c0_i32_0 = arith.constant 0 : i32
    %c0_i32_1 = arith.constant 0 : i32
    return %c0_i32, %arg0, %c0_i32_0 : i32, i32, i32
  }
  func.func @transform_2(%arg0: i32) -> (i32, i32) {
    %c0_i32 = arith.constant 0 : i32
    %c0_i32_0 = arith.constant 0 : i32
    return %arg0, %c0_i32 : i32, i32
  }
  func.func @transform_3(%arg0: i32) -> (i32, i32) {
    %c0_i32 = arith.constant 0 : i32
    %c0_i32_0 = arith.constant 0 : i32
    return %arg0, %c0_i32 : i32, i32
  }
  func.func @transform_4(%arg0: i32) -> (i32, i32, i32) {
    %c0_i32 = arith.constant 0 : i32
    %c0_i32_0 = arith.constant 0 : i32
    %c0_i32_1 = arith.constant 0 : i32
    return %c0_i32, %arg0, %c0_i32_0 : i32, i32, i32
  }
  func.func @transform_5(%arg0: i32) -> (i32, i32) {
    %c0_i32 = arith.constant 0 : i32
    %c0_i32_0 = arith.constant 0 : i32
    return %arg0, %c0_i32 : i32, i32
  }
  func.func @transform_6(%arg0: i32) -> (i32, i32) {
    %c0_i32 = arith.constant 0 : i32
    %c0_i32_0 = arith.constant 0 : i32
    return %arg0, %c0_i32 : i32, i32
  }
  func.func @transform_7(%arg0: i32) -> (i32, i32) {
    %c0_i32 = arith.constant 0 : i32
    %c0_i32_0 = arith.constant 0 : i32
    %c0_i32_1 = arith.constant 0 : i32
    return %c0_i32, %c0_i32_0 : i32, i32
  }
  func.func @transform_8(%arg0: i32) -> (i32, i32) {
    %c0_i32 = arith.constant 0 : i32
    %c0_i32_0 = arith.constant 0 : i32
    %c0_i32_1 = arith.constant 0 : i32
    return %c0_i32, %c0_i32_0 : i32, i32
  }
  func.func @transform_9(%arg0: i32) -> (i32, i32) {
    %c0_i32 = arith.constant 0 : i32
    %c0_i32_0 = arith.constant 0 : i32
    %c0_i32_1 = arith.constant 0 : i32
    return %c0_i32, %c0_i32_0 : i32, i32
  }
  func.func @transform_10(%arg0: i32) -> (i32, i32) {
    %c0_i32 = arith.constant 0 : i32
    %c0_i32_0 = arith.constant 0 : i32
    %c0_i32_1 = arith.constant 0 : i32
    return %c0_i32, %c0_i32_0 : i32, i32
  }
  func.func @transform_11(%arg0: i32) -> (i32, i32) {
    %c0_i32 = arith.constant 0 : i32
    %c0_i32_0 = arith.constant 0 : i32
    %c0_i32_1 = arith.constant 0 : i32
    return %c0_i32, %c0_i32_0 : i32, i32
  }
  func.func @transform_12(%arg0: i32) -> (i32, i32) {
    %c0_i32 = arith.constant 0 : i32
    %c0_i32_0 = arith.constant 0 : i32
    %c0_i32_1 = arith.constant 0 : i32
    return %c0_i32, %c0_i32_0 : i32, i32
  }
  func.func @transform_13(%arg0: i32) -> (i32, i32) {
    %c0_i32 = arith.constant 0 : i32
    %c0_i32_0 = arith.constant 0 : i32
    %c0_i32_1 = arith.constant 0 : i32
    return %c0_i32, %c0_i32_0 : i32, i32
  }
  func.func @transform_14(%arg0: i32) -> (i32, i32) {
    %c0_i32 = arith.constant 0 : i32
    %c0_i32_0 = arith.constant 0 : i32
    %c0_i32_1 = arith.constant 0 : i32
    return %c0_i32, %c0_i32_0 : i32, i32
  }
  func.func @transform_15(%arg0: i32) -> (i32, i32) {
    %c0_i32 = arith.constant 0 : i32
    %c0_i32_0 = arith.constant 0 : i32
    return %arg0, %c0_i32 : i32, i32
  }
}

</mosaic_0001>

<sc_bundles>
// kernel: kernel.10.cloned.1.call-start
scs
__scs_entry_jumppad:
0x0: {  	(pc) =	sbr.rel $0x88, $3  }
0x1: {  	(tag) =	ssettag $0x0;
	lr =	simm.s32 $0x1  }
0x2: {  	[smem:$0x3F8E] =	sst lr;
	_ =	strace $0xD0000000  }
0x3: {  	_ = 	snop  }
0x4: {  	_ = 	snop  }
0x5: {  	_ = 	snop  }
0x6: {  	_ = 	snop  }
0x7: {  	_ = 	snop  }
__scs_overlays_trampoline_lowered:
0x8: {  	[smem:$0x3F9D] =	sst s0  }
0x9: {  	[smem:$0x3F9E] =	sst s1  }
0xa: {  	[smem:$0x3F9F] =	sst s2  }
0xb: {  	[smem:$0x3FA0] =	sst s3  }
0xc: {  	[smem:$0x3FA1] =	sst s4  }
0xd: {  	[smem:$0x3FA2] =	sst s5  }
0xe: {  	[smem:$0x3FA3] =	sst s6  }
0xf: {  	[smem:$0x3FA4] =	sst s7  }
0x10: {  	[smem:$0x3FA5] =	sst s8  }
0x11: {  	[smem:$0x3FA6] =	sst s9;
	s0 =	simm.s32 @!p0 $0x0  }
0x12: {  	s1 =	sld [smem:$0x3F8C];
	s0 =	simm.s32 @p0 $0x1  }
0x13: {  	[smem:$0x3FA7] =	sst s0;
	s0 =	simm.s32 @!p1 $0x0  }
0x14: {  	s2 =	sld [smem:$0x3F8B];
	s0 =	simm.s32 @p1 $0x1  }
0x15: {  	[smem:$0x3FA8] =	sst s0;
	s0 =	simm.s32 @!p2 $0x0  }
0x16: {  	s3 =	sld [smem:$0x3FDB];
	s0 =	simm.s32 @p2 $0x1  }
0x17: {  	s4 =	simm.s32 $0x1BF5;
	[smem:$0x3FAA] =	sst s0  }
0x18: {  	s0 =	sld [smem:$0x3F8D];
	_ =	swait.ge [sflag:s4], $0x0  }
0x19: {  	s7 =	sld [smem:$0x3F8E]  }
0x1a: {  	s8 =	sadd.s32 $0xFFFFE003, lr  }
0x1b: {  	s9 =	sadd.s32 $0xFFFFFEF7, lr;
	s5 =	simm.s32 $0xFFFFFFFF;
	p2 =	slt.u32 s8, $0xFFFFF086  }
0x1c: {  	p1 =	slt.u32 s9, $0xF7A;
	s5 =	simm.s32 @!p2 $0x0  }
0x1d: {  	s5 =	simm.s32 @p1 $0x1;
	p0 =	seq.s32 s7, s2  }
0x1e: {  	s7 =	smul.u32 @!p0 $0xF7A, s2;
	p2 =	seq.s32 @!p0 s5, $0x0  }
0x1f: {  	s9 =	smul.u32 $0xF7A, s1;
	s8 =	simm.s32 @!p0 $0x1BF5;
	p2 =	por !p2, p0  }
0x20: {  	[sflag:s8] =	ssyncset.s32 @!p0 $0xFFFFF086;
	s6 =	sadd.s32 @!p0 s3, s7;
	s7 =	simm.s32 @!p0 $0x108  }
0x21: {  	s3 =	sadd.s32 s3, s9;
	s6 =	sadd.s32 @!p0 $0x88, s6;
	s7 =	simm.s32 @p2 $0x1082  }
0x22: {  	[simem:s7], [sflag:s8] =	dma.local @!p0 [hbm:s6], $0xF7A  }
0x23: {  	s9 =	sor.u32 $0xD0000000, s2;
	s6 =	simm.s32 $0x108;
	_ =	swait.ge @!p0 [sflag:s8], $0x0  }
0x24: {  	s3 =	sadd.s32 $0x88, s3;
	s6 =	simm.s32 @!p1 $0x1082;
	[sflag:s4] =	ssyncset.s32 $0xFFFFF086  }
0x25: {  	[simem:s6], [sflag:s4] =	dma.local [hbm:s3], $0xF7A  }
0x26: {  	[smem:$0x3F8E] =	sst s1;
	(tag) =	ssettag s2;
	_ =	strace s9  }
0x27: {  	s1 =	sld [smem:$0x3F9E]  }
0x28: {  	s2 =	sld [smem:$0x3F9F]  }
0x29: {  	s4 =	sld [smem:$0x3FA1]  }
0x2a: {  	p0 =	seq.s32 s5, $0x0;
	s5 =	sld [smem:$0x3FA2]  }
0x2b: {  	s6 =	sld [smem:$0x3FA3]  }
0x2c: {  	s7 =	sld [smem:$0x3FA4]  }
0x2d: {  	s3 =	simm.s32 $0x108;
	s8 =	sld [smem:$0x3FA5]  }
0x2e: {  	s3 =	simm.s32 @!p0 $0x1082;
	s9 =	sld [smem:$0x3FA6]  }
0x2f: {  	lr =	sadd.s32 s0, s3;
	s0 =	sld [smem:$0x3F9D]  }
0x30: {  	s3 =	sld [smem:$0x3FA0]  }
0x31: {  	[smem:$0x3FA9] =	sst s10  }
0x32: {  	s10 =	sld [smem:$0x3FA7];
	_ =	sdelay $0x3  }
0x33: {  	p0 =	seq.s32 s10, $0x1;
	s10 =	sld [smem:$0x3FA9];
	_ =	sdelay $0x3  }
0x34: {  	[smem:$0x3FA9] =	sst s10  }
0x35: {  	s10 =	sld [smem:$0x3FA8];
	_ =	sdelay $0x3  }
0x36: {  	p1 =	seq.s32 s10, $0x1;
	s10 =	sld [smem:$0x3FA9];
	_ =	sdelay $0x3  }
0x37: {  	[smem:$0x3FA9] =	sst s10  }
0x38: {  	s10 =	sld [smem:$0x3FAA]  }
0x39: {  	_ = 	snop;
	(pc) =	sbr.ind lr, $3  }
0x3a: {  	_ = 	snop  }
0x3b: {  	_ = 	snop  }
0x3c: {  	p2 =	seq.s32 s10, $0x1;
	s10 =	sld [smem:$0x3FA9]  }
0x3d: {  	_ =	shalt  }
0x3e: {  	_ =	shalt  }
0x3f: {  	_ =	shalt  }
0x40: {  	_ =	shalt  }
0x41: {  	_ =	shalt  }
0x42: {  	_ =	shalt  }
0x43: {  	_ =	shalt  }
0x44: {  	_ =	shalt  }
0x45: {  	_ =	shalt  }
0x46: {  	_ =	shalt  }
0x47: {  	_ =	shalt  }
0x48: {  	_ =	shalt  }
0x49: {  	_ =	shalt  }
0x4a: {  	_ =	shalt  }
0x4b: {  	_ =	shalt  }
0x4c: {  	_ =	shalt  }
0x4d: {  	_ =	shalt  }
0x4e: {  	_ =	shalt  }
0x4f: {  	_ =	shalt  }
0x50: {  	_ =	shalt  }
0x51: {  	_ =	shalt  }
0x52: {  	_ =	shalt  }
0x53: {  	_ =	shalt  }
0x54: {  	_ =	shalt  }
0x55: {  	_ =	shalt  }
0x56: {  	_ =	shalt  }
0x57: {  	_ =	shalt  }
0x58: {  	_ =	shalt  }
0x59: {  	_ =	shalt  }
0x5a: {  	_ =	shalt  }
0x5b: {  	_ =	shalt  }
0x5c: {  	_ =	shalt  }
0x5d: {  	_ =	shalt  }
0x5e: {  	_ =	shalt  }
0x5f: {  	_ =	shalt  }
0x60: {  	_ =	shalt  }
0x61: {  	_ =	shalt  }
0x62: {  	_ =	shalt  }
0x63: {  	_ =	shalt  }
0x64: {  	_ =	shalt  }
0x65: {  	_ =	shalt  }
0x66: {  	_ =	shalt  }
0x67: {  	_ =	shalt  }
0x68: {  	_ =	shalt  }
0x69: {  	_ =	shalt  }
0x6a: {  	_ =	shalt  }
0x6b: {  	_ =	shalt  }
0x6c: {  	_ =	shalt  }
0x6d: {  	_ =	shalt  }
0x6e: {  	_ =	shalt  }
0x6f: {  	_ =	shalt  }
0x70: {  	_ =	shalt  }
0x71: {  	_ =	shalt  }
0x72: {  	_ =	shalt  }
0x73: {  	_ =	shalt  }
0x74: {  	_ =	shalt  }
0x75: {  	_ =	shalt  }
0x76: {  	_ =	shalt  }
0x77: {  	_ =	shalt  }
0x78: {  	_ =	shalt  }
0x79: {  	_ =	shalt  }
0x7a: {  	_ =	shalt  }
0x7b: {  	_ =	shalt  }
0x7c: {  	_ =	shalt  }
0x7d: {  	_ =	shalt  }
0x7e: {  	_ =	shalt  }
0x7f: {  	_ =	shalt  }
0x80: {  	_ =	shalt  }
0x81: {  	_ =	shalt  }
0x82: {  	_ =	shalt  }
0x83: {  	_ =	shalt  }
0x84: {  	_ =	shalt  }
0x85: {  	_ =	shalt  }
0x86: {  	_ =	shalt  }
0x87: {  	_ =	shalt  }
.Lfunc_end0:
.L_simem_size_0:
called_computation_lowered:
.L_overlay_start_0:
0x88: {  	s2 =	sld [smem:$0x3FD9]  }
0x89: {  	s3 =	sld [smem:$0x3FFE];
	_ =	sdelay $0x1  }
0x8a: {  	s1 =	srdreg.scid  }
0x8b: {  	s0 =	sand.u32 $0x1, s1  }
0x8c: {  	s17 =	sshll.u32 s0, $0xA;
	s2 =	sadd.s32 s3, s2  }
0x8d: {  	s2 =	sadd.s32 s2, s17  }
0x8e: {  	[smem:$0x3FB5] =	sst s2  }
0x8f: {  	_ = 	snop  }
0x90: {  	s18 =	sld [smem:$0x3FD0];
	(tm) =	ssettm $0x1  }
0x91: {  	s19 =	sld [smem:$0x3FFB];
	_ =	sdelay $0x3  }
0x92: {  	_ =	strace s19  }
0x93: {  	s2 =	sld [smem:$0x3FFC];
	_ =	sdelay $0x3  }
0x94: {  	_ =	strace s2  }
0x95: {  	s2 =	sld [smem:$0x3FFD];
	_ =	sdelay $0x3  }
0x96: {  	_ =	strace s2  }
0x97: {  	_ =	strace $0x8FFFFFFF  }
0x98: {  	s20 =	sld [smem:$0x3FDB];
	_ =	sdelay $0x1  }
0x99: {  	s4 =	simm.s32 $_scs_section_size  }
0x9a: {  	s5 =	simm.s32 $_size__tile_overlayer_lowered;
	s6 =	simm.s32 $_tile_overlayer_lowered  }
0x9b: {  	s7 =	simm.s32 $0x1BFF;
	s21 =	sshll.u32 s6, $0x1;
	s4 =	sadd.s32 s4, s20  }
0x9c: {  	s22 =	simm.s32 $0x0;
	s5 =	sshll.u32 s5, $0x1;
	s6 =	sadd.s32 s21, s4  }
0x9d: {  	[timem:s22], [sflag:s7] =	dma.local [hbm:s6], s5  }
0x9e: {  	_ =	swait.ge [sflag:s7], s5  }
0x9f: {  	s5 =	ssub.s32 $0x0, s5;
	[sflag:s7] =	ssyncset.done $0x0  }
0xa0: {  	[sflag:s7] =	ssyncadd.s32 s5;
	_ =	sdelay $0x1  }
0xa1: {  	s23 =	simm.s32 $0x1B8B  }
0xa2: {  	_ =	swait.ge [sflag:s23], $0x1  }
0xa3: {  	[sflag:s23] =	ssyncset.done $0x0  }
0xa4: {  	[sflag:s23] =	ssyncadd.s32 $0xFFFFFFFF  }
0xa5: {  	s5 =	sld [smem:$0x0]  }
0xa6: {  	s6 =	sand.u32 $0xFFFFFFFE, s1  }
0xa7: {  	p0 =	sne.s32 s1, s6  }
0xa8: {  	s6 =	sshll.u32 @p0 s6, $0xE  }
0xa9: {  	s6 =	sadd.s32 @p0 $0x11B8D, s6;
	s7 =	sshll.u32 @p0 s5, $0x11  }
0xaa: {  	s6 =	sor.u32 @p0 s7, s6  }
0xab: {  	[sflag:s6] =	ssyncadd.remote.s32 @p0 $0x1;
	_ =	sdelay $0x1  }
0xac: {  	s6 =	simm.s32 @p0 $0x1B8D  }
0xad: {  	_ =	swait.eq @p0 [sflag:s6], $0x1  }
0xae: {  	[sflag:s6] =	ssyncadd.s32 @p0 $0xFFFFFFFF  }
0xaf: {  	s7 =	sshll.u32 @!p0 s1, $0xE  }
0xb0: {  	s7 =	sor.u32 @!p0 $0x4000, s7;
	s6 =	simm.s32 @!p0 $0x1B8D  }
0xb1: {  	s5 =	sshll.u32 @!p0 s5, $0x11;
	s7 =	sadd.s32 @!p0 $0x11B8D, s7;
	_ =	swait.eq @!p0 [sflag:s6], $0x1  }
0xb2: {  	s5 =	sor.u32 @!p0 s5, s7;
	[sflag:s6] =	ssyncadd.s32 @!p0 $0xFFFFFFFF  }
0xb3: {  	s25 =	simm.s32 $0x1B8E;
	s24 =	sld [smem:$0x3FFE];
	[sflag:s5] =	ssyncadd.remote.s32 @!p0 $0x1  }
0xb4: {  	s26 =	simm.s32 $execute0_lowered;
	[smem:$0x3FD2] =	sst s25  }
0xb5: {  	s6 =	sshll.u32 s26, $0x1;
	_ =	strace $0x80000049;
	[dreg:$0x1] =	wrdreg $0xFFFFFFFF  }
0xb6: {  	s28 =	simm.s32 $_size_execute0_lowered;
	s4 =	sadd.s32 s4, s6;
	[dreg:$0x0] =	wrdreg $0x0  }
0xb7: {  	s6 =	sshll.u32 s28, $0x1;
	[dreg:$0x2] =	wrdreg s4  }
0xb8: {  	[dreg:$0x3] =	wrdreg s6  }
0xb9: {  	[dreg:$0x4] =	wrdreg $0xC0  }
0xba: {  	_ =	task [dreg:s22], $0x5FFFF  }
0xbb: {  	[dreg:$0x1] =	wrdreg $0xFFFFFFFF  }
0xbc: {  	[dreg:$0x0] =	wrdreg $0x60  }
0xbd: {  	[dreg:$0x2] =	wrdreg s18  }
0xbe: {  	[dreg:$0x3] =	wrdreg s24  }
0xbf: {  	[dreg:$0x4] =	wrdreg $0x9  }
0xc0: {  	_ =	task.clear_ibuf [dreg:s22], $0x5FFFF;
	_ =	strace $0x90000049  }
0xc1: {  	s29 =	simm.s32 $0x9;
	_ =	strace $0x8000004B  }
0xc2: {  	_ =	swait.ge [sflag:s29], $0x1  }
0xc3: {  	[sflag:s29] =	ssyncadd.s32 $0xFFFFFFFF  }
0xc4: {  	_ =	strace $0x9000004B  }
0xc5: {  	_ =	sfence  }
0xc6: {  	s30 =	sld [smem:$0x0];
	_ =	sdelay $0x2  }
0xc7: {  	s31 =	sshll.u32 s1, $0xD;
	s1 =	sshrl.u32 s1, $0x2  }
0xc8: {  	s4 =	sand.u32 $0x4000, s31;
	s1 =	sadd.s32 s1, s30  }
0xc9: {  	s0 =	sor.u32 s4, s0;
	s1 =	sshll.u32 s1, $0x11  }
0xca: {  	s0 =	sor.u32 s1, s0  }
0xcb: {  	s0 =	sadd.s32 $0x8F2B, s0  }
0xcc: {  	[sflag:s0] =	ssyncadd.remote.s32 $0x1  }
0xcd: {  	_ =	sfence.sel $0xFFFF  }
0xce: {  	[dreg:$0x0] =	wrdreg $0xFFFFFFFF;
	(pc) =	sbr.abs _section_cstart, $3  }
0xcf: {  	[dreg:$0x1] =	wrdreg $0xFFFFFFFF  }
0xd0: {  	_ =	task.clear_ibuf [dreg:s22], $0x2FFFF;
	_ =	strace $0x9FFFFFFF  }
0xd1: {  	(tm) =	ssettm $0x7FFFFFFF  }
tec
execute0_lowered:
.L_overlay_start_1:
0x0: {  	(tag) =	ssettag $0x1  }
0x1: {  	s2 =	rddreg [dreg:$0x0]  }
0x2: {  	s1 =	srdreg.scid;
	s0 =	stileid.u32  }
0x3: {  	s7 =	rddreg [dreg:$0x1];
	s3 =	simm.s32 $0x0;
	s14 =	simm.s32 $0x8100  }
0x4: {  	s15 =	simm.s32 $0x3;
	s16 =	simm.s32 $0xA880;
	s17 =	simm.s32 $0xD000  }
0x5: {  	s18 =	simm.s32 $0x80;
	s19 =	simm.s32 $0x1;
	s20 =	simm.s32 $0x100  }
0x6: {  	s21 =	simm.s32 $0x4100;
	s22 =	simm.s32 $0x2;
	s23 =	simm.s32 $0xF780  }
0x7: {  	s5 =	sand.u32 $0x1, s1;
	s4 =	smul.u32 $0x2800, s0;
	s1 =	rddreg [dreg:$0x2]  }
0x8: {  	s24 =	simm.s32 $0x0;
	[smem:$0x7FF] =	sst s3;
	s8 =	smul.u32 $0x28000, s0  }
0x9: {  	s6 =	smul.u32 $0x1400, s5;
	_ =	strace $0x8000004A;
	s9 =	ssub.s32 $0x2, s5  }
0xa: {  	s10 =	smul.u32 $0x14000, s5;
	s5 =	sadd.s32 $0x5800, s7;
	s8 =	sadd.s32 s8, s7  }
0xb: {  	s11 =	sshrl.u32 s9, $0x1;
	s6 =	sadd.s32 s6, s4;
	s4 =	sadd.s32 $0x71C00, s7  }
0xc: {  	s9 =	ssub.s32 s9, s11;
	s10 =	sadd.s32 s10, s8;
	s6 =	sshrl.u32 s6, $0x3  }
0xd: {  	s8 =	smax.u32 s9, $0x1;
	s9 =	sadd.s32 $0xA97000, s10;
	s10 =	sadd.s32 $0xD17000, s10  }
0xe: {  	s13 =	sadd.s32 s6, s7;
	s6 =	sadd.s32 $0x5200, s7;
	s7 =	sadd.s32 $0x4C00, s7  }
0xf: {  	s11 =	sadd.s32 $0xA92000, s13;
	s12 =	sadd.s32 $0xA83000, s13;
	s13 =	sadd.s32 $0xA88000, s13  }
.LBB2_1:
0x10: {  	[tilespmem:s14], [sflag:$0x3] =	stream.linear.gather [hbm4b:s5+s3], $0x2780, $0x38;
	[tilespmem:$0xF800] =	vst v63  }
0x11: {  	_ =	swait.ge [sflag:s15], $0x2780  }
0x12: {  	[sflag:s15] =	ssyncset.done $0x0  }
0x13: {  	[sflag:s15] =	ssyncadd.s32 $0xFFFFD880  }
0x14: {  	[tilespmem:s16], [sflag:$0x3] =	stream.linear.gather [hbm4b:s6+s3], $0x2780, $0x38;
	[tilespmem:$0xF800] =	vst v63  }
0x15: {  	_ =	swait.ge [sflag:s15], $0x2780  }
0x16: {  	[sflag:s15] =	ssyncset.done $0x0  }
0x17: {  	[sflag:s15] =	ssyncadd.s32 $0xFFFFD880  }
0x18: {  	[tilespmem:s17], [sflag:$0x3] =	stream.linear.gather [hbm4b:s7+s3], $0x2780, $0x38;
	[tilespmem:$0xF800] =	vst v63  }
0x19: {  	_ =	swait.ge [sflag:s15], $0x2780  }
0x1a: {  	s25 =	smov.u32 s10;
	[sflag:s15] =	ssyncset.done $0x0  }
0x1b: {  	s26 =	smov.u32 s9;
	s28 =	simm.s32 $0x0;
	[sflag:s15] =	ssyncadd.s32 $0xFFFFD880  }
.LBB2_2:
0x1c: {  	s29 =	sadd.s32 s28, s13  }
0x1d: {  	[tilespmem:s3], [sflag:$0x1] =	stream.linear.gather [hbm4b:s29+s3], $0x80, $0x38;
	[tilespmem:$0xF800] =	vst v63  }
0x1e: {  	s30 =	sadd.s32 s28, s12  }
0x1f: {  	[tilespmem:s18], [sflag:$0x1] =	stream.linear.gather [hbm4b:s30+s3], $0x80, $0x38;
	[tilespmem:$0xF800] =	vst v63  }
0x20: {  	_ =	swait.ge [sflag:s19], $0x80  }
0x21: {  	[sflag:s19] =	ssyncset.done $0x0  }
0x22: {  	[sflag:s19] =	ssyncadd.s32 $0xFFFFFF80  }
0x23: {  	_ =	swait.ge [sflag:s19], $0x80  }
0x24: {  	[sflag:s19] =	ssyncset.done $0x0  }
0x25: {  	[sflag:s19] =	ssyncadd.s32 $0xFFFFFF80  }
0x26: {  	[tilespmem:s20], [sflag:$0x1] =	stream.indirect.gather [hbm4b:s2+s18], $0x80, s3, s18, $0xb8;
	[tilespmem:$0xF800] =	vst v63  }
0x27: {  	_ = 	snop  }
0x28: {  	[tilespmem:s21], [sflag:$0x2] =	stream.indirect.gather [hbm4b:s4+s18], $0x80, s18, s18, $0xb8;
	[tilespmem:$0xF800] =	vst v63  }
0x29: {  	v0 =	vld [tilespmem:$0x0]  }
0x2a: {  	v1 =	vld [tilespmem:$0x80];
	_ =	sdelay $0x6  }
0x2b: {  	v2 =	vld.idx.msk [tilespmem:v0+s14+$0x0], $0xffff  }
0x2c: {  	v3 =	vld.idx.msk [tilespmem:v1+s14+$0x0], $0xffff  }
0x2d: {  	v4 =	vld.idx.msk [tilespmem:v0+s16+$0x0], $0xffff  }
0x2e: {  	v5 =	vld.idx.msk [tilespmem:v1+s16+$0x0], $0xffff  }
0x2f: {  	v0 =	vld.idx.msk [tilespmem:v0+s17+$0x0], $0xffff  }
0x30: {  	v1 =	vld.idx.msk [tilespmem:v1+s17+$0x0], $0xffff;
	_ =	sdelay $0x2  }
0x31: {  	v2 =	vsub.f32 v2, v3;
	v11 =	vsub.f32 v4, v5  }
0x32: {  	v12 =	vld [tilespmem:$0x10]  }
0x33: {  	v15 =	vld [tilespmem:$0x90];
	v0 =	vsub.f32 v0, v1;
	v13 =	vmul.f32 v2, v2;
	v14 =	vmul.f32 v11, v11;
	_ =	sdelay $0x1  }
0x34: {  	v0 =	vmul.f32 v0, v0;
	v1 =	vadd.f32 v14, v13;
	_ =	sdelay $0x1  }
0x35: {  	v0 =	vadd.f32 v0, v1;
	_ =	sdelay $0x1  }
0x36: {  	[tilespmem:$0xF780] =	vst v0  }
0x37: {  	v0 =	vld.idx.msk [tilespmem:v12+s14+$0x0], $0xffff  }
0x38: {  	v16 =	vld.idx.msk [tilespmem:v15+s14+$0x0], $0xffff  }
0x39: {  	v17 =	vld.idx.msk [tilespmem:v12+s16+$0x0], $0xffff  }
0x3a: {  	v18 =	vld.idx.msk [tilespmem:v15+s16+$0x0], $0xffff  }
0x3b: {  	v4 =	vld.idx.msk [tilespmem:v12+s17+$0x0], $0xffff  }
0x3c: {  	v3 =	vld.idx.msk [tilespmem:v15+s17+$0x0], $0xffff;
	_ =	sdelay $0x2  }
0x3d: {  	v0 =	vsub.f32 v0, v16;
	v19 =	vsub.f32 v17, v18  }
0x3e: {  	v20 =	vld [tilespmem:$0x20]  }
0x3f: {  	v21 =	vld [tilespmem:$0xA0];
	v3 =	vsub.f32 v4, v3;
	v0 =	vmul.f32 v0, v0;
	v1 =	vmul.f32 v19, v19;
	_ =	sdelay $0x1  }
0x40: {  	v22 =	vmul.f32 v3, v3;
	v0 =	vadd.f32 v1, v0;
	_ =	sdelay $0x1  }
0x41: {  	v0 =	vadd.f32 v22, v0;
	_ =	sdelay $0x1  }
0x42: {  	[tilespmem:$0xF790] =	vst v0  }
0x43: {  	v0 =	vld.idx.msk [tilespmem:v20+s14+$0x0], $0xffff  }
0x44: {  	v23 =	vld.idx.msk [tilespmem:v21+s14+$0x0], $0xffff  }
0x45: {  	v24 =	vld.idx.msk [tilespmem:v20+s16+$0x0], $0xffff  }
0x46: {  	v25 =	vld.idx.msk [tilespmem:v21+s16+$0x0], $0xffff  }
0x47: {  	v2 =	vld.idx.msk [tilespmem:v20+s17+$0x0], $0xffff  }
0x48: {  	v4 =	vld.idx.msk [tilespmem:v21+s17+$0x0], $0xffff;
	_ =	sdelay $0x2  }
0x49: {  	v0 =	vsub.f32 v0, v23;
	v26 =	vsub.f32 v24, v25  }
0x4a: {  	v27 =	vld [tilespmem:$0x30]  }
0x4b: {  	v28 =	vld [tilespmem:$0xB0];
	v2 =	vsub.f32 v2, v4;
	v0 =	vmul.f32 v0, v0;
	v1 =	vmul.f32 v26, v26;
	_ =	sdelay $0x1  }
0x4c: {  	v29 =	vmul.f32 v2, v2;
	v0 =	vadd.f32 v1, v0;
	_ =	sdelay $0x1  }
0x4d: {  	v0 =	vadd.f32 v29, v0;
	_ =	sdelay $0x1  }
0x4e: {  	[tilespmem:$0xF7A0] =	vst v0  }
0x4f: {  	v0 =	vld.idx.msk [tilespmem:v27+s14+$0x0], $0xffff  }
0x50: {  	v30 =	vld.idx.msk [tilespmem:v28+s14+$0x0], $0xffff  }
0x51: {  	v31 =	vld.idx.msk [tilespmem:v27+s16+$0x0], $0xffff  }
0x52: {  	v32 =	vld.idx.msk [tilespmem:v28+s16+$0x0], $0xffff  }
0x53: {  	v3 =	vld.idx.msk [tilespmem:v27+s17+$0x0], $0xffff  }
0x54: {  	v4 =	vld.idx.msk [tilespmem:v28+s17+$0x0], $0xffff;
	_ =	sdelay $0x2  }
0x55: {  	v0 =	vsub.f32 v0, v30;
	v33 =	vsub.f32 v31, v32  }
0x56: {  	v34 =	vld [tilespmem:$0x40]  }
0x57: {  	v35 =	vld [tilespmem:$0xC0];
	v3 =	vsub.f32 v3, v4;
	v0 =	vmul.f32 v0, v0;
	v1 =	vmul.f32 v33, v33;
	_ =	sdelay $0x1  }
0x58: {  	v36 =	vmul.f32 v3, v3;
	v0 =	vadd.f32 v1, v0;
	_ =	sdelay $0x1  }
0x59: {  	v0 =	vadd.f32 v36, v0;
	_ =	sdelay $0x1  }
0x5a: {  	[tilespmem:$0xF7B0] =	vst v0  }
0x5b: {  	v0 =	vld.idx.msk [tilespmem:v34+s14+$0x0], $0xffff  }
0x5c: {  	v37 =	vld.idx.msk [tilespmem:v35+s14+$0x0], $0xffff  }
0x5d: {  	v38 =	vld.idx.msk [tilespmem:v34+s16+$0x0], $0xffff  }
0x5e: {  	v39 =	vld.idx.msk [tilespmem:v35+s16+$0x0], $0xffff  }
0x5f: {  	v2 =	vld.idx.msk [tilespmem:v34+s17+$0x0], $0xffff  }
0x60: {  	v4 =	vld.idx.msk [tilespmem:v35+s17+$0x0], $0xffff;
	_ =	sdelay $0x2  }
0x61: {  	v0 =	vsub.f32 v0, v37;
	v40 =	vsub.f32 v38, v39  }
0x62: {  	v41 =	vld [tilespmem:$0x50]  }
0x63: {  	v42 =	vld [tilespmem:$0xD0];
	v2 =	vsub.f32 v2, v4;
	v0 =	vmul.f32 v0, v0;
	v1 =	vmul.f32 v40, v40;
	_ =	sdelay $0x1  }
0x64: {  	v43 =	vmul.f32 v2, v2;
	v0 =	vadd.f32 v1, v0;
	_ =	sdelay $0x1  }
0x65: {  	v0 =	vadd.f32 v43, v0;
	_ =	sdelay $0x1  }
0x66: {  	[tilespmem:$0xF7C0] =	vst v0  }
0x67: {  	v0 =	vld.idx.msk [tilespmem:v41+s14+$0x0], $0xffff  }
0x68: {  	v44 =	vld.idx.msk [tilespmem:v42+s14+$0x0], $0xffff  }
0x69: {  	v45 =	vld.idx.msk [tilespmem:v41+s16+$0x0], $0xffff  }
0x6a: {  	v46 =	vld.idx.msk [tilespmem:v42+s16+$0x0], $0xffff  }
0x6b: {  	v3 =	vld.idx.msk [tilespmem:v41+s17+$0x0], $0xffff  }
0x6c: {  	v4 =	vld.idx.msk [tilespmem:v42+s17+$0x0], $0xffff;
	_ =	sdelay $0x2  }
0x6d: {  	v0 =	vsub.f32 v0, v44;
	v47 =	vsub.f32 v45, v46  }
0x6e: {  	v48 =	vld [tilespmem:$0x60]  }
0x6f: {  	v49 =	vld [tilespmem:$0xE0];
	v3 =	vsub.f32 v3, v4;
	v0 =	vmul.f32 v0, v0;
	v1 =	vmul.f32 v47, v47;
	_ =	sdelay $0x1  }
0x70: {  	v50 =	vmul.f32 v3, v3;
	v0 =	vadd.f32 v1, v0;
	_ =	sdelay $0x1  }
0x71: {  	v0 =	vadd.f32 v50, v0;
	_ =	sdelay $0x1  }
0x72: {  	[tilespmem:$0xF7D0] =	vst v0  }
0x73: {  	v0 =	vld.idx.msk [tilespmem:v48+s14+$0x0], $0xffff  }
0x74: {  	v51 =	vld.idx.msk [tilespmem:v49+s14+$0x0], $0xffff  }
0x75: {  	v52 =	vld.idx.msk [tilespmem:v48+s16+$0x0], $0xffff  }
0x76: {  	v53 =	vld.idx.msk [tilespmem:v49+s16+$0x0], $0xffff  }
0x77: {  	v2 =	vld.idx.msk [tilespmem:v48+s17+$0x0], $0xffff  }
0x78: {  	v4 =	vld.idx.msk [tilespmem:v49+s17+$0x0], $0xffff;
	_ =	sdelay $0x2  }
0x79: {  	v0 =	vsub.f32 v0, v51;
	v54 =	vsub.f32 v52, v53  }
0x7a: {  	v55 =	vld [tilespmem:$0x70]  }
0x7b: {  	v56 =	vld [tilespmem:$0xF0];
	v2 =	vsub.f32 v2, v4;
	v0 =	vmul.f32 v0, v0;
	v1 =	vmul.f32 v54, v54;
	_ =	sdelay $0x1  }
0x7c: {  	v57 =	vmul.f32 v2, v2;
	v0 =	vadd.f32 v1, v0;
	_ =	sdelay $0x1  }
0x7d: {  	v0 =	vadd.f32 v57, v0;
	_ =	sdelay $0x1  }
0x7e: {  	[tilespmem:$0xF7E0] =	vst v0  }
0x7f: {  	v0 =	vld.idx.msk [tilespmem:v55+s14+$0x0], $0xffff  }
0x80: {  	v58 =	vld.idx.msk [tilespmem:v56+s14+$0x0], $0xffff  }
0x81: {  	v59 =	vld.idx.msk [tilespmem:v55+s16+$0x0], $0xffff  }
0x82: {  	v60 =	vld.idx.msk [tilespmem:v56+s16+$0x0], $0xffff  }
0x83: {  	v3 =	vld.idx.msk [tilespmem:v55+s17+$0x0], $0xffff  }
0x84: {  	v4 =	vld.idx.msk [tilespmem:v56+s17+$0x0], $0xffff;
	_ =	sdelay $0x2  }
0x85: {  	v0 =	vsub.f32 v0, v58;
	v61 =	vsub.f32 v59, v60;
	_ =	sdelay $0x1  }
0x86: {  	v62 =	vsub.f32 v3, v4;
	v0 =	vmul.f32 v0, v0;
	v1 =	vmul.f32 v61, v61;
	_ =	sdelay $0x1  }
0x87: {  	v63 =	vmul.f32 v62, v62;
	v0 =	vadd.f32 v1, v0;
	_ =	sdelay $0x1  }
0x88: {  	v0 =	vadd.f32 v63, v0;
	_ =	sdelay $0x1  }
0x89: {  	[tilespmem:$0xF7F0] =	vst v0  }
0x8a: {  	_ =	swait.ge [sflag:s19], $0x4000  }
0x8b: {  	[sflag:s19] =	ssyncset.done $0x0  }
0x8c: {  	[sflag:s19] =	ssyncadd.s32 $0xFFFFC000  }
0x8d: {  	_ =	swait.ge [sflag:s22], $0x4000  }
0x8e: {  	[sflag:s22] =	ssyncset.done $0x0  }
0x8f: {  	[sflag:s22] =	ssyncadd.s32 $0xFFFFC000  }
0x90: {  	[hbm4b:s26+s3] =	stream.linear.scatter [tilespmem:s20], [sflag:$0x1], $0x4000, $0x38;
	[tilespmem:$0xF800] =	vst v63  }
0x91: {  	_ = 	snop  }
0x92: {  	[hbm4b:s25+s3] =	stream.linear.scatter [tilespmem:s21], [sflag:$0x2], $0x4000, $0x38;
	[tilespmem:$0xF800] =	vst v63  }
0x93: {  	s31 =	sadd.s32 s28, s11  }
0x94: {  	[hbm4b:s31+s3] =	stream.linear.scatter [tilespmem:s23], [sflag:$0x1], $0x80, $0x38;
	[tilespmem:$0xF800] =	vst v63  }
0x95: {  	_ =	swait.ge [sflag:s19], $0x4000  }
0x96: {  	[sflag:s19] =	ssyncset.done $0x0  }
0x97: {  	[sflag:s19] =	ssyncadd.s32 $0xFFFFC000  }
0x98: {  	p0 =	sne.s32 s28, $0x270;
	_ =	swait.ge [sflag:s22], $0x4000  }
.Ltmp0:
0x99: {  	[sflag:s22] =	ssyncset.done $0x0;
	(pc) =	sbr.rel @p0 .LBB2_2-.Ltmp0, $4  }
0x9a: {  	[sflag:s22] =	ssyncadd.s32 $0xFFFFC000  }
0x9b: {  	_ =	swait.ge [sflag:s19], $0x80  }
0x9c: {  	s28 =	sadd.s32 $0x10, s28;
	[sflag:s19] =	ssyncset.done $0x0  }
0x9d: {  	s26 =	sadd.s32 $0x800, s26;
	s25 =	sadd.s32 $0x800, s25;
	[sflag:s19] =	ssyncadd.s32 $0xFFFFFF80  }
0x9e: {  	s24 =	sadd.s32 $0x1, s24  }
0x9f: {  	p0 =	sne.s32 s24, s8  }
.Ltmp1:
0xa0: {  	_ = 	snop;
	(pc) =	sbr.rel @p0 .LBB2_1-.Ltmp1, $1  }
0xa1: {  	_ =	sdelay $0x3  }
0xa2: {  	_ =	sfence.sel $0x180000  }
0xa3: {  	[bflag:$0x0] =	sbarrier.arrive $0xFFFF  }
0xa4: {  	p0 =	sne.s32 s0, $0x0;
	_ =	strace $0x9000004A  }
0xa5: {  	s0 =	sadd.s32 @!p0 $0x100000, s1;
	[bflag:$0x2] =	sbarrier.arrive $0xFFFF  }
0xa6: {  	[sflag:s0] =	ssyncadd.tile.s32 @!p0 $0x1;
	_ =	shalt  }
.Lfunc_end2:
_tile_overlayer_lowered:
.L_overlay_start_2:
0xa7: {  	(tag) =	ssettag $0x2  }
0xa8: {  	s0 =	rddreg [dreg:$0x0];
	s2 =	stileid.u32  }
0xa9: {  	s1 =	rddreg [dreg:$0x1];
	p0 =	sne.s32 s2, $0x0  }
0xaa: {  	s3 =	rddreg [dreg:$0x2];
	[bflag:$0x3] =	sbarrier.arrive $0xFFFF;
	s2 =	simm.s32 @!p0 $0x1C03  }
0xab: {  	[timem:s3], [sflag:s2] =	dma.local @!p0 [hbm:s0], s1  }
0xac: {  	s0 =	simm.s32 @!p0 $0x3  }
0xad: {  	_ =	swait.ge @!p0 [sflag:s0], s1  }
0xae: {  	s1 =	ssub.s32 @!p0 $0x0, s1;
	[sflag:s0] =	ssyncset.done @!p0 $0x0  }
0xaf: {  	[sflag:s0] =	ssyncadd.s32 @!p0 s1  }
0xb0: {  	[bflag:$0x3] =	sbarrier.arrive $0xFFFF  }
0xb1: {  	_ =	shalt  }

// kernel: kernel.13.cloned.1.call-start
scs
__scs_entry_jumppad:
0x0: {  	(pc) =	sbr.rel $0x88, $3  }
0x1: {  	(tag) =	ssettag $0x0;
	lr =	simm.s32 $0x1  }
0x2: {  	[smem:$0x3F8E] =	sst lr;
	_ =	strace $0xD0000000  }
0x3: {  	_ = 	snop  }
0x4: {  	_ = 	snop  }
0x5: {  	_ = 	snop  }
0x6: {  	_ = 	snop  }
0x7: {  	_ = 	snop  }
__scs_overlays_trampoline_lowered:
0x8: {  	[smem:$0x3F9D] =	sst s0  }
0x9: {  	[smem:$0x3F9E] =	sst s1  }
0xa: {  	[smem:$0x3F9F] =	sst s2  }
0xb: {  	[smem:$0x3FA0] =	sst s3  }
0xc: {  	[smem:$0x3FA1] =	sst s4  }
0xd: {  	[smem:$0x3FA2] =	sst s5  }
0xe: {  	[smem:$0x3FA3] =	sst s6  }
0xf: {  	[smem:$0x3FA4] =	sst s7  }
0x10: {  	[smem:$0x3FA5] =	sst s8  }
0x11: {  	[smem:$0x3FA6] =	sst s9;
	s0 =	simm.s32 @!p0 $0x0  }
0x12: {  	s1 =	sld [smem:$0x3F8C];
	s0 =	simm.s32 @p0 $0x1  }
0x13: {  	[smem:$0x3FA7] =	sst s0;
	s0 =	simm.s32 @!p1 $0x0  }
0x14: {  	s2 =	sld [smem:$0x3F8B];
	s0 =	simm.s32 @p1 $0x1  }
0x15: {  	[smem:$0x3FA8] =	sst s0;
	s0 =	simm.s32 @!p2 $0x0  }
0x16: {  	s3 =	sld [smem:$0x3FDB];
	s0 =	simm.s32 @p2 $0x1  }
0x17: {  	s4 =	simm.s32 $0x1BF5;
	[smem:$0x3FAA] =	sst s0  }
0x18: {  	s0 =	sld [smem:$0x3F8D];
	_ =	swait.ge [sflag:s4], $0x0  }
0x19: {  	s7 =	sld [smem:$0x3F8E]  }
0x1a: {  	s8 =	sadd.s32 $0xFFFFE003, lr  }
0x1b: {  	s9 =	sadd.s32 $0xFFFFFEF7, lr;
	s5 =	simm.s32 $0xFFFFFFFF;
	p2 =	slt.u32 s8, $0xFFFFF086  }
0x1c: {  	p1 =	slt.u32 s9, $0xF7A;
	s5 =	simm.s32 @!p2 $0x0  }
0x1d: {  	s5 =	simm.s32 @p1 $0x1;
	p0 =	seq.s32 s7, s2  }
0x1e: {  	s7 =	smul.u32 @!p0 $0xF7A, s2;
	p2 =	seq.s32 @!p0 s5, $0x0  }
0x1f: {  	s9 =	smul.u32 $0xF7A, s1;
	s8 =	simm.s32 @!p0 $0x1BF5;
	p2 =	por !p2, p0  }
0x20: {  	[sflag:s8] =	ssyncset.s32 @!p0 $0xFFFFF086;
	s6 =	sadd.s32 @!p0 s3, s7;
	s7 =	simm.s32 @!p0 $0x108  }
0x21: {  	s3 =	sadd.s32 s3, s9;
	s6 =	sadd.s32 @!p0 $0x88, s6;
	s7 =	simm.s32 @p2 $0x1082  }
0x22: {  	[simem:s7], [sflag:s8] =	dma.local @!p0 [hbm:s6], $0xF7A  }
0x23: {  	s9 =	sor.u32 $0xD0000000, s2;
	s6 =	simm.s32 $0x108;
	_ =	swait.ge @!p0 [sflag:s8], $0x0  }
0x24: {  	s3 =	sadd.s32 $0x88, s3;
	s6 =	simm.s32 @!p1 $0x1082;
	[sflag:s4] =	ssyncset.s32 $0xFFFFF086  }
0x25: {  	[simem:s6], [sflag:s4] =	dma.local [hbm:s3], $0xF7A  }
0x26: {  	[smem:$0x3F8E] =	sst s1;
	(tag) =	ssettag s2;
	_ =	strace s9  }
0x27: {  	s1 =	sld [smem:$0x3F9E]  }
0x28: {  	s2 =	sld [smem:$0x3F9F]  }
0x29: {  	s4 =	sld [smem:$0x3FA1]  }
0x2a: {  	p0 =	seq.s32 s5, $0x0;
	s5 =	sld [smem:$0x3FA2]  }
0x2b: {  	s6 =	sld [smem:$0x3FA3]  }
0x2c: {  	s7 =	sld [smem:$0x3FA4]  }
0x2d: {  	s3 =	simm.s32 $0x108;
	s8 =	sld [smem:$0x3FA5]  }
0x2e: {  	s3 =	simm.s32 @!p0 $0x1082;
	s9 =	sld [smem:$0x3FA6]  }
0x2f: {  	lr =	sadd.s32 s0, s3;
	s0 =	sld [smem:$0x3F9D]  }
0x30: {  	s3 =	sld [smem:$0x3FA0]  }
0x31: {  	[smem:$0x3FA9] =	sst s10  }
0x32: {  	s10 =	sld [smem:$0x3FA7];
	_ =	sdelay $0x3  }
0x33: {  	p0 =	seq.s32 s10, $0x1;
	s10 =	sld [smem:$0x3FA9];
	_ =	sdelay $0x3  }
0x34: {  	[smem:$0x3FA9] =	sst s10  }
0x35: {  	s10 =	sld [smem:$0x3FA8];
	_ =	sdelay $0x3  }
0x36: {  	p1 =	seq.s32 s10, $0x1;
	s10 =	sld [smem:$0x3FA9];
	_ =	sdelay $0x3  }
0x37: {  	[smem:$0x3FA9] =	sst s10  }
0x38: {  	s10 =	sld [smem:$0x3FAA]  }
0x39: {  	_ = 	snop;
	(pc) =	sbr.ind lr, $3  }
0x3a: {  	_ = 	snop  }
0x3b: {  	_ = 	snop  }
0x3c: {  	p2 =	seq.s32 s10, $0x1;
	s10 =	sld [smem:$0x3FA9]  }
0x3d: {  	_ =	shalt  }
0x3e: {  	_ =	shalt  }
0x3f: {  	_ =	shalt  }
0x40: {  	_ =	shalt  }
0x41: {  	_ =	shalt  }
0x42: {  	_ =	shalt  }
0x43: {  	_ =	shalt  }
0x44: {  	_ =	shalt  }
0x45: {  	_ =	shalt  }
0x46: {  	_ =	shalt  }
0x47: {  	_ =	shalt  }
0x48: {  	_ =	shalt  }
0x49: {  	_ =	shalt  }
0x4a: {  	_ =	shalt  }
0x4b: {  	_ =	shalt  }
0x4c: {  	_ =	shalt  }
0x4d: {  	_ =	shalt  }
0x4e: {  	_ =	shalt  }
0x4f: {  	_ =	shalt  }
0x50: {  	_ =	shalt  }
0x51: {  	_ =	shalt  }
0x52: {  	_ =	shalt  }
0x53: {  	_ =	shalt  }
0x54: {  	_ =	shalt  }
0x55: {  	_ =	shalt  }
0x56: {  	_ =	shalt  }
0x57: {  	_ =	shalt  }
0x58: {  	_ =	shalt  }
0x59: {  	_ =	shalt  }
0x5a: {  	_ =	shalt  }
0x5b: {  	_ =	shalt  }
0x5c: {  	_ =	shalt  }
0x5d: {  	_ =	shalt  }
0x5e: {  	_ =	shalt  }
0x5f: {  	_ =	shalt  }
0x60: {  	_ =	shalt  }
0x61: {  	_ =	shalt  }
0x62: {  	_ =	shalt  }
0x63: {  	_ =	shalt  }
0x64: {  	_ =	shalt  }
0x65: {  	_ =	shalt  }
0x66: {  	_ =	shalt  }
0x67: {  	_ =	shalt  }
0x68: {  	_ =	shalt  }
0x69: {  	_ =	shalt  }
0x6a: {  	_ =	shalt  }
0x6b: {  	_ =	shalt  }
0x6c: {  	_ =	shalt  }
0x6d: {  	_ =	shalt  }
0x6e: {  	_ =	shalt  }
0x6f: {  	_ =	shalt  }
0x70: {  	_ =	shalt  }
0x71: {  	_ =	shalt  }
0x72: {  	_ =	shalt  }
0x73: {  	_ =	shalt  }
0x74: {  	_ =	shalt  }
0x75: {  	_ =	shalt  }
0x76: {  	_ =	shalt  }
0x77: {  	_ =	shalt  }
0x78: {  	_ =	shalt  }
0x79: {  	_ =	shalt  }
0x7a: {  	_ =	shalt  }
0x7b: {  	_ =	shalt  }
0x7c: {  	_ =	shalt  }
0x7d: {  	_ =	shalt  }
0x7e: {  	_ =	shalt  }
0x7f: {  	_ =	shalt  }
0x80: {  	_ =	shalt  }
0x81: {  	_ =	shalt  }
0x82: {  	_ =	shalt  }
0x83: {  	_ =	shalt  }
0x84: {  	_ =	shalt  }
0x85: {  	_ =	shalt  }
0x86: {  	_ =	shalt  }
0x87: {  	_ =	shalt  }
.Lfunc_end0:
.L_simem_size_0:
called_computation.1_lowered:
.L_overlay_start_0:
0x88: {  	s2 =	sld [smem:$0x3FD9]  }
0x89: {  	s3 =	sld [smem:$0x3FFE];
	_ =	sdelay $0x1  }
0x8a: {  	s1 =	srdreg.scid  }
0x8b: {  	s0 =	sand.u32 $0x1, s1  }
0x8c: {  	s16 =	sshll.u32 s0, $0xA;
	s2 =	sadd.s32 s3, s2  }
0x8d: {  	s2 =	sadd.s32 s2, s16  }
0x8e: {  	[smem:$0x3FB5] =	sst s2  }
0x8f: {  	_ = 	snop  }
0x90: {  	(tm) =	ssettm $0x1  }
0x91: {  	s17 =	sld [smem:$0x3FFB];
	_ =	sdelay $0x3  }
0x92: {  	_ =	strace s17  }
0x93: {  	s2 =	sld [smem:$0x3FFC];
	_ =	sdelay $0x3  }
0x94: {  	_ =	strace s2  }
0x95: {  	s2 =	sld [smem:$0x3FFD];
	_ =	sdelay $0x3  }
0x96: {  	_ =	strace s2  }
0x97: {  	_ =	strace $0x8FFFFFFF  }
0x98: {  	s18 =	sld [smem:$0x3FDB];
	_ =	sdelay $0x1  }
0x99: {  	s19 =	simm.s32 $_scs_section_size  }
0x9a: {  	s4 =	simm.s32 $_size__tile_overlayer_lowered;
	s5 =	simm.s32 $_tile_overlayer_lowered  }
0x9b: {  	s22 =	simm.s32 $0x1BFF;
	s21 =	sshll.u32 s5, $0x1;
	s2 =	sadd.s32 s19, s18  }
0x9c: {  	s6 =	simm.s32 $0x0;
	s20 =	sshll.u32 s4, $0x1;
	s4 =	sadd.s32 s21, s2  }
0x9d: {  	[timem:s6], [sflag:s22] =	dma.local [hbm:s4], s20  }
0x9e: {  	_ =	swait.ge [sflag:s22], s20  }
0x9f: {  	s3 =	ssub.s32 $0x0, s20;
	[sflag:s22] =	ssyncset.done $0x0  }
0xa0: {  	[sflag:s22] =	ssyncadd.s32 s3;
	_ =	sdelay $0x1  }
0xa1: {  	s23 =	simm.s32 $0x1B8B  }
0xa2: {  	_ =	swait.ge [sflag:s23], $0x1  }
0xa3: {  	[sflag:s23] =	ssyncset.done $0x0  }
0xa4: {  	s25 =	simm.s32 $0x1B8E;
	s24 =	sld [smem:$0x3FFE];
	[sflag:s23] =	ssyncadd.s32 $0xFFFFFFFF  }
0xa5: {  	s26 =	simm.s32 $execute0_lowered;
	[smem:$0x3FD2] =	sst s25  }
0xa6: {  	s4 =	sshll.u32 s26, $0x1;
	_ =	strace $0x80000046;
	[dreg:$0x1] =	wrdreg $0xFFFFFFFF  }
0xa7: {  	s28 =	simm.s32 $_size_execute0_lowered;
	s2 =	sadd.s32 s2, s4;
	[dreg:$0x0] =	wrdreg $0x0  }
0xa8: {  	s4 =	sshll.u32 s28, $0x1;
	[dreg:$0x2] =	wrdreg s2  }
0xa9: {  	[dreg:$0x3] =	wrdreg s4  }
0xaa: {  	[dreg:$0x4] =	wrdreg $0xC0  }
0xab: {  	_ =	task [dreg:s6], $0x5FFFF  }
0xac: {  	[dreg:$0x1] =	wrdreg $0xFFFFFFFF  }
0xad: {  	[dreg:$0x0] =	wrdreg $0x60  }
0xae: {  	[dreg:$0x2] =	wrdreg s24  }
0xaf: {  	[dreg:$0x3] =	wrdreg $0xA  }
0xb0: {  	_ =	task.clear_ibuf [dreg:s6], $0x4FFFF;
	_ =	strace $0x90000046  }
0xb1: {  	s29 =	simm.s32 $0xA;
	_ =	strace $0x80000048  }
0xb2: {  	_ =	swait.ge [sflag:s29], $0x1  }
0xb3: {  	[sflag:s29] =	ssyncadd.s32 $0xFFFFFFFF  }
0xb4: {  	_ =	strace $0x90000048  }
0xb5: {  	_ =	sfence  }
0xb6: {  	s30 =	sld [smem:$0x0];
	_ =	sdelay $0x2  }
0xb7: {  	s31 =	sshll.u32 s1, $0xD;
	s1 =	sshrl.u32 s1, $0x2  }
0xb8: {  	s3 =	sand.u32 $0x4000, s31;
	s1 =	sadd.s32 s1, s30  }
0xb9: {  	s0 =	sor.u32 s3, s0;
	s1 =	sshll.u32 s1, $0x11  }
0xba: {  	s0 =	sor.u32 s1, s0  }
0xbb: {  	s0 =	sadd.s32 $0x8F2B, s0  }
0xbc: {  	[sflag:s0] =	ssyncadd.remote.s32 $0x1  }
0xbd: {  	_ =	sfence.sel $0xFFFF  }
0xbe: {  	[dreg:$0x0] =	wrdreg $0xFFFFFFFF;
	(pc) =	sbr.abs _section_cstart, $3  }
0xbf: {  	[dreg:$0x1] =	wrdreg $0xFFFFFFFF  }
0xc0: {  	_ =	task.clear_ibuf [dreg:s6], $0x2FFFF;
	_ =	strace $0x9FFFFFFF  }
0xc1: {  	(tm) =	ssettm $0x7FFFFFFF  }
tec
execute0_lowered:
.L_overlay_start_1:
0x0: {  	(tag) =	ssettag $0x1  }
0x1: {  	s1 =	srdreg.scid  }
0x2: {  	s0 =	stileid.u32;
	s7 =	rddreg [dreg:$0x0]  }
0x3: {  	s2 =	simm.s32 $0x0;
	s14 =	simm.s32 $0x8100;
	s15 =	simm.s32 $0x3  }
0x4: {  	s16 =	simm.s32 $0xA880;
	s17 =	simm.s32 $0xD000;
	s18 =	simm.s32 $0x80  }
0x5: {  	s19 =	simm.s32 $0x1;
	s20 =	simm.s32 $0x100;
	s21 =	simm.s32 $0x4100  }
0x6: {  	s22 =	simm.s32 $0x2;
	s23 =	simm.s32 $0xF780;
	s24 =	simm.s32 $0x0  }
0x7: {  	s5 =	sand.u32 $0x1, s1;
	s4 =	smul.u32 $0x4F00, s0;
	s1 =	rddreg [dreg:$0x1]  }
0x8: {  	[smem:$0x7FF] =	sst s2;
	s3 =	sadd.s32 $0x23800, s7;
	s8 =	smul.u32 $0x4F000, s0  }
0x9: {  	s6 =	smul.u32 $0x2780, s5;
	_ =	strace $0x80000047;
	s9 =	ssub.s32 $0x2, s5  }
0xa: {  	s10 =	smul.u32 $0x27800, s5;
	s5 =	sadd.s32 $0x5800, s7;
	s8 =	sadd.s32 s8, s7  }
0xb: {  	s11 =	sshrl.u32 s9, $0x1;
	s6 =	sadd.s32 s6, s4;
	s4 =	sadd.s32 $0x4AA00, s7  }
0xc: {  	s9 =	ssub.s32 s9, s11;
	s10 =	sadd.s32 s10, s8;
	s6 =	sshrl.u32 s6, $0x3  }
0xd: {  	s8 =	smax.u32 s9, $0x1;
	s9 =	sadd.s32 $0xA3000, s10;
	s10 =	sadd.s32 $0x593000, s10  }
0xe: {  	s13 =	sadd.s32 s6, s7;
	s6 =	sadd.s32 $0x5200, s7;
	s7 =	sadd.s32 $0x4C00, s7  }
0xf: {  	s11 =	sadd.s32 $0x99200, s13;
	s12 =	sadd.s32 $0x19A00, s13;
	s13 =	sadd.s32 $0x5E00, s13  }
.LBB2_1:
0x10: {  	[tilespmem:s14], [sflag:$0x3] =	stream.linear.gather [hbm4b:s5+s2], $0x2780, $0x38;
	[tilespmem:$0xF800] =	vst v63  }
0x11: {  	_ =	swait.ge [sflag:s15], $0x2780  }
0x12: {  	[sflag:s15] =	ssyncset.done $0x0  }
0x13: {  	[sflag:s15] =	ssyncadd.s32 $0xFFFFD880  }
0x14: {  	[tilespmem:s16], [sflag:$0x3] =	stream.linear.gather [hbm4b:s6+s2], $0x2780, $0x38;
	[tilespmem:$0xF800] =	vst v63  }
0x15: {  	_ =	swait.ge [sflag:s15], $0x2780  }
0x16: {  	[sflag:s15] =	ssyncset.done $0x0  }
0x17: {  	[sflag:s15] =	ssyncadd.s32 $0xFFFFD880  }
0x18: {  	[tilespmem:s17], [sflag:$0x3] =	stream.linear.gather [hbm4b:s7+s2], $0x2780, $0x38;
	[tilespmem:$0xF800] =	vst v63  }
0x19: {  	_ =	swait.ge [sflag:s15], $0x2780  }
0x1a: {  	s25 =	smov.u32 s10;
	[sflag:s15] =	ssyncset.done $0x0  }
0x1b: {  	s26 =	smov.u32 s9;
	s28 =	simm.s32 $0x0;
	[sflag:s15] =	ssyncadd.s32 $0xFFFFD880  }
.LBB2_2:
0x1c: {  	s29 =	sadd.s32 s28, s13  }
0x1d: {  	[tilespmem:s2], [sflag:$0x1] =	stream.linear.gather [hbm4b:s29+s2], $0x80, $0x38;
	[tilespmem:$0xF800] =	vst v63  }
0x1e: {  	s30 =	sadd.s32 s28, s12  }
0x1f: {  	[tilespmem:s18], [sflag:$0x1] =	stream.linear.gather [hbm4b:s30+s2], $0x80, $0x38;
	[tilespmem:$0xF800] =	vst v63  }
0x20: {  	_ =	swait.ge [sflag:s19], $0x80  }
0x21: {  	[sflag:s19] =	ssyncset.done $0x0  }
0x22: {  	[sflag:s19] =	ssyncadd.s32 $0xFFFFFF80  }
0x23: {  	_ =	swait.ge [sflag:s19], $0x80  }
0x24: {  	[sflag:s19] =	ssyncset.done $0x0  }
0x25: {  	[sflag:s19] =	ssyncadd.s32 $0xFFFFFF80  }
0x26: {  	[tilespmem:s20], [sflag:$0x1] =	stream.indirect.gather [hbm4b:s3+s18], $0x80, s2, s18, $0xb8;
	[tilespmem:$0xF800] =	vst v63  }
0x27: {  	_ = 	snop  }
0x28: {  	[tilespmem:s21], [sflag:$0x2] =	stream.indirect.gather [hbm4b:s4+s18], $0x80, s18, s18, $0xb8;
	[tilespmem:$0xF800] =	vst v63  }
0x29: {  	v0 =	vld [tilespmem:$0x0]  }
0x2a: {  	v1 =	vld [tilespmem:$0x80];
	_ =	sdelay $0x6  }
0x2b: {  	v2 =	vld.idx.msk [tilespmem:v0+s14+$0x0], $0xffff  }
0x2c: {  	v3 =	vld.idx.msk [tilespmem:v1+s14+$0x0], $0xffff  }
0x2d: {  	v4 =	vld.idx.msk [tilespmem:v0+s16+$0x0], $0xffff  }
0x2e: {  	v5 =	vld.idx.msk [tilespmem:v1+s16+$0x0], $0xffff  }
0x2f: {  	v0 =	vld.idx.msk [tilespmem:v0+s17+$0x0], $0xffff  }
0x30: {  	v1 =	vld.idx.msk [tilespmem:v1+s17+$0x0], $0xffff;
	_ =	sdelay $0x2  }
0x31: {  	v2 =	vsub.f32 v2, v3;
	v11 =	vsub.f32 v4, v5  }
0x32: {  	v12 =	vld [tilespmem:$0x10]  }
0x33: {  	v15 =	vld [tilespmem:$0x90];
	v0 =	vsub.f32 v0, v1;
	v13 =	vmul.f32 v2, v2;
	v14 =	vmul.f32 v11, v11;
	_ =	sdelay $0x1  }
0x34: {  	v0 =	vmul.f32 v0, v0;
	v1 =	vadd.f32 v14, v13;
	_ =	sdelay $0x1  }
0x35: {  	v0 =	vadd.f32 v0, v1;
	_ =	sdelay $0x1  }
0x36: {  	[tilespmem:$0xF780] =	vst v0  }
0x37: {  	v0 =	vld.idx.msk [tilespmem:v12+s14+$0x0], $0xffff  }
0x38: {  	v16 =	vld.idx.msk [tilespmem:v15+s14+$0x0], $0xffff  }
0x39: {  	v17 =	vld.idx.msk [tilespmem:v12+s16+$0x0], $0xffff  }
0x3a: {  	v18 =	vld.idx.msk [tilespmem:v15+s16+$0x0], $0xffff  }
0x3b: {  	v4 =	vld.idx.msk [tilespmem:v12+s17+$0x0], $0xffff  }
0x3c: {  	v3 =	vld.idx.msk [tilespmem:v15+s17+$0x0], $0xffff;
	_ =	sdelay $0x2  }
0x3d: {  	v0 =	vsub.f32 v0, v16;
	v19 =	vsub.f32 v17, v18  }
0x3e: {  	v20 =	vld [tilespmem:$0x20]  }
0x3f: {  	v21 =	vld [tilespmem:$0xA0];
	v3 =	vsub.f32 v4, v3;
	v0 =	vmul.f32 v0, v0;
	v1 =	vmul.f32 v19, v19;
	_ =	sdelay $0x1  }
0x40: {  	v22 =	vmul.f32 v3, v3;
	v0 =	vadd.f32 v1, v0;
	_ =	sdelay $0x1  }
0x41: {  	v0 =	vadd.f32 v22, v0;
	_ =	sdelay $0x1  }
0x42: {  	[tilespmem:$0xF790] =	vst v0  }
0x43: {  	v0 =	vld.idx.msk [tilespmem:v20+s14+$0x0], $0xffff  }
0x44: {  	v23 =	vld.idx.msk [tilespmem:v21+s14+$0x0], $0xffff  }
0x45: {  	v24 =	vld.idx.msk [tilespmem:v20+s16+$0x0], $0xffff  }
0x46: {  	v25 =	vld.idx.msk [tilespmem:v21+s16+$0x0], $0xffff  }
0x47: {  	v2 =	vld.idx.msk [tilespmem:v20+s17+$0x0], $0xffff  }
0x48: {  	v4 =	vld.idx.msk [tilespmem:v21+s17+$0x0], $0xffff;
	_ =	sdelay $0x2  }
0x49: {  	v0 =	vsub.f32 v0, v23;
	v26 =	vsub.f32 v24, v25  }
0x4a: {  	v27 =	vld [tilespmem:$0x30]  }
0x4b: {  	v28 =	vld [tilespmem:$0xB0];
	v2 =	vsub.f32 v2, v4;
	v0 =	vmul.f32 v0, v0;
	v1 =	vmul.f32 v26, v26;
	_ =	sdelay $0x1  }
0x4c: {  	v29 =	vmul.f32 v2, v2;
	v0 =	vadd.f32 v1, v0;
	_ =	sdelay $0x1  }
0x4d: {  	v0 =	vadd.f32 v29, v0;
	_ =	sdelay $0x1  }
0x4e: {  	[tilespmem:$0xF7A0] =	vst v0  }
0x4f: {  	v0 =	vld.idx.msk [tilespmem:v27+s14+$0x0], $0xffff  }
0x50: {  	v30 =	vld.idx.msk [tilespmem:v28+s14+$0x0], $0xffff  }
0x51: {  	v31 =	vld.idx.msk [tilespmem:v27+s16+$0x0], $0xffff  }
0x52: {  	v32 =	vld.idx.msk [tilespmem:v28+s16+$0x0], $0xffff  }
0x53: {  	v3 =	vld.idx.msk [tilespmem:v27+s17+$0x0], $0xffff  }
0x54: {  	v4 =	vld.idx.msk [tilespmem:v28+s17+$0x0], $0xffff;
	_ =	sdelay $0x2  }
0x55: {  	v0 =	vsub.f32 v0, v30;
	v33 =	vsub.f32 v31, v32  }
0x56: {  	v34 =	vld [tilespmem:$0x40]  }
0x57: {  	v35 =	vld [tilespmem:$0xC0];
	v3 =	vsub.f32 v3, v4;
	v0 =	vmul.f32 v0, v0;
	v1 =	vmul.f32 v33, v33;
	_ =	sdelay $0x1  }
0x58: {  	v36 =	vmul.f32 v3, v3;
	v0 =	vadd.f32 v1, v0;
	_ =	sdelay $0x1  }
0x59: {  	v0 =	vadd.f32 v36, v0;
	_ =	sdelay $0x1  }
0x5a: {  	[tilespmem:$0xF7B0] =	vst v0  }
0x5b: {  	v0 =	vld.idx.msk [tilespmem:v34+s14+$0x0], $0xffff  }
0x5c: {  	v37 =	vld.idx.msk [tilespmem:v35+s14+$0x0], $0xffff  }
0x5d: {  	v38 =	vld.idx.msk [tilespmem:v34+s16+$0x0], $0xffff  }
0x5e: {  	v39 =	vld.idx.msk [tilespmem:v35+s16+$0x0], $0xffff  }
0x5f: {  	v2 =	vld.idx.msk [tilespmem:v34+s17+$0x0], $0xffff  }
0x60: {  	v4 =	vld.idx.msk [tilespmem:v35+s17+$0x0], $0xffff;
	_ =	sdelay $0x2  }
0x61: {  	v0 =	vsub.f32 v0, v37;
	v40 =	vsub.f32 v38, v39  }
0x62: {  	v41 =	vld [tilespmem:$0x50]  }
0x63: {  	v42 =	vld [tilespmem:$0xD0];
	v2 =	vsub.f32 v2, v4;
	v0 =	vmul.f32 v0, v0;
	v1 =	vmul.f32 v40, v40;
	_ =	sdelay $0x1  }
0x64: {  	v43 =	vmul.f32 v2, v2;
	v0 =	vadd.f32 v1, v0;
	_ =	sdelay $0x1  }
0x65: {  	v0 =	vadd.f32 v43, v0;
	_ =	sdelay $0x1  }
0x66: {  	[tilespmem:$0xF7C0] =	vst v0  }
0x67: {  	v0 =	vld.idx.msk [tilespmem:v41+s14+$0x0], $0xffff  }
0x68: {  	v44 =	vld.idx.msk [tilespmem:v42+s14+$0x0], $0xffff  }
0x69: {  	v45 =	vld.idx.msk [tilespmem:v41+s16+$0x0], $0xffff  }
0x6a: {  	v46 =	vld.idx.msk [tilespmem:v42+s16+$0x0], $0xffff  }
0x6b: {  	v3 =	vld.idx.msk [tilespmem:v41+s17+$0x0], $0xffff  }
0x6c: {  	v4 =	vld.idx.msk [tilespmem:v42+s17+$0x0], $0xffff;
	_ =	sdelay $0x2  }
0x6d: {  	v0 =	vsub.f32 v0, v44;
	v47 =	vsub.f32 v45, v46  }
0x6e: {  	v48 =	vld [tilespmem:$0x60]  }
0x6f: {  	v49 =	vld [tilespmem:$0xE0];
	v3 =	vsub.f32 v3, v4;
	v0 =	vmul.f32 v0, v0;
	v1 =	vmul.f32 v47, v47;
	_ =	sdelay $0x1  }
0x70: {  	v50 =	vmul.f32 v3, v3;
	v0 =	vadd.f32 v1, v0;
	_ =	sdelay $0x1  }
0x71: {  	v0 =	vadd.f32 v50, v0;
	_ =	sdelay $0x1  }
0x72: {  	[tilespmem:$0xF7D0] =	vst v0  }
0x73: {  	v0 =	vld.idx.msk [tilespmem:v48+s14+$0x0], $0xffff  }
0x74: {  	v51 =	vld.idx.msk [tilespmem:v49+s14+$0x0], $0xffff  }
0x75: {  	v52 =	vld.idx.msk [tilespmem:v48+s16+$0x0], $0xffff  }
0x76: {  	v53 =	vld.idx.msk [tilespmem:v49+s16+$0x0], $0xffff  }
0x77: {  	v2 =	vld.idx.msk [tilespmem:v48+s17+$0x0], $0xffff  }
0x78: {  	v4 =	vld.idx.msk [tilespmem:v49+s17+$0x0], $0xffff;
	_ =	sdelay $0x2  }
0x79: {  	v0 =	vsub.f32 v0, v51;
	v54 =	vsub.f32 v52, v53  }
0x7a: {  	v55 =	vld [tilespmem:$0x70]  }
0x7b: {  	v56 =	vld [tilespmem:$0xF0];
	v2 =	vsub.f32 v2, v4;
	v0 =	vmul.f32 v0, v0;
	v1 =	vmul.f32 v54, v54;
	_ =	sdelay $0x1  }
0x7c: {  	v57 =	vmul.f32 v2, v2;
	v0 =	vadd.f32 v1, v0;
	_ =	sdelay $0x1  }
0x7d: {  	v0 =	vadd.f32 v57, v0;
	_ =	sdelay $0x1  }
0x7e: {  	[tilespmem:$0xF7E0] =	vst v0  }
0x7f: {  	v0 =	vld.idx.msk [tilespmem:v55+s14+$0x0], $0xffff  }
0x80: {  	v58 =	vld.idx.msk [tilespmem:v56+s14+$0x0], $0xffff  }
0x81: {  	v59 =	vld.idx.msk [tilespmem:v55+s16+$0x0], $0xffff  }
0x82: {  	v60 =	vld.idx.msk [tilespmem:v56+s16+$0x0], $0xffff  }
0x83: {  	v3 =	vld.idx.msk [tilespmem:v55+s17+$0x0], $0xffff  }
0x84: {  	v4 =	vld.idx.msk [tilespmem:v56+s17+$0x0], $0xffff;
	_ =	sdelay $0x2  }
0x85: {  	v0 =	vsub.f32 v0, v58;
	v61 =	vsub.f32 v59, v60;
	_ =	sdelay $0x1  }
0x86: {  	v62 =	vsub.f32 v3, v4;
	v0 =	vmul.f32 v0, v0;
	v1 =	vmul.f32 v61, v61;
	_ =	sdelay $0x1  }
0x87: {  	v63 =	vmul.f32 v62, v62;
	v0 =	vadd.f32 v1, v0;
	_ =	sdelay $0x1  }
0x88: {  	v0 =	vadd.f32 v63, v0;
	_ =	sdelay $0x1  }
0x89: {  	[tilespmem:$0xF7F0] =	vst v0  }
0x8a: {  	_ =	swait.ge [sflag:s19], $0x4000  }
0x8b: {  	[sflag:s19] =	ssyncset.done $0x0  }
0x8c: {  	[sflag:s19] =	ssyncadd.s32 $0xFFFFC000  }
0x8d: {  	_ =	swait.ge [sflag:s22], $0x4000  }
0x8e: {  	[sflag:s22] =	ssyncset.done $0x0  }
0x8f: {  	[sflag:s22] =	ssyncadd.s32 $0xFFFFC000  }
0x90: {  	[hbm4b:s26+s2] =	stream.linear.scatter [tilespmem:s20], [sflag:$0x1], $0x4000, $0x38;
	[tilespmem:$0xF800] =	vst v63  }
0x91: {  	_ = 	snop  }
0x92: {  	[hbm4b:s25+s2] =	stream.linear.scatter [tilespmem:s21], [sflag:$0x2], $0x4000, $0x38;
	[tilespmem:$0xF800] =	vst v63  }
0x93: {  	s31 =	sadd.s32 s28, s11  }
0x94: {  	[hbm4b:s31+s2] =	stream.linear.scatter [tilespmem:s23], [sflag:$0x1], $0x80, $0x38;
	[tilespmem:$0xF800] =	vst v63  }
0x95: {  	_ =	swait.ge [sflag:s19], $0x4000  }
0x96: {  	[sflag:s19] =	ssyncset.done $0x0  }
0x97: {  	[sflag:s19] =	ssyncadd.s32 $0xFFFFC000  }
0x98: {  	p0 =	sne.s32 s28, $0x4E0;
	_ =	swait.ge [sflag:s22], $0x4000  }
.Ltmp0:
0x99: {  	[sflag:s22] =	ssyncset.done $0x0;
	(pc) =	sbr.rel @p0 .LBB2_2-.Ltmp0, $4  }
0x9a: {  	[sflag:s22] =	ssyncadd.s32 $0xFFFFC000  }
0x9b: {  	_ =	swait.ge [sflag:s19], $0x80  }
0x9c: {  	s28 =	sadd.s32 $0x10, s28;
	[sflag:s19] =	ssyncset.done $0x0  }
0x9d: {  	s26 =	sadd.s32 $0x800, s26;
	s25 =	sadd.s32 $0x800, s25;
	[sflag:s19] =	ssyncadd.s32 $0xFFFFFF80  }
0x9e: {  	s24 =	sadd.s32 $0x1, s24  }
0x9f: {  	p0 =	sne.s32 s24, s8  }
.Ltmp1:
0xa0: {  	_ = 	snop;
	(pc) =	sbr.rel @p0 .LBB2_1-.Ltmp1, $1  }
0xa1: {  	_ =	sdelay $0x3  }
0xa2: {  	_ =	sfence.sel $0x180000  }
0xa3: {  	[bflag:$0x0] =	sbarrier.arrive $0xFFFF  }
0xa4: {  	p0 =	sne.s32 s0, $0x0;
	_ =	strace $0x90000047  }
0xa5: {  	s0 =	sadd.s32 @!p0 $0x100000, s1;
	[bflag:$0x2] =	sbarrier.arrive $0xFFFF  }
0xa6: {  	[sflag:s0] =	ssyncadd.tile.s32 @!p0 $0x1;
	_ =	shalt  }
.Lfunc_end2:
_tile_overlayer_lowered:
.L_overlay_start_2:
0xa7: {  	(tag) =	ssettag $0x2  }
0xa8: {  	s0 =	rddreg [dreg:$0x0];
	s2 =	stileid.u32  }
0xa9: {  	s1 =	rddreg [dreg:$0x1];
	p0 =	sne.s32 s2, $0x0  }
0xaa: {  	s3 =	rddreg [dreg:$0x2];
	[bflag:$0x3] =	sbarrier.arrive $0xFFFF;
	s2 =	simm.s32 @!p0 $0x1C03  }
0xab: {  	[timem:s3], [sflag:s2] =	dma.local @!p0 [hbm:s0], s1  }
0xac: {  	s0 =	simm.s32 @!p0 $0x3  }
0xad: {  	_ =	swait.ge @!p0 [sflag:s0], s1  }
0xae: {  	s1 =	ssub.s32 @!p0 $0x0, s1;
	[sflag:s0] =	ssyncset.done @!p0 $0x0  }
0xaf: {  	[sflag:s0] =	ssyncadd.s32 @!p0 s1  }
0xb0: {  	[bflag:$0x3] =	sbarrier.arrive $0xFFFF  }
0xb1: {  	_ =	shalt  }

// kernel: kernel.16.cloned.1.call-start
scs
__scs_entry_jumppad:
0x0: {  	(pc) =	sbr.rel $0x88, $3  }
0x1: {  	(tag) =	ssettag $0x0;
	lr =	simm.s32 $0x1  }
0x2: {  	[smem:$0x3F8E] =	sst lr;
	_ =	strace $0xD0000000  }
0x3: {  	_ = 	snop  }
0x4: {  	_ = 	snop  }
0x5: {  	_ = 	snop  }
0x6: {  	_ = 	snop  }
0x7: {  	_ = 	snop  }
__scs_overlays_trampoline_lowered:
0x8: {  	[smem:$0x3F9D] =	sst s0  }
0x9: {  	[smem:$0x3F9E] =	sst s1  }
0xa: {  	[smem:$0x3F9F] =	sst s2  }
0xb: {  	[smem:$0x3FA0] =	sst s3  }
0xc: {  	[smem:$0x3FA1] =	sst s4  }
0xd: {  	[smem:$0x3FA2] =	sst s5  }
0xe: {  	[smem:$0x3FA3] =	sst s6  }
0xf: {  	[smem:$0x3FA4] =	sst s7  }
0x10: {  	[smem:$0x3FA5] =	sst s8  }
0x11: {  	[smem:$0x3FA6] =	sst s9;
	s0 =	simm.s32 @!p0 $0x0  }
0x12: {  	s1 =	sld [smem:$0x3F8C];
	s0 =	simm.s32 @p0 $0x1  }
0x13: {  	[smem:$0x3FA7] =	sst s0;
	s0 =	simm.s32 @!p1 $0x0  }
0x14: {  	s2 =	sld [smem:$0x3F8B];
	s0 =	simm.s32 @p1 $0x1  }
0x15: {  	[smem:$0x3FA8] =	sst s0;
	s0 =	simm.s32 @!p2 $0x0  }
0x16: {  	s3 =	sld [smem:$0x3FDB];
	s0 =	simm.s32 @p2 $0x1  }
0x17: {  	s4 =	simm.s32 $0x1BF5;
	[smem:$0x3FAA] =	sst s0  }
0x18: {  	s0 =	sld [smem:$0x3F8D];
	_ =	swait.ge [sflag:s4], $0x0  }
0x19: {  	s7 =	sld [smem:$0x3F8E]  }
0x1a: {  	s8 =	sadd.s32 $0xFFFFE003, lr  }
0x1b: {  	s9 =	sadd.s32 $0xFFFFFEF7, lr;
	s5 =	simm.s32 $0xFFFFFFFF;
	p2 =	slt.u32 s8, $0xFFFFF086  }
0x1c: {  	p1 =	slt.u32 s9, $0xF7A;
	s5 =	simm.s32 @!p2 $0x0  }
0x1d: {  	s5 =	simm.s32 @p1 $0x1;
	p0 =	seq.s32 s7, s2  }
0x1e: {  	s7 =	smul.u32 @!p0 $0xF7A, s2;
	p2 =	seq.s32 @!p0 s5, $0x0  }
0x1f: {  	s9 =	smul.u32 $0xF7A, s1;
	s8 =	simm.s32 @!p0 $0x1BF5;
	p2 =	por !p2, p0  }
0x20: {  	[sflag:s8] =	ssyncset.s32 @!p0 $0xFFFFF086;
	s6 =	sadd.s32 @!p0 s3, s7;
	s7 =	simm.s32 @!p0 $0x108  }
0x21: {  	s3 =	sadd.s32 s3, s9;
	s6 =	sadd.s32 @!p0 $0x88, s6;
	s7 =	simm.s32 @p2 $0x1082  }
0x22: {  	[simem:s7], [sflag:s8] =	dma.local @!p0 [hbm:s6], $0xF7A  }
0x23: {  	s9 =	sor.u32 $0xD0000000, s2;
	s6 =	simm.s32 $0x108;
	_ =	swait.ge @!p0 [sflag:s8], $0x0  }
0x24: {  	s3 =	sadd.s32 $0x88, s3;
	s6 =	simm.s32 @!p1 $0x1082;
	[sflag:s4] =	ssyncset.s32 $0xFFFFF086  }
0x25: {  	[simem:s6], [sflag:s4] =	dma.local [hbm:s3], $0xF7A  }
0x26: {  	[smem:$0x3F8E] =	sst s1;
	(tag) =	ssettag s2;
	_ =	strace s9  }
0x27: {  	s1 =	sld [smem:$0x3F9E]  }
0x28: {  	s2 =	sld [smem:$0x3F9F]  }
0x29: {  	s4 =	sld [smem:$0x3FA1]  }
0x2a: {  	p0 =	seq.s32 s5, $0x0;
	s5 =	sld [smem:$0x3FA2]  }
0x2b: {  	s6 =	sld [smem:$0x3FA3]  }
0x2c: {  	s7 =	sld [smem:$0x3FA4]  }
0x2d: {  	s3 =	simm.s32 $0x108;
	s8 =	sld [smem:$0x3FA5]  }
0x2e: {  	s3 =	simm.s32 @!p0 $0x1082;
	s9 =	sld [smem:$0x3FA6]  }
0x2f: {  	lr =	sadd.s32 s0, s3;
	s0 =	sld [smem:$0x3F9D]  }
0x30: {  	s3 =	sld [smem:$0x3FA0]  }
0x31: {  	[smem:$0x3FA9] =	sst s10  }
0x32: {  	s10 =	sld [smem:$0x3FA7];
	_ =	sdelay $0x3  }
0x33: {  	p0 =	seq.s32 s10, $0x1;
	s10 =	sld [smem:$0x3FA9];
	_ =	sdelay $0x3  }
0x34: {  	[smem:$0x3FA9] =	sst s10  }
0x35: {  	s10 =	sld [smem:$0x3FA8];
	_ =	sdelay $0x3  }
0x36: {  	p1 =	seq.s32 s10, $0x1;
	s10 =	sld [smem:$0x3FA9];
	_ =	sdelay $0x3  }
0x37: {  	[smem:$0x3FA9] =	sst s10  }
0x38: {  	s10 =	sld [smem:$0x3FAA]  }
0x39: {  	_ = 	snop;
	(pc) =	sbr.ind lr, $3  }
0x3a: {  	_ = 	snop  }
0x3b: {  	_ = 	snop  }
0x3c: {  	p2 =	seq.s32 s10, $0x1;
	s10 =	sld [smem:$0x3FA9]  }
0x3d: {  	_ =	shalt  }
0x3e: {  	_ =	shalt  }
0x3f: {  	_ =	shalt  }
0x40: {  	_ =	shalt  }
0x41: {  	_ =	shalt  }
0x42: {  	_ =	shalt  }
0x43: {  	_ =	shalt  }
0x44: {  	_ =	shalt  }
0x45: {  	_ =	shalt  }
0x46: {  	_ =	shalt  }
0x47: {  	_ =	shalt  }
0x48: {  	_ =	shalt  }
0x49: {  	_ =	shalt  }
0x4a: {  	_ =	shalt  }
0x4b: {  	_ =	shalt  }
0x4c: {  	_ =	shalt  }
0x4d: {  	_ =	shalt  }
0x4e: {  	_ =	shalt  }
0x4f: {  	_ =	shalt  }
0x50: {  	_ =	shalt  }
0x51: {  	_ =	shalt  }
0x52: {  	_ =	shalt  }
0x53: {  	_ =	shalt  }
0x54: {  	_ =	shalt  }
0x55: {  	_ =	shalt  }
0x56: {  	_ =	shalt  }
0x57: {  	_ =	shalt  }
0x58: {  	_ =	shalt  }
0x59: {  	_ =	shalt  }
0x5a: {  	_ =	shalt  }
0x5b: {  	_ =	shalt  }
0x5c: {  	_ =	shalt  }
0x5d: {  	_ =	shalt  }
0x5e: {  	_ =	shalt  }
0x5f: {  	_ =	shalt  }
0x60: {  	_ =	shalt  }
0x61: {  	_ =	shalt  }
0x62: {  	_ =	shalt  }
0x63: {  	_ =	shalt  }
0x64: {  	_ =	shalt  }
0x65: {  	_ =	shalt  }
0x66: {  	_ =	shalt  }
0x67: {  	_ =	shalt  }
0x68: {  	_ =	shalt  }
0x69: {  	_ =	shalt  }
0x6a: {  	_ =	shalt  }
0x6b: {  	_ =	shalt  }
0x6c: {  	_ =	shalt  }
0x6d: {  	_ =	shalt  }
0x6e: {  	_ =	shalt  }
0x6f: {  	_ =	shalt  }
0x70: {  	_ =	shalt  }
0x71: {  	_ =	shalt  }
0x72: {  	_ =	shalt  }
0x73: {  	_ =	shalt  }
0x74: {  	_ =	shalt  }
0x75: {  	_ =	shalt  }
0x76: {  	_ =	shalt  }
0x77: {  	_ =	shalt  }
0x78: {  	_ =	shalt  }
0x79: {  	_ =	shalt  }
0x7a: {  	_ =	shalt  }
0x7b: {  	_ =	shalt  }
0x7c: {  	_ =	shalt  }
0x7d: {  	_ =	shalt  }
0x7e: {  	_ =	shalt  }
0x7f: {  	_ =	shalt  }
0x80: {  	_ =	shalt  }
0x81: {  	_ =	shalt  }
0x82: {  	_ =	shalt  }
0x83: {  	_ =	shalt  }
0x84: {  	_ =	shalt  }
0x85: {  	_ =	shalt  }
0x86: {  	_ =	shalt  }
0x87: {  	_ =	shalt  }
.Lfunc_end0:
.L_simem_size_0:
called_computation.2_lowered:
.L_overlay_start_0:
0x88: {  	s2 =	sld [smem:$0x3FD9]  }
0x89: {  	s3 =	sld [smem:$0x3FFE];
	_ =	sdelay $0x1  }
0x8a: {  	s1 =	srdreg.scid  }
0x8b: {  	s0 =	sand.u32 $0x1, s1  }
0x8c: {  	s17 =	sshll.u32 s0, $0xA;
	s2 =	sadd.s32 s3, s2  }
0x8d: {  	s2 =	sadd.s32 s2, s17  }
0x8e: {  	[smem:$0x3FB5] =	sst s2  }
0x8f: {  	_ = 	snop  }
0x90: {  	s18 =	sld [smem:$0x3FD0];
	(tm) =	ssettm $0x1  }
0x91: {  	s19 =	sld [smem:$0x3FFB];
	_ =	sdelay $0x3  }
0x92: {  	_ =	strace s19  }
0x93: {  	s2 =	sld [smem:$0x3FFC];
	_ =	sdelay $0x3  }
0x94: {  	_ =	strace s2  }
0x95: {  	s2 =	sld [smem:$0x3FFD];
	_ =	sdelay $0x3  }
0x96: {  	_ =	strace s2  }
0x97: {  	_ =	strace $0x8FFFFFFF  }
0x98: {  	s20 =	sld [smem:$0x3FDB];
	_ =	sdelay $0x1  }
0x99: {  	s4 =	simm.s32 $_scs_section_size  }
0x9a: {  	s5 =	simm.s32 $_size__tile_overlayer_lowered;
	s6 =	simm.s32 $_tile_overlayer_lowered  }
0x9b: {  	s7 =	simm.s32 $0x1BFF;
	s21 =	sshll.u32 s6, $0x1;
	s4 =	sadd.s32 s4, s20  }
0x9c: {  	s22 =	simm.s32 $0x0;
	s5 =	sshll.u32 s5, $0x1;
	s6 =	sadd.s32 s21, s4  }
0x9d: {  	[timem:s22], [sflag:s7] =	dma.local [hbm:s6], s5  }
0x9e: {  	_ =	swait.ge [sflag:s7], s5  }
0x9f: {  	s5 =	ssub.s32 $0x0, s5;
	[sflag:s7] =	ssyncset.done $0x0  }
0xa0: {  	[sflag:s7] =	ssyncadd.s32 s5;
	_ =	sdelay $0x1  }
0xa1: {  	s23 =	simm.s32 $0x1B8B  }
0xa2: {  	_ =	swait.ge [sflag:s23], $0x1  }
0xa3: {  	[sflag:s23] =	ssyncset.done $0x0  }
0xa4: {  	[sflag:s23] =	ssyncadd.s32 $0xFFFFFFFF  }
0xa5: {  	s5 =	sld [smem:$0x0]  }
0xa6: {  	s6 =	sand.u32 $0xFFFFFFFE, s1  }
0xa7: {  	p0 =	sne.s32 s1, s6  }
0xa8: {  	s6 =	sshll.u32 @p0 s6, $0xE  }
0xa9: {  	s6 =	sadd.s32 @p0 $0x11B8D, s6;
	s7 =	sshll.u32 @p0 s5, $0x11  }
0xaa: {  	s6 =	sor.u32 @p0 s7, s6  }
0xab: {  	[sflag:s6] =	ssyncadd.remote.s32 @p0 $0x1;
	_ =	sdelay $0x1  }
0xac: {  	s6 =	simm.s32 @p0 $0x1B8D  }
0xad: {  	_ =	swait.eq @p0 [sflag:s6], $0x1  }
0xae: {  	[sflag:s6] =	ssyncadd.s32 @p0 $0xFFFFFFFF  }
0xaf: {  	s7 =	sshll.u32 @!p0 s1, $0xE  }
0xb0: {  	s7 =	sor.u32 @!p0 $0x4000, s7;
	s6 =	simm.s32 @!p0 $0x1B8D  }
0xb1: {  	s5 =	sshll.u32 @!p0 s5, $0x11;
	s7 =	sadd.s32 @!p0 $0x11B8D, s7;
	_ =	swait.eq @!p0 [sflag:s6], $0x1  }
0xb2: {  	s5 =	sor.u32 @!p0 s5, s7;
	[sflag:s6] =	ssyncadd.s32 @!p0 $0xFFFFFFFF  }
0xb3: {  	s25 =	simm.s32 $0x1B8E;
	s24 =	sld [smem:$0x3FFE];
	[sflag:s5] =	ssyncadd.remote.s32 @!p0 $0x1  }
0xb4: {  	s26 =	simm.s32 $execute0_lowered;
	[smem:$0x3FD2] =	sst s25  }
0xb5: {  	s6 =	sshll.u32 s26, $0x1;
	_ =	strace $0x8000004F;
	[dreg:$0x1] =	wrdreg $0xFFFFFFFF  }
0xb6: {  	s28 =	simm.s32 $_size_execute0_lowered;
	s4 =	sadd.s32 s4, s6;
	[dreg:$0x0] =	wrdreg $0x0  }
0xb7: {  	s6 =	sshll.u32 s28, $0x1;
	[dreg:$0x2] =	wrdreg s4  }
0xb8: {  	[dreg:$0x3] =	wrdreg s6  }
0xb9: {  	[dreg:$0x4] =	wrdreg $0xC0  }
0xba: {  	_ =	task [dreg:s22], $0x5FFFF  }
0xbb: {  	[dreg:$0x1] =	wrdreg $0xFFFFFFFF  }
0xbc: {  	[dreg:$0x0] =	wrdreg $0x60  }
0xbd: {  	[dreg:$0x2] =	wrdreg s24  }
0xbe: {  	[dreg:$0x3] =	wrdreg s18  }
0xbf: {  	[dreg:$0x4] =	wrdreg $0x93000  }
0xc0: {  	[dreg:$0x5] =	wrdreg $0x1D3000  }
0xc1: {  	[dreg:$0x6] =	wrdreg $0x9  }
0xc2: {  	_ =	task.clear_ibuf [dreg:s22], $0x7FFFF;
	_ =	strace $0x9000004F  }
0xc3: {  	s29 =	simm.s32 $0x9;
	_ =	strace $0x80000051  }
0xc4: {  	_ =	swait.ge [sflag:s29], $0x1  }
0xc5: {  	[sflag:s29] =	ssyncadd.s32 $0xFFFFFFFF  }
0xc6: {  	_ =	strace $0x90000051  }
0xc7: {  	_ =	sfence  }
0xc8: {  	s30 =	sld [smem:$0x0];
	_ =	sdelay $0x2  }
0xc9: {  	s31 =	sshll.u32 s1, $0xD;
	s1 =	sshrl.u32 s1, $0x2  }
0xca: {  	s4 =	sand.u32 $0x4000, s31;
	s1 =	sadd.s32 s1, s30  }
0xcb: {  	s0 =	sor.u32 s4, s0;
	s1 =	sshll.u32 s1, $0x11  }
0xcc: {  	s0 =	sor.u32 s1, s0  }
0xcd: {  	s0 =	sadd.s32 $0x8F2B, s0  }
0xce: {  	[sflag:s0] =	ssyncadd.remote.s32 $0x1  }
0xcf: {  	_ =	sfence.sel $0xFFFF  }
0xd0: {  	[dreg:$0x0] =	wrdreg $0xFFFFFFFF;
	(pc) =	sbr.abs _section_cstart, $3  }
0xd1: {  	[dreg:$0x1] =	wrdreg $0xFFFFFFFF  }
0xd2: {  	_ =	task.clear_ibuf [dreg:s22], $0x2FFFF;
	_ =	strace $0x9FFFFFFF  }
0xd3: {  	(tm) =	ssettm $0x7FFFFFFF  }
tec
execute0_lowered:
.L_overlay_start_1:
0x0: {  	(tag) =	ssettag $0x1  }
0x1: {  	s5 =	rddreg [dreg:$0x0]  }
0x2: {  	s9 =	rddreg [dreg:$0x1];
	s0 =	stileid.u32  }
0x3: {  	s1 =	srdreg.scid;
	s4 =	smul.u32 $0x28000, s0  }
0x4: {  	s2 =	rddreg [dreg:$0x2];
	s6 =	smul.u32 $0x2800, s0  }
0x5: {  	s8 =	rddreg [dreg:$0x3];
	s20 =	smul.u32 $0x14000, s0  }
0x6: {  	s3 =	simm.s32 $0x0;
	s18 =	simm.s32 $0x4080;
	s22 =	smul.u32 $0x50000, s0  }
0x7: {  	s7 =	sand.u32 $0x1, s1;
	s1 =	rddreg [dreg:$0x4];
	s16 =	smul.u32 $0x5000, s0  }
0x8: {  	s19 =	simm.s32 $0x400;
	[smem:$0x7FF] =	sst s3;
	s17 =	smul.u32 $0x500, s0  }
0x9: {  	s25 =	sshrl.u32 s0, $0x3;
	s26 =	sshll.u32 s0, $0x6;
	s10 =	smul.u32 $0x1400, s7  }
0xa: {  	s28 =	sshll.u32 s0, $0x7;
	s11 =	smul.u32 $0x140000, s7;
	_ =	strace $0x80000050  }
0xb: {  	s24 =	ssub.s32 $0x2, s7;
	s29 =	sshll.u32 s7, $0x7;
	s30 =	smul.u32 $0x14000, s7  }
0xc: {  	s12 =	sadd.s32 s4, s5;
	s4 =	sadd.s32 $0x5E00, s5;
	s14 =	sshrl.u32 s24, $0x1  }
0xd: {  	s16 =	sshrl.u32 s16, $0x2;
	s6 =	sadd.s32 s10, s6;
	s21 =	sadd.s32 s20, s11  }
0xe: {  	s10 =	sshrl.u32 s22, $0x2;
	s14 =	ssub.s32 s24, s14;
	s31 =	sadd.s32 s30, s12  }
0xf: {  	s20 =	simm.s32 $0x1400;
	s22 =	simm.s32 $0x6880;
	s24 =	simm.s32 $0x9080  }
0x10: {  	s6 =	sshrl.u32 s6, $0x3;
	s15 =	sadd.s32 s10, s2;
	s10 =	sand.u32 $0x380, s28  }
0x11: {  	s11 =	sadd.s32 $0x319200, s31;
	s13 =	sadd.s32 s6, s5;
	s6 =	sshrl.u32 s21, $0x3  }
0x12: {  	s21 =	simm.s32 $0x14000;
	s23 =	sadd.s32 s6, s5;
	s6 =	smul.u32 $0x50000, s25  }
0x13: {  	s5 =	sor.u32 $0x1C03, s26;
	s12 =	sadd.s32 $0xA8D000, s13;
	s13 =	sshrl.u32 s15, $0x3  }
0x14: {  	s15 =	simm.s32 $0x80;
	s25 =	simm.s32 $0x0;
	s6 =	sshrl.u32 s6, $0x2  }
0x15: {  	s7 =	sadd.s32 $0x69A00, s23;
	s23 =	simm.s32 $0x100;
	s6 =	sadd.s32 s6, s8  }
0x16: {  	s8 =	sadd.s32 s16, s8;
	s6 =	sadd.s32 s10, s6;
	s10 =	sor.u32 s29, s17  }
0x17: {  	s16 =	simm.s32 $0x1;
	s17 =	simm.s32 $0x2;
	s10 =	sshrl.u32 s10, $0x3  }
0x18: {  	v0 =	vimm.f32 $0.0e+00;
	v1 =	vimm.f32 $1.000000000e+00;
	s9 =	sadd.s32 s9, s10;
	s10 =	smax.u32 s14, $0x1;
	s14 =	simm.s32 $0x3  }
.LBB2_1:
0x19: {  	[spmem:s13], [sflag:s5] =	dma.local [hbm:s4], $0x2800  }
0x1a: {  	_ =	swait.ge [sflag:s14], $0x2800  }
0x1b: {  	[sflag:s14] =	ssyncset.done $0x0  }
0x1c: {  	s26 =	simm.s32 $0x40;
	s28 =	simm.s32 $0x0;
	[sflag:s14] =	ssyncadd.s32 $0xFFFFD800  }
.LBB2_2:
0x1d: {  	p0 =	sne.s32 s26, $0x9FC0;
	[tilespmem:s28+$0x4080] =	vst v0;
	s28 =	smov.u32 s26;
	s26 =	sadd.s32 $0x40, s26  }
.Ltmp0:
0x1e: {  	(pc) =	sbr.rel @p0 .LBB2_2-.Ltmp0, $2  }
0x1f: {  	_ =	sdelay $0x2  }
0x20: {  	s28 =	sshra.s32 s28, $0x2  }
0x21: {  	[tilespmem:s28+$0x4080] =	vst v0  }
0x22: {  	s26 =	simm.s32 $0x0;
	s28 =	smov.u32 s11;
	[bflag:$0x0] =	sbarrier.arrive $0xFFFF  }
.LBB2_4:
0x23: {  	s29 =	sadd.s32 s26, s12  }
0x24: {  	[tilespmem:s3], [sflag:$0x1] =	stream.linear.gather [hbm4b:s29+s3], $0x80, $0x38;
	[tilespmem:$0x1FB00] =	vst v63  }
0x25: {  	_ = 	snop  }
0x26: {  	[tilespmem:s15], [sflag:$0x2] =	stream.linear.gather [hbm4b:s28+s3], $0x4000, $0x38;
	[tilespmem:$0x1FB00] =	vst v63  }
0x27: {  	_ =	swait.ge [sflag:s16], $0x80  }
0x28: {  	[sflag:s16] =	ssyncset.done $0x0  }
0x29: {  	[sflag:s16] =	ssyncadd.s32 $0xFFFFFF80  }
0x2a: {  	_ =	swait.ge [sflag:s17], $0x4000  }
0x2b: {  	[sflag:s17] =	ssyncset.done $0x0  }
0x2c: {  	[sflag:s17] =	ssyncadd.s32 $0xFFFFC000  }
0x2d: {  	[spmem:s2] =	stream.indirect.scatter.add.f32 [tilespmem:s15], [sflag:$0x3], $0x80, s3, s15, $0xb8;
	[tilespmem:$0x1FB00] =	vst v63  }
0x2e: {  	_ =	swait.ge [sflag:s14], $0x4000  }
0x2f: {  	[sflag:s14] =	ssyncset.done $0x0  }
0x30: {  	[sflag:s14] =	ssyncadd.s32 $0xFFFFC000  }
0x31: {  	v2 =	vld [tilespmem:$0x0];
	_ =	sdelay $0x7  }
0x32: {  	[tilespmem:v2+s18+$0x0] =	vst.idx.add.f32.msk $0xffff, v1  }
0x33: {  	v2 =	vld [tilespmem:$0x10];
	_ =	sdelay $0x7  }
0x34: {  	[tilespmem:v2+s18+$0x0] =	vst.idx.add.f32.msk $0xffff, v1  }
0x35: {  	v2 =	vld [tilespmem:$0x20];
	_ =	sdelay $0x7  }
0x36: {  	[tilespmem:v2+s18+$0x0] =	vst.idx.add.f32.msk $0xffff, v1  }
0x37: {  	v2 =	vld [tilespmem:$0x30];
	_ =	sdelay $0x7  }
0x38: {  	[tilespmem:v2+s18+$0x0] =	vst.idx.add.f32.msk $0xffff, v1  }
0x39: {  	v2 =	vld [tilespmem:$0x40];
	_ =	sdelay $0x7  }
0x3a: {  	[tilespmem:v2+s18+$0x0] =	vst.idx.add.f32.msk $0xffff, v1  }
0x3b: {  	v2 =	vld [tilespmem:$0x50];
	_ =	sdelay $0x7  }
0x3c: {  	[tilespmem:v2+s18+$0x0] =	vst.idx.add.f32.msk $0xffff, v1  }
0x3d: {  	v2 =	vld [tilespmem:$0x60];
	_ =	sdelay $0x7  }
0x3e: {  	[tilespmem:v2+s18+$0x0] =	vst.idx.add.f32.msk $0xffff, v1  }
0x3f: {  	v2 =	vld [tilespmem:$0x70];
	_ =	sdelay $0x2  }
0x40: {  	p0 =	sne.s32 s26, $0x270  }
.Ltmp1:
0x41: {  	_ = 	snop;
	(pc) =	sbr.rel @p0 .LBB2_4-.Ltmp1, $2  }
0x42: {  	_ =	sdelay $0x2  }
0x43: {  	s26 =	sadd.s32 $0x10, s26;
	s28 =	sadd.s32 $0x800, s28;
	[tilespmem:v2+s18+$0x0] =	vst.idx.add.f32.msk $0xffff, v1  }
0x44: {  	[spmem:s6] =	stream.strided.scatter [tilespmem:s18], [sflag:$0x3], $0x2800, s19, s15, $0x38;
	[tilespmem:$0x1FB00] =	vst v63  }
0x45: {  	_ =	swait.ge [sflag:s14], $0x2800  }
0x46: {  	[sflag:s14] =	ssyncset.done $0x0  }
0x47: {  	[sflag:s14] =	ssyncadd.s32 $0xFFFFD800  }
0x48: {  	[bflag:$0x0] =	sbarrier.arrive $0xFFFF  }
0x49: {  	[hbm:s7], [sflag:s5] =	dma.local [spmem:s13], $0x2800  }
0x4a: {  	_ =	swait.ge [sflag:s14], $0x2800  }
0x4b: {  	[sflag:s14] =	ssyncset.done $0x0  }
0x4c: {  	[sflag:s14] =	ssyncadd.s32 $0xFFFFD800  }
0x4d: {  	[tilespmem:s22], [sflag:$0x3] =	stream.strided.gather [spmem:s8], $0x2800, s21, s20, $0x38;
	[tilespmem:$0x1FB00] =	vst v63  }
0x4e: {  	s26 =	simm.s32 $0x0;
	_ =	swait.ge [sflag:s14], $0x2800  }
0x4f: {  	s28 =	sand.u32 $0x70, s26;
	s26 =	sand.u32 $0x1C00, s26;
	[sflag:s14] =	ssyncset.done $0x0  }
0x50: {  	s26 =	sor.u32 s28, s26;
	[sflag:s14] =	ssyncadd.s32 $0xFFFFD800  }
0x51: {  	v2 =	vld [tilespmem:s26+$0x6880];
	_ =	sdelay $0x1  }
0x52: {  	v3 =	vld [tilespmem:s26+$0x6900];
	_ =	sdelay $0x1  }
0x53: {  	v4 =	vld [tilespmem:s26+$0x6980]  }
0x54: {  	v2 =	vadd.f32 $0.0e+00, v2  }
0x55: {  	v5 =	vld [tilespmem:s26+$0x6A00]  }
0x56: {  	v2 =	vadd.f32 v3, v2  }
0x57: {  	v3 =	vld [tilespmem:s26+$0x6A80]  }
0x58: {  	v2 =	vadd.f32 v4, v2  }
0x59: {  	v56 =	vld [tilespmem:s26+$0x6B00]  }
0x5a: {  	v2 =	vadd.f32 v5, v2  }
0x5b: {  	v57 =	vld [tilespmem:s26+$0x6B80]  }
0x5c: {  	v2 =	vadd.f32 v3, v2  }
0x5d: {  	v3 =	vld [tilespmem:s26+$0x6C00]  }
0x5e: {  	v2 =	vadd.f32 v56, v2  }
0x5f: {  	v58 =	vld [tilespmem:s26+$0x7C80]  }
0x60: {  	v2 =	vadd.f32 v57, v2  }
0x61: {  	v59 =	vld [tilespmem:s26+$0x7D00]  }
0x62: {  	v2 =	vadd.f32 v3, v2  }
0x63: {  	v3 =	vld [tilespmem:s26+$0x7D80]  }
0x64: {  	v2 =	vadd.f32 v58, v2  }
0x65: {  	v60 =	vld [tilespmem:s26+$0x7E00]  }
0x66: {  	v2 =	vadd.f32 v59, v2  }
0x67: {  	v61 =	vld [tilespmem:s26+$0x7E80]  }
0x68: {  	v2 =	vadd.f32 v3, v2  }
0x69: {  	v3 =	vld [tilespmem:s26+$0x7F00]  }
0x6a: {  	v2 =	vadd.f32 v60, v2  }
0x6b: {  	v62 =	vld [tilespmem:s26+$0x7F80]  }
0x6c: {  	v2 =	vadd.f32 v61, v2  }
0x6d: {  	v63 =	vld [tilespmem:s26+$0x8000]  }
0x6e: {  	v2 =	vadd.f32 v3, v2;
	_ =	sdelay $0x1  }
0x6f: {  	v2 =	vadd.f32 v62, v2  }
0x70: {  	s29 =	simm.s32 $0x10  }
0x71: {  	s30 =	sand.u32 $0x70, s29;
	s28 =	simm.s32 $0x80;
	v2 =	vadd.f32 v63, v2  }
0x72: {  	s29 =	simm.s32 $0x20;
	s31 =	sand.u32 $0x1C00, s28;
	s26 =	simm.s32 $0x9080  }
.LBB2_6:
0x73: {  	p0 =	sne.s32 s29, $0x270;
	s30 =	sor.u32 s30, s31;
	[tilespmem:s26+$0x0] =	vst v2  }
0x74: {  	v2 =	vld [tilespmem:s30+$0x6880];
	_ =	sdelay $0x1  }
0x75: {  	v3 =	vld [tilespmem:s30+$0x6900];
	_ =	sdelay $0x1  }
0x76: {  	v4 =	vld [tilespmem:s30+$0x6980]  }
0x77: {  	v2 =	vadd.f32 $0.0e+00, v2  }
0x78: {  	v5 =	vld [tilespmem:s30+$0x6A00]  }
0x79: {  	v2 =	vadd.f32 v3, v2  }
0x7a: {  	v3 =	vld [tilespmem:s30+$0x6A80]  }
0x7b: {  	v2 =	vadd.f32 v4, v2  }
0x7c: {  	v4 =	vld [tilespmem:s30+$0x6B00]  }
0x7d: {  	v2 =	vadd.f32 v5, v2  }
0x7e: {  	v5 =	vld [tilespmem:s30+$0x6B80]  }
0x7f: {  	v2 =	vadd.f32 v3, v2  }
0x80: {  	v3 =	vld [tilespmem:s30+$0x6C00]  }
0x81: {  	v2 =	vadd.f32 v4, v2  }
0x82: {  	v4 =	vld [tilespmem:s30+$0x7C80]  }
0x83: {  	v2 =	vadd.f32 v5, v2  }
0x84: {  	v5 =	vld [tilespmem:s30+$0x7D00]  }
0x85: {  	v2 =	vadd.f32 v3, v2  }
0x86: {  	v3 =	vld [tilespmem:s30+$0x7D80]  }
0x87: {  	v2 =	vadd.f32 v4, v2  }
0x88: {  	v4 =	vld [tilespmem:s30+$0x7E00]  }
0x89: {  	v2 =	vadd.f32 v5, v2  }
0x8a: {  	v5 =	vld [tilespmem:s30+$0x7E80]  }
0x8b: {  	v2 =	vadd.f32 v3, v2  }
0x8c: {  	v3 =	vld [tilespmem:s30+$0x7F00]  }
0x8d: {  	v2 =	vadd.f32 v4, v2  }
0x8e: {  	v4 =	vld [tilespmem:s30+$0x7F80]  }
0x8f: {  	v2 =	vadd.f32 v5, v2  }
0x90: {  	v5 =	vld [tilespmem:s30+$0x8000]  }
0x91: {  	v2 =	vadd.f32 v3, v2  }
.Ltmp2:
0x92: {  	(pc) =	sbr.rel @p0 .LBB2_6-.Ltmp2, $3  }
0x93: {  	v2 =	vadd.f32 v4, v2;
	_ =	sdelay $0x1  }
0x94: {  	s28 =	sadd.s32 $0x80, s28;
	s26 =	sadd.s32 $0x10, s26;
	v2 =	vadd.f32 v5, v2  }
0x95: {  	s31 =	sand.u32 $0x1C00, s28;
	s30 =	sand.u32 $0x70, s29;
	s29 =	sadd.s32 $0x10, s29  }
0x96: {  	s28 =	sor.u32 s30, s31;
	[tilespmem:s26+$0x0] =	vst v2  }
0x97: {  	v2 =	vld [tilespmem:s28+$0x6880];
	_ =	sdelay $0x1  }
0x98: {  	v3 =	vld [tilespmem:s28+$0x6900];
	_ =	sdelay $0x1  }
0x99: {  	v4 =	vld [tilespmem:s28+$0x6980]  }
0x9a: {  	v2 =	vadd.f32 $0.0e+00, v2  }
0x9b: {  	v5 =	vld [tilespmem:s28+$0x6A00]  }
0x9c: {  	v2 =	vadd.f32 v3, v2  }
0x9d: {  	v3 =	vld [tilespmem:s28+$0x6A80]  }
0x9e: {  	v2 =	vadd.f32 v4, v2  }
0x9f: {  	v56 =	vld [tilespmem:s28+$0x6B00]  }
0xa0: {  	v2 =	vadd.f32 v5, v2  }
0xa1: {  	v57 =	vld [tilespmem:s28+$0x6B80]  }
0xa2: {  	v2 =	vadd.f32 v3, v2  }
0xa3: {  	v3 =	vld [tilespmem:s28+$0x6C00]  }
0xa4: {  	v2 =	vadd.f32 v56, v2  }
0xa5: {  	v58 =	vld [tilespmem:s28+$0x7C80]  }
0xa6: {  	v2 =	vadd.f32 v57, v2  }
0xa7: {  	v59 =	vld [tilespmem:s28+$0x7D00]  }
0xa8: {  	v2 =	vadd.f32 v3, v2  }
0xa9: {  	v3 =	vld [tilespmem:s28+$0x7D80]  }
0xaa: {  	v2 =	vadd.f32 v58, v2  }
0xab: {  	v60 =	vld [tilespmem:s28+$0x7E00]  }
0xac: {  	v2 =	vadd.f32 v59, v2  }
0xad: {  	v61 =	vld [tilespmem:s28+$0x7E80]  }
0xae: {  	v2 =	vadd.f32 v3, v2  }
0xaf: {  	v3 =	vld [tilespmem:s28+$0x7F00]  }
0xb0: {  	v2 =	vadd.f32 v60, v2  }
0xb1: {  	v62 =	vld [tilespmem:s28+$0x7F80]  }
0xb2: {  	v2 =	vadd.f32 v61, v2  }
0xb3: {  	v63 =	vld [tilespmem:s28+$0x8000]  }
0xb4: {  	v2 =	vadd.f32 v3, v2;
	_ =	sdelay $0x1  }
0xb5: {  	v2 =	vadd.f32 v62, v2;
	_ =	sdelay $0x1  }
0xb6: {  	s25 =	sadd.s32 $0x1, s25;
	v2 =	vadd.f32 v63, v2  }
0xb7: {  	s31 =	sadd.s32 $0x10, s26;
	p0 =	sne.s32 s25, s10  }
.Ltmp3:
0xb8: {  	[tilespmem:s31+$0x0] =	vst v2;
	(pc) =	sbr.rel @p0 .LBB2_1-.Ltmp3, $4  }
0xb9: {  	[hbm4b:s9+s15] =	stream.strided.scatter [tilespmem:s24], [sflag:$0x3], $0x280, s23, s15, $0x38;
	[tilespmem:$0x1FB00] =	vst v63  }
0xba: {  	_ =	swait.ge [sflag:s14], $0x280  }
0xbb: {  	[sflag:s14] =	ssyncset.done $0x0  }
0xbc: {  	[sflag:s14] =	ssyncadd.s32 $0xFFFFFD80  }
0xbd: {  	_ =	sfence.sel $0x180000  }
0xbe: {  	[bflag:$0x0] =	sbarrier.arrive $0xFFFF  }
0xbf: {  	p0 =	sne.s32 s0, $0x0;
	_ =	strace $0x90000050  }
0xc0: {  	s0 =	sadd.s32 @!p0 $0x100000, s1;
	[bflag:$0x2] =	sbarrier.arrive $0xFFFF  }
0xc1: {  	[sflag:s0] =	ssyncadd.tile.s32 @!p0 $0x1;
	_ =	shalt  }
.Lfunc_end2:
_tile_overlayer_lowered:
.L_overlay_start_2:
0xc2: {  	(tag) =	ssettag $0x2  }
0xc3: {  	s0 =	rddreg [dreg:$0x0];
	s2 =	stileid.u32  }
0xc4: {  	s1 =	rddreg [dreg:$0x1];
	p0 =	sne.s32 s2, $0x0  }
0xc5: {  	s3 =	rddreg [dreg:$0x2];
	[bflag:$0x3] =	sbarrier.arrive $0xFFFF;
	s2 =	simm.s32 @!p0 $0x1C03  }
0xc6: {  	[timem:s3], [sflag:s2] =	dma.local @!p0 [hbm:s0], s1  }
0xc7: {  	s0 =	simm.s32 @!p0 $0x3  }
0xc8: {  	_ =	swait.ge @!p0 [sflag:s0], s1  }
0xc9: {  	s1 =	ssub.s32 @!p0 $0x0, s1;
	[sflag:s0] =	ssyncset.done @!p0 $0x0  }
0xca: {  	[sflag:s0] =	ssyncadd.s32 @!p0 s1  }
0xcb: {  	[bflag:$0x3] =	sbarrier.arrive $0xFFFF  }
0xcc: {  	_ =	shalt  }

// kernel: kernel.19.cloned.1.call-start
scs
__scs_entry_jumppad:
0x0: {  	(pc) =	sbr.rel $0x88, $3  }
0x1: {  	(tag) =	ssettag $0x0;
	lr =	simm.s32 $0x1  }
0x2: {  	[smem:$0x3F8E] =	sst lr;
	_ =	strace $0xD0000000  }
0x3: {  	_ = 	snop  }
0x4: {  	_ = 	snop  }
0x5: {  	_ = 	snop  }
0x6: {  	_ = 	snop  }
0x7: {  	_ = 	snop  }
__scs_overlays_trampoline_lowered:
0x8: {  	[smem:$0x3F9D] =	sst s0  }
0x9: {  	[smem:$0x3F9E] =	sst s1  }
0xa: {  	[smem:$0x3F9F] =	sst s2  }
0xb: {  	[smem:$0x3FA0] =	sst s3  }
0xc: {  	[smem:$0x3FA1] =	sst s4  }
0xd: {  	[smem:$0x3FA2] =	sst s5  }
0xe: {  	[smem:$0x3FA3] =	sst s6  }
0xf: {  	[smem:$0x3FA4] =	sst s7  }
0x10: {  	[smem:$0x3FA5] =	sst s8  }
0x11: {  	[smem:$0x3FA6] =	sst s9;
	s0 =	simm.s32 @!p0 $0x0  }
0x12: {  	s1 =	sld [smem:$0x3F8C];
	s0 =	simm.s32 @p0 $0x1  }
0x13: {  	[smem:$0x3FA7] =	sst s0;
	s0 =	simm.s32 @!p1 $0x0  }
0x14: {  	s2 =	sld [smem:$0x3F8B];
	s0 =	simm.s32 @p1 $0x1  }
0x15: {  	[smem:$0x3FA8] =	sst s0;
	s0 =	simm.s32 @!p2 $0x0  }
0x16: {  	s3 =	sld [smem:$0x3FDB];
	s0 =	simm.s32 @p2 $0x1  }
0x17: {  	s4 =	simm.s32 $0x1BF5;
	[smem:$0x3FAA] =	sst s0  }
0x18: {  	s0 =	sld [smem:$0x3F8D];
	_ =	swait.ge [sflag:s4], $0x0  }
0x19: {  	s7 =	sld [smem:$0x3F8E]  }
0x1a: {  	s8 =	sadd.s32 $0xFFFFE003, lr  }
0x1b: {  	s9 =	sadd.s32 $0xFFFFFEF7, lr;
	s5 =	simm.s32 $0xFFFFFFFF;
	p2 =	slt.u32 s8, $0xFFFFF086  }
0x1c: {  	p1 =	slt.u32 s9, $0xF7A;
	s5 =	simm.s32 @!p2 $0x0  }
0x1d: {  	s5 =	simm.s32 @p1 $0x1;
	p0 =	seq.s32 s7, s2  }
0x1e: {  	s7 =	smul.u32 @!p0 $0xF7A, s2;
	p2 =	seq.s32 @!p0 s5, $0x0  }
0x1f: {  	s9 =	smul.u32 $0xF7A, s1;
	s8 =	simm.s32 @!p0 $0x1BF5;
	p2 =	por !p2, p0  }
0x20: {  	[sflag:s8] =	ssyncset.s32 @!p0 $0xFFFFF086;
	s6 =	sadd.s32 @!p0 s3, s7;
	s7 =	simm.s32 @!p0 $0x108  }
0x21: {  	s3 =	sadd.s32 s3, s9;
	s6 =	sadd.s32 @!p0 $0x88, s6;
	s7 =	simm.s32 @p2 $0x1082  }
0x22: {  	[simem:s7], [sflag:s8] =	dma.local @!p0 [hbm:s6], $0xF7A  }
0x23: {  	s9 =	sor.u32 $0xD0000000, s2;
	s6 =	simm.s32 $0x108;
	_ =	swait.ge @!p0 [sflag:s8], $0x0  }
0x24: {  	s3 =	sadd.s32 $0x88, s3;
	s6 =	simm.s32 @!p1 $0x1082;
	[sflag:s4] =	ssyncset.s32 $0xFFFFF086  }
0x25: {  	[simem:s6], [sflag:s4] =	dma.local [hbm:s3], $0xF7A  }
0x26: {  	[smem:$0x3F8E] =	sst s1;
	(tag) =	ssettag s2;
	_ =	strace s9  }
0x27: {  	s1 =	sld [smem:$0x3F9E]  }
0x28: {  	s2 =	sld [smem:$0x3F9F]  }
0x29: {  	s4 =	sld [smem:$0x3FA1]  }
0x2a: {  	p0 =	seq.s32 s5, $0x0;
	s5 =	sld [smem:$0x3FA2]  }
0x2b: {  	s6 =	sld [smem:$0x3FA3]  }
0x2c: {  	s7 =	sld [smem:$0x3FA4]  }
0x2d: {  	s3 =	simm.s32 $0x108;
	s8 =	sld [smem:$0x3FA5]  }
0x2e: {  	s3 =	simm.s32 @!p0 $0x1082;
	s9 =	sld [smem:$0x3FA6]  }
0x2f: {  	lr =	sadd.s32 s0, s3;
	s0 =	sld [smem:$0x3F9D]  }
0x30: {  	s3 =	sld [smem:$0x3FA0]  }
0x31: {  	[smem:$0x3FA9] =	sst s10  }
0x32: {  	s10 =	sld [smem:$0x3FA7];
	_ =	sdelay $0x3  }
0x33: {  	p0 =	seq.s32 s10, $0x1;
	s10 =	sld [smem:$0x3FA9];
	_ =	sdelay $0x3  }
0x34: {  	[smem:$0x3FA9] =	sst s10  }
0x35: {  	s10 =	sld [smem:$0x3FA8];
	_ =	sdelay $0x3  }
0x36: {  	p1 =	seq.s32 s10, $0x1;
	s10 =	sld [smem:$0x3FA9];
	_ =	sdelay $0x3  }
0x37: {  	[smem:$0x3FA9] =	sst s10  }
0x38: {  	s10 =	sld [smem:$0x3FAA]  }
0x39: {  	_ = 	snop;
	(pc) =	sbr.ind lr, $3  }
0x3a: {  	_ = 	snop  }
0x3b: {  	_ = 	snop  }
0x3c: {  	p2 =	seq.s32 s10, $0x1;
	s10 =	sld [smem:$0x3FA9]  }
0x3d: {  	_ =	shalt  }
0x3e: {  	_ =	shalt  }
0x3f: {  	_ =	shalt  }
0x40: {  	_ =	shalt  }
0x41: {  	_ =	shalt  }
0x42: {  	_ =	shalt  }
0x43: {  	_ =	shalt  }
0x44: {  	_ =	shalt  }
0x45: {  	_ =	shalt  }
0x46: {  	_ =	shalt  }
0x47: {  	_ =	shalt  }
0x48: {  	_ =	shalt  }
0x49: {  	_ =	shalt  }
0x4a: {  	_ =	shalt  }
0x4b: {  	_ =	shalt  }
0x4c: {  	_ =	shalt  }
0x4d: {  	_ =	shalt  }
0x4e: {  	_ =	shalt  }
0x4f: {  	_ =	shalt  }
0x50: {  	_ =	shalt  }
0x51: {  	_ =	shalt  }
0x52: {  	_ =	shalt  }
0x53: {  	_ =	shalt  }
0x54: {  	_ =	shalt  }
0x55: {  	_ =	shalt  }
0x56: {  	_ =	shalt  }
0x57: {  	_ =	shalt  }
0x58: {  	_ =	shalt  }
0x59: {  	_ =	shalt  }
0x5a: {  	_ =	shalt  }
0x5b: {  	_ =	shalt  }
0x5c: {  	_ =	shalt  }
0x5d: {  	_ =	shalt  }
0x5e: {  	_ =	shalt  }
0x5f: {  	_ =	shalt  }
0x60: {  	_ =	shalt  }
0x61: {  	_ =	shalt  }
0x62: {  	_ =	shalt  }
0x63: {  	_ =	shalt  }
0x64: {  	_ =	shalt  }
0x65: {  	_ =	shalt  }
0x66: {  	_ =	shalt  }
0x67: {  	_ =	shalt  }
0x68: {  	_ =	shalt  }
0x69: {  	_ =	shalt  }
0x6a: {  	_ =	shalt  }
0x6b: {  	_ =	shalt  }
0x6c: {  	_ =	shalt  }
0x6d: {  	_ =	shalt  }
0x6e: {  	_ =	shalt  }
0x6f: {  	_ =	shalt  }
0x70: {  	_ =	shalt  }
0x71: {  	_ =	shalt  }
0x72: {  	_ =	shalt  }
0x73: {  	_ =	shalt  }
0x74: {  	_ =	shalt  }
0x75: {  	_ =	shalt  }
0x76: {  	_ =	shalt  }
0x77: {  	_ =	shalt  }
0x78: {  	_ =	shalt  }
0x79: {  	_ =	shalt  }
0x7a: {  	_ =	shalt  }
0x7b: {  	_ =	shalt  }
0x7c: {  	_ =	shalt  }
0x7d: {  	_ =	shalt  }
0x7e: {  	_ =	shalt  }
0x7f: {  	_ =	shalt  }
0x80: {  	_ =	shalt  }
0x81: {  	_ =	shalt  }
0x82: {  	_ =	shalt  }
0x83: {  	_ =	shalt  }
0x84: {  	_ =	shalt  }
0x85: {  	_ =	shalt  }
0x86: {  	_ =	shalt  }
0x87: {  	_ =	shalt  }
.Lfunc_end0:
.L_simem_size_0:
called_computation.3_lowered:
.L_overlay_start_0:
0x88: {  	s2 =	sld [smem:$0x3FD9]  }
0x89: {  	s3 =	sld [smem:$0x3FFE];
	_ =	sdelay $0x1  }
0x8a: {  	s1 =	srdreg.scid  }
0x8b: {  	s0 =	sand.u32 $0x1, s1  }
0x8c: {  	s17 =	sshll.u32 s0, $0xA;
	s2 =	sadd.s32 s3, s2  }
0x8d: {  	s2 =	sadd.s32 s2, s17  }
0x8e: {  	[smem:$0x3FB5] =	sst s2  }
0x8f: {  	_ = 	snop  }
0x90: {  	(tm) =	ssettm $0x1  }
0x91: {  	s18 =	sld [smem:$0x3FFB];
	_ =	sdelay $0x3  }
0x92: {  	_ =	strace s18  }
0x93: {  	s2 =	sld [smem:$0x3FFC];
	_ =	sdelay $0x3  }
0x94: {  	_ =	strace s2  }
0x95: {  	s2 =	sld [smem:$0x3FFD];
	_ =	sdelay $0x3  }
0x96: {  	_ =	strace s2  }
0x97: {  	_ =	strace $0x8FFFFFFF  }
0x98: {  	s19 =	sld [smem:$0x3FDB];
	_ =	sdelay $0x1  }
0x99: {  	s20 =	simm.s32 $_scs_section_size  }
0x9a: {  	s4 =	simm.s32 $_size__tile_overlayer_lowered;
	s5 =	simm.s32 $_tile_overlayer_lowered  }
0x9b: {  	s6 =	simm.s32 $0x1BFF;
	s21 =	sshll.u32 s5, $0x1;
	s3 =	sadd.s32 s20, s19  }
0x9c: {  	s22 =	simm.s32 $0x0;
	s4 =	sshll.u32 s4, $0x1;
	s5 =	sadd.s32 s21, s3  }
0x9d: {  	[timem:s22], [sflag:s6] =	dma.local [hbm:s5], s4  }
0x9e: {  	_ =	swait.ge [sflag:s6], s4  }
0x9f: {  	s4 =	ssub.s32 $0x0, s4;
	[sflag:s6] =	ssyncset.done $0x0  }
0xa0: {  	[sflag:s6] =	ssyncadd.s32 s4;
	_ =	sdelay $0x1  }
0xa1: {  	s23 =	simm.s32 $0x1B8B  }
0xa2: {  	_ =	swait.ge [sflag:s23], $0x1  }
0xa3: {  	[sflag:s23] =	ssyncset.done $0x0  }
0xa4: {  	[sflag:s23] =	ssyncadd.s32 $0xFFFFFFFF  }
0xa5: {  	s4 =	sld [smem:$0x0]  }
0xa6: {  	s5 =	sand.u32 $0xFFFFFFFE, s1  }
0xa7: {  	p0 =	sne.s32 s1, s5  }
0xa8: {  	s5 =	sshll.u32 @p0 s5, $0xE  }
0xa9: {  	s5 =	sadd.s32 @p0 $0x11B8D, s5;
	s6 =	sshll.u32 @p0 s4, $0x11  }
0xaa: {  	s5 =	sor.u32 @p0 s6, s5  }
0xab: {  	[sflag:s5] =	ssyncadd.remote.s32 @p0 $0x1;
	_ =	sdelay $0x1  }
0xac: {  	s5 =	simm.s32 @p0 $0x1B8D  }
0xad: {  	_ =	swait.eq @p0 [sflag:s5], $0x1  }
0xae: {  	[sflag:s5] =	ssyncadd.s32 @p0 $0xFFFFFFFF  }
0xaf: {  	s6 =	sshll.u32 @!p0 s1, $0xE  }
0xb0: {  	s6 =	sor.u32 @!p0 $0x4000, s6;
	s5 =	simm.s32 @!p0 $0x1B8D  }
0xb1: {  	s4 =	sshll.u32 @!p0 s4, $0x11;
	s6 =	sadd.s32 @!p0 $0x11B8D, s6;
	_ =	swait.eq @!p0 [sflag:s5], $0x1  }
0xb2: {  	s4 =	sor.u32 @!p0 s4, s6;
	[sflag:s5] =	ssyncadd.s32 @!p0 $0xFFFFFFFF  }
0xb3: {  	s25 =	simm.s32 $0x1B8E;
	s24 =	sld [smem:$0x3FFE];
	[sflag:s4] =	ssyncadd.remote.s32 @!p0 $0x1  }
0xb4: {  	s26 =	simm.s32 $execute0_lowered;
	[smem:$0x3FD2] =	sst s25  }
0xb5: {  	s5 =	sshll.u32 s26, $0x1;
	_ =	strace $0x8000004C;
	[dreg:$0x1] =	wrdreg $0xFFFFFFFF  }
0xb6: {  	s28 =	simm.s32 $_size_execute0_lowered;
	s3 =	sadd.s32 s3, s5;
	[dreg:$0x0] =	wrdreg $0x0  }
0xb7: {  	s5 =	sshll.u32 s28, $0x1;
	[dreg:$0x2] =	wrdreg s3  }
0xb8: {  	[dreg:$0x3] =	wrdreg s5  }
0xb9: {  	[dreg:$0x4] =	wrdreg $0xC0  }
0xba: {  	_ =	task [dreg:s22], $0x5FFFF  }
0xbb: {  	[dreg:$0x1] =	wrdreg $0xFFFFFFFF  }
0xbc: {  	[dreg:$0x0] =	wrdreg $0x60  }
0xbd: {  	[dreg:$0x2] =	wrdreg s24  }
0xbe: {  	[dreg:$0x3] =	wrdreg $0x93000  }
0xbf: {  	[dreg:$0x4] =	wrdreg $0x1D3000  }
0xc0: {  	[dreg:$0x5] =	wrdreg $0xA  }
0xc1: {  	_ =	task.clear_ibuf [dreg:s22], $0x6FFFF;
	_ =	strace $0x9000004C  }
0xc2: {  	s29 =	simm.s32 $0xA;
	_ =	strace $0x8000004E  }
0xc3: {  	_ =	swait.ge [sflag:s29], $0x1  }
0xc4: {  	[sflag:s29] =	ssyncadd.s32 $0xFFFFFFFF  }
0xc5: {  	_ =	strace $0x9000004E  }
0xc6: {  	_ =	sfence  }
0xc7: {  	s30 =	sld [smem:$0x0];
	_ =	sdelay $0x2  }
0xc8: {  	s31 =	sshll.u32 s1, $0xD;
	s1 =	sshrl.u32 s1, $0x2  }
0xc9: {  	s4 =	sand.u32 $0x4000, s31;
	s1 =	sadd.s32 s1, s30  }
0xca: {  	s0 =	sor.u32 s4, s0;
	s1 =	sshll.u32 s1, $0x11  }
0xcb: {  	s0 =	sor.u32 s1, s0  }
0xcc: {  	s0 =	sadd.s32 $0x8F2B, s0  }
0xcd: {  	[sflag:s0] =	ssyncadd.remote.s32 $0x1  }
0xce: {  	_ =	sfence.sel $0xFFFF  }
0xcf: {  	[dreg:$0x0] =	wrdreg $0xFFFFFFFF;
	(pc) =	sbr.abs _section_cstart, $3  }
0xd0: {  	[dreg:$0x1] =	wrdreg $0xFFFFFFFF  }
0xd1: {  	_ =	task.clear_ibuf [dreg:s22], $0x2FFFF;
	_ =	strace $0x9FFFFFFF  }
0xd2: {  	(tm) =	ssettm $0x7FFFFFFF  }
0xd3: {  	_ =	shalt  }
tec
execute0_lowered:
.L_overlay_start_1:
0x0: {  	(tag) =	ssettag $0x1  }
0x1: {  	s0 =	stileid.u32  }
0x2: {  	s5 =	rddreg [dreg:$0x0];
	s4 =	smul.u32 $0x4F000, s0  }
0x3: {  	s1 =	srdreg.scid;
	s7 =	smul.u32 $0x4F00, s0  }
0x4: {  	s2 =	rddreg [dreg:$0x1];
	s20 =	smul.u32 $0x14000, s0  }
0x5: {  	s8 =	rddreg [dreg:$0x2];
	s11 =	smul.u32 $0x500, s0  }
0x6: {  	s3 =	simm.s32 $0x0;
	s18 =	simm.s32 $0x4080;
	s22 =	smul.u32 $0x50000, s0  }
0x7: {  	s6 =	sand.u32 $0x1, s1;
	s1 =	rddreg [dreg:$0x3];
	s30 =	smul.u32 $0x5000, s0  }
0x8: {  	s19 =	simm.s32 $0x400;
	[smem:$0x7FF] =	sst s3;
	s9 =	smul.u32 $0x2780, s6  }
0x9: {  	s14 =	sshrl.u32 s0, $0x3;
	s28 =	sshll.u32 s0, $0x6;
	s10 =	smul.u32 $0x140000, s6  }
0xa: {  	s29 =	sshll.u32 s0, $0x7;
	_ =	strace $0x8000004D;
	s26 =	smul.u32 $0x50000, s14  }
0xb: {  	s21 =	sshll.u32 s6, $0x7;
	s24 =	ssub.s32 $0x2, s6;
	s17 =	smul.u32 $0x27800, s6  }
0xc: {  	s12 =	sadd.s32 s4, s5;
	s4 =	sadd.s32 $0x5E00, s5;
	s25 =	sshrl.u32 s24, $0x1  }
0xd: {  	s14 =	sshrl.u32 s30, $0x2;
	s7 =	sadd.s32 s9, s7;
	s9 =	sadd.s32 s20, s10  }
0xe: {  	s10 =	sshrl.u32 s22, $0x2;
	s15 =	ssub.s32 s24, s25;
	s31 =	sadd.s32 s17, s12  }
0xf: {  	s17 =	simm.s32 $0x2;
	s20 =	simm.s32 $0x1400;
	s22 =	simm.s32 $0x6880  }
0x10: {  	s24 =	simm.s32 $0x9080;
	s25 =	simm.s32 $0x0;
	s7 =	sshrl.u32 s7, $0x3  }
0x11: {  	s9 =	sshrl.u32 s9, $0x3;
	s16 =	sadd.s32 s10, s2;
	s10 =	sand.u32 $0x380, s29  }
0x12: {  	s13 =	sadd.s32 s7, s5;
	s7 =	sor.u32 s21, s11;
	s9 =	sadd.s32 s9, s5  }
0x13: {  	s11 =	sadd.s32 $0x1487000, s31;
	s21 =	simm.s32 $0x14000;
	s7 =	sshrl.u32 s7, $0x3  }
0x14: {  	s12 =	sadd.s32 $0xFC00, s13;
	s13 =	sshrl.u32 s16, $0x3;
	s16 =	simm.s32 $0x1  }
0x15: {  	s23 =	sadd.s32 s7, s5;
	s5 =	sor.u32 $0x1C03, s28;
	s7 =	sshrl.u32 s26, $0x2  }
0x16: {  	s7 =	sadd.s32 s7, s8;
	s8 =	sadd.s32 s14, s8;
	s14 =	simm.s32 $0x3  }
0x17: {  	s6 =	sadd.s32 s10, s7;
	s7 =	sadd.s32 $0x19A00, s9;
	s9 =	sadd.s32 $0x8600, s23  }
0x18: {  	v0 =	vimm.f32 $0.0e+00;
	v1 =	vimm.f32 $1.000000000e+00;
	s10 =	smax.u32 s15, $0x1;
	s15 =	simm.s32 $0x80;
	s23 =	simm.s32 $0x100  }
.LBB2_1:
0x19: {  	[spmem:s13], [sflag:s5] =	dma.local [hbm:s4], $0x2800  }
0x1a: {  	_ =	swait.ge [sflag:s14], $0x2800  }
0x1b: {  	[sflag:s14] =	ssyncset.done $0x0  }
0x1c: {  	s26 =	simm.s32 $0x40;
	s28 =	simm.s32 $0x0;
	[sflag:s14] =	ssyncadd.s32 $0xFFFFD800  }
.LBB2_2:
0x1d: {  	p0 =	sne.s32 s26, $0x9FC0;
	[tilespmem:s28+$0x4080] =	vst v0;
	s28 =	smov.u32 s26;
	s26 =	sadd.s32 $0x40, s26  }
.Ltmp0:
0x1e: {  	(pc) =	sbr.rel @p0 .LBB2_2-.Ltmp0, $2  }
0x1f: {  	_ =	sdelay $0x2  }
0x20: {  	s28 =	sshra.s32 s28, $0x2  }
0x21: {  	[tilespmem:s28+$0x4080] =	vst v0  }
0x22: {  	s26 =	simm.s32 $0x0;
	s28 =	smov.u32 s11;
	[bflag:$0x0] =	sbarrier.arrive $0xFFFF  }
.LBB2_4:
0x23: {  	s29 =	sadd.s32 s26, s12  }
0x24: {  	[tilespmem:s3], [sflag:$0x1] =	stream.linear.gather [hbm4b:s29+s3], $0x80, $0x38;
	[tilespmem:$0x1FB00] =	vst v63  }
0x25: {  	_ = 	snop  }
0x26: {  	[tilespmem:s15], [sflag:$0x2] =	stream.linear.gather [hbm4b:s28+s3], $0x4000, $0x38;
	[tilespmem:$0x1FB00] =	vst v63  }
0x27: {  	_ =	swait.ge [sflag:s16], $0x80  }
0x28: {  	[sflag:s16] =	ssyncset.done $0x0  }
0x29: {  	[sflag:s16] =	ssyncadd.s32 $0xFFFFFF80  }
0x2a: {  	_ =	swait.ge [sflag:s17], $0x4000  }
0x2b: {  	[sflag:s17] =	ssyncset.done $0x0  }
0x2c: {  	[sflag:s17] =	ssyncadd.s32 $0xFFFFC000  }
0x2d: {  	[spmem:s2] =	stream.indirect.scatter.add.f32 [tilespmem:s15], [sflag:$0x3], $0x80, s3, s15, $0xb8;
	[tilespmem:$0x1FB00] =	vst v63  }
0x2e: {  	_ =	swait.ge [sflag:s14], $0x4000  }
0x2f: {  	[sflag:s14] =	ssyncset.done $0x0  }
0x30: {  	[sflag:s14] =	ssyncadd.s32 $0xFFFFC000  }
0x31: {  	v2 =	vld [tilespmem:$0x0];
	_ =	sdelay $0x7  }
0x32: {  	[tilespmem:v2+s18+$0x0] =	vst.idx.add.f32.msk $0xffff, v1  }
0x33: {  	v2 =	vld [tilespmem:$0x10];
	_ =	sdelay $0x7  }
0x34: {  	[tilespmem:v2+s18+$0x0] =	vst.idx.add.f32.msk $0xffff, v1  }
0x35: {  	v2 =	vld [tilespmem:$0x20];
	_ =	sdelay $0x7  }
0x36: {  	[tilespmem:v2+s18+$0x0] =	vst.idx.add.f32.msk $0xffff, v1  }
0x37: {  	v2 =	vld [tilespmem:$0x30];
	_ =	sdelay $0x7  }
0x38: {  	[tilespmem:v2+s18+$0x0] =	vst.idx.add.f32.msk $0xffff, v1  }
0x39: {  	v2 =	vld [tilespmem:$0x40];
	_ =	sdelay $0x7  }
0x3a: {  	[tilespmem:v2+s18+$0x0] =	vst.idx.add.f32.msk $0xffff, v1  }
0x3b: {  	v2 =	vld [tilespmem:$0x50];
	_ =	sdelay $0x7  }
0x3c: {  	[tilespmem:v2+s18+$0x0] =	vst.idx.add.f32.msk $0xffff, v1  }
0x3d: {  	v2 =	vld [tilespmem:$0x60];
	_ =	sdelay $0x7  }
0x3e: {  	[tilespmem:v2+s18+$0x0] =	vst.idx.add.f32.msk $0xffff, v1  }
0x3f: {  	v2 =	vld [tilespmem:$0x70];
	_ =	sdelay $0x2  }
0x40: {  	p0 =	sne.s32 s26, $0x4E0  }
.Ltmp1:
0x41: {  	_ = 	snop;
	(pc) =	sbr.rel @p0 .LBB2_4-.Ltmp1, $2  }
0x42: {  	_ =	sdelay $0x2  }
0x43: {  	s26 =	sadd.s32 $0x10, s26;
	s28 =	sadd.s32 $0x800, s28;
	[tilespmem:v2+s18+$0x0] =	vst.idx.add.f32.msk $0xffff, v1  }
0x44: {  	[spmem:s6] =	stream.strided.scatter [tilespmem:s18], [sflag:$0x3], $0x2800, s19, s15, $0x38;
	[tilespmem:$0x1FB00] =	vst v63  }
0x45: {  	_ =	swait.ge [sflag:s14], $0x2800  }
0x46: {  	[sflag:s14] =	ssyncset.done $0x0  }
0x47: {  	[sflag:s14] =	ssyncadd.s32 $0xFFFFD800  }
0x48: {  	[bflag:$0x0] =	sbarrier.arrive $0xFFFF  }
0x49: {  	[hbm:s7], [sflag:s5] =	dma.local [spmem:s13], $0x2800  }
0x4a: {  	_ =	swait.ge [sflag:s14], $0x2800  }
0x4b: {  	[sflag:s14] =	ssyncset.done $0x0  }
0x4c: {  	[sflag:s14] =	ssyncadd.s32 $0xFFFFD800  }
0x4d: {  	[tilespmem:s22], [sflag:$0x3] =	stream.strided.gather [spmem:s8], $0x2800, s21, s20, $0x38;
	[tilespmem:$0x1FB00] =	vst v63  }
0x4e: {  	s26 =	simm.s32 $0x0;
	_ =	swait.ge [sflag:s14], $0x2800  }
0x4f: {  	s28 =	sand.u32 $0x70, s26;
	s26 =	sand.u32 $0x1C00, s26;
	[sflag:s14] =	ssyncset.done $0x0  }
0x50: {  	s26 =	sor.u32 s28, s26;
	[sflag:s14] =	ssyncadd.s32 $0xFFFFD800  }
0x51: {  	v2 =	vld [tilespmem:s26+$0x6880];
	_ =	sdelay $0x1  }
0x52: {  	v3 =	vld [tilespmem:s26+$0x6900];
	_ =	sdelay $0x1  }
0x53: {  	v4 =	vld [tilespmem:s26+$0x6980]  }
0x54: {  	v2 =	vadd.f32 $0.0e+00, v2  }
0x55: {  	v5 =	vld [tilespmem:s26+$0x6A00]  }
0x56: {  	v2 =	vadd.f32 v3, v2  }
0x57: {  	v3 =	vld [tilespmem:s26+$0x6A80]  }
0x58: {  	v2 =	vadd.f32 v4, v2  }
0x59: {  	v56 =	vld [tilespmem:s26+$0x6B00]  }
0x5a: {  	v2 =	vadd.f32 v5, v2  }
0x5b: {  	v57 =	vld [tilespmem:s26+$0x6B80]  }
0x5c: {  	v2 =	vadd.f32 v3, v2  }
0x5d: {  	v3 =	vld [tilespmem:s26+$0x6C00]  }
0x5e: {  	v2 =	vadd.f32 v56, v2  }
0x5f: {  	v58 =	vld [tilespmem:s26+$0x7C80]  }
0x60: {  	v2 =	vadd.f32 v57, v2  }
0x61: {  	v59 =	vld [tilespmem:s26+$0x7D00]  }
0x62: {  	v2 =	vadd.f32 v3, v2  }
0x63: {  	v3 =	vld [tilespmem:s26+$0x7D80]  }
0x64: {  	v2 =	vadd.f32 v58, v2  }
0x65: {  	v60 =	vld [tilespmem:s26+$0x7E00]  }
0x66: {  	v2 =	vadd.f32 v59, v2  }
0x67: {  	v61 =	vld [tilespmem:s26+$0x7E80]  }
0x68: {  	v2 =	vadd.f32 v3, v2  }
0x69: {  	v3 =	vld [tilespmem:s26+$0x7F00]  }
0x6a: {  	v2 =	vadd.f32 v60, v2  }
0x6b: {  	v62 =	vld [tilespmem:s26+$0x7F80]  }
0x6c: {  	v2 =	vadd.f32 v61, v2  }
0x6d: {  	v63 =	vld [tilespmem:s26+$0x8000]  }
0x6e: {  	v2 =	vadd.f32 v3, v2;
	_ =	sdelay $0x1  }
0x6f: {  	v2 =	vadd.f32 v62, v2  }
0x70: {  	s29 =	simm.s32 $0x10  }
0x71: {  	s30 =	sand.u32 $0x70, s29;
	s28 =	simm.s32 $0x80;
	v2 =	vadd.f32 v63, v2  }
0x72: {  	s29 =	simm.s32 $0x20;
	s31 =	sand.u32 $0x1C00, s28;
	s26 =	simm.s32 $0x9080  }
.LBB2_6:
0x73: {  	p0 =	sne.s32 s29, $0x270;
	s30 =	sor.u32 s30, s31;
	[tilespmem:s26+$0x0] =	vst v2  }
0x74: {  	v2 =	vld [tilespmem:s30+$0x6880];
	_ =	sdelay $0x1  }
0x75: {  	v3 =	vld [tilespmem:s30+$0x6900];
	_ =	sdelay $0x1  }
0x76: {  	v4 =	vld [tilespmem:s30+$0x6980]  }
0x77: {  	v2 =	vadd.f32 $0.0e+00, v2  }
0x78: {  	v5 =	vld [tilespmem:s30+$0x6A00]  }
0x79: {  	v2 =	vadd.f32 v3, v2  }
0x7a: {  	v3 =	vld [tilespmem:s30+$0x6A80]  }
0x7b: {  	v2 =	vadd.f32 v4, v2  }
0x7c: {  	v4 =	vld [tilespmem:s30+$0x6B00]  }
0x7d: {  	v2 =	vadd.f32 v5, v2  }
0x7e: {  	v5 =	vld [tilespmem:s30+$0x6B80]  }
0x7f: {  	v2 =	vadd.f32 v3, v2  }
0x80: {  	v3 =	vld [tilespmem:s30+$0x6C00]  }
0x81: {  	v2 =	vadd.f32 v4, v2  }
0x82: {  	v4 =	vld [tilespmem:s30+$0x7C80]  }
0x83: {  	v2 =	vadd.f32 v5, v2  }
0x84: {  	v5 =	vld [tilespmem:s30+$0x7D00]  }
0x85: {  	v2 =	vadd.f32 v3, v2  }
0x86: {  	v3 =	vld [tilespmem:s30+$0x7D80]  }
0x87: {  	v2 =	vadd.f32 v4, v2  }
0x88: {  	v4 =	vld [tilespmem:s30+$0x7E00]  }
0x89: {  	v2 =	vadd.f32 v5, v2  }
0x8a: {  	v5 =	vld [tilespmem:s30+$0x7E80]  }
0x8b: {  	v2 =	vadd.f32 v3, v2  }
0x8c: {  	v3 =	vld [tilespmem:s30+$0x7F00]  }
0x8d: {  	v2 =	vadd.f32 v4, v2  }
0x8e: {  	v4 =	vld [tilespmem:s30+$0x7F80]  }
0x8f: {  	v2 =	vadd.f32 v5, v2  }
0x90: {  	v5 =	vld [tilespmem:s30+$0x8000]  }
0x91: {  	v2 =	vadd.f32 v3, v2  }
.Ltmp2:
0x92: {  	(pc) =	sbr.rel @p0 .LBB2_6-.Ltmp2, $3  }
0x93: {  	v2 =	vadd.f32 v4, v2;
	_ =	sdelay $0x1  }
0x94: {  	s28 =	sadd.s32 $0x80, s28;
	s26 =	sadd.s32 $0x10, s26;
	v2 =	vadd.f32 v5, v2  }
0x95: {  	s31 =	sand.u32 $0x1C00, s28;
	s30 =	sand.u32 $0x70, s29;
	s29 =	sadd.s32 $0x10, s29  }
0x96: {  	s28 =	sor.u32 s30, s31;
	[tilespmem:s26+$0x0] =	vst v2  }
0x97: {  	v2 =	vld [tilespmem:s28+$0x6880];
	_ =	sdelay $0x1  }
0x98: {  	v3 =	vld [tilespmem:s28+$0x6900];
	_ =	sdelay $0x1  }
0x99: {  	v4 =	vld [tilespmem:s28+$0x6980]  }
0x9a: {  	v2 =	vadd.f32 $0.0e+00, v2  }
0x9b: {  	v5 =	vld [tilespmem:s28+$0x6A00]  }
0x9c: {  	v2 =	vadd.f32 v3, v2  }
0x9d: {  	v3 =	vld [tilespmem:s28+$0x6A80]  }
0x9e: {  	v2 =	vadd.f32 v4, v2  }
0x9f: {  	v56 =	vld [tilespmem:s28+$0x6B00]  }
0xa0: {  	v2 =	vadd.f32 v5, v2  }
0xa1: {  	v57 =	vld [tilespmem:s28+$0x6B80]  }
0xa2: {  	v2 =	vadd.f32 v3, v2  }
0xa3: {  	v3 =	vld [tilespmem:s28+$0x6C00]  }
0xa4: {  	v2 =	vadd.f32 v56, v2  }
0xa5: {  	v58 =	vld [tilespmem:s28+$0x7C80]  }
0xa6: {  	v2 =	vadd.f32 v57, v2  }
0xa7: {  	v59 =	vld [tilespmem:s28+$0x7D00]  }
0xa8: {  	v2 =	vadd.f32 v3, v2  }
0xa9: {  	v3 =	vld [tilespmem:s28+$0x7D80]  }
0xaa: {  	v2 =	vadd.f32 v58, v2  }
0xab: {  	v60 =	vld [tilespmem:s28+$0x7E00]  }
0xac: {  	v2 =	vadd.f32 v59, v2  }
0xad: {  	v61 =	vld [tilespmem:s28+$0x7E80]  }
0xae: {  	v2 =	vadd.f32 v3, v2  }
0xaf: {  	v3 =	vld [tilespmem:s28+$0x7F00]  }
0xb0: {  	v2 =	vadd.f32 v60, v2  }
0xb1: {  	v62 =	vld [tilespmem:s28+$0x7F80]  }
0xb2: {  	v2 =	vadd.f32 v61, v2  }
0xb3: {  	v63 =	vld [tilespmem:s28+$0x8000]  }
0xb4: {  	v2 =	vadd.f32 v3, v2;
	_ =	sdelay $0x1  }
0xb5: {  	v2 =	vadd.f32 v62, v2;
	_ =	sdelay $0x1  }
0xb6: {  	s25 =	sadd.s32 $0x1, s25;
	v2 =	vadd.f32 v63, v2  }
0xb7: {  	s31 =	sadd.s32 $0x10, s26;
	p0 =	sne.s32 s25, s10  }
.Ltmp3:
0xb8: {  	[tilespmem:s31+$0x0] =	vst v2;
	(pc) =	sbr.rel @p0 .LBB2_1-.Ltmp3, $4  }
0xb9: {  	[hbm4b:s9+s15] =	stream.strided.scatter [tilespmem:s24], [sflag:$0x3], $0x280, s23, s15, $0x38;
	[tilespmem:$0x1FB00] =	vst v63  }
0xba: {  	_ =	swait.ge [sflag:s14], $0x280  }
0xbb: {  	[sflag:s14] =	ssyncset.done $0x0  }
0xbc: {  	[sflag:s14] =	ssyncadd.s32 $0xFFFFFD80  }
0xbd: {  	_ =	sfence.sel $0x180000  }
0xbe: {  	[bflag:$0x0] =	sbarrier.arrive $0xFFFF  }
0xbf: {  	p0 =	sne.s32 s0, $0x0;
	_ =	strace $0x9000004D  }
0xc0: {  	s0 =	sadd.s32 @!p0 $0x100000, s1;
	[bflag:$0x2] =	sbarrier.arrive $0xFFFF  }
0xc1: {  	[sflag:s0] =	ssyncadd.tile.s32 @!p0 $0x1;
	_ =	shalt  }
.Lfunc_end2:
_tile_overlayer_lowered:
.L_overlay_start_2:
0xc2: {  	(tag) =	ssettag $0x2  }
0xc3: {  	s0 =	rddreg [dreg:$0x0];
	s2 =	stileid.u32  }
0xc4: {  	s1 =	rddreg [dreg:$0x1];
	p0 =	sne.s32 s2, $0x0  }
0xc5: {  	s3 =	rddreg [dreg:$0x2];
	[bflag:$0x3] =	sbarrier.arrive $0xFFFF;
	s2 =	simm.s32 @!p0 $0x1C03  }
0xc6: {  	[timem:s3], [sflag:s2] =	dma.local @!p0 [hbm:s0], s1  }
0xc7: {  	s0 =	simm.s32 @!p0 $0x3  }
0xc8: {  	_ =	swait.ge @!p0 [sflag:s0], s1  }
0xc9: {  	s1 =	ssub.s32 @!p0 $0x0, s1;
	[sflag:s0] =	ssyncset.done @!p0 $0x0  }
0xca: {  	[sflag:s0] =	ssyncadd.s32 @!p0 s1  }
0xcb: {  	[bflag:$0x3] =	sbarrier.arrive $0xFFFF  }
0xcc: {  	_ =	shalt  }

</sc_bundles>
